<compile_context>
chip_gen: v7x
topology: tpu7x:2x2x1
jax: 0.10.2.dev20260603
libtpu: 0.0.44.dev20260713+nightly
codegen_flags: <defaults>
</compile_context>

<pallas_src>
import functools

import jax
import jax.numpy as jnp
from jax import lax
from jax.experimental import pallas as pl
from jax.experimental.pallas import tpu as pltpu
from jax.experimental.pallas import tpu_sc as plsc

_VOCAB = 1000000
_D = 64
_SCALE = float(_D) ** 0.5

_NC = 2
_NS = 16
_NW = _NC * _NS

_BATCH = 16384
_SEQ = 50
_B = _BATCH * _SEQ
_C = 128
_NCHUNK_TOT = _B // _C
_PER_W = _NCHUNK_TOT // _NW
_NB = 4
_IT = _BATCH // _C
_ROWS_PER_J = (_D // 8) * _IT * 8


_NBLK = 3906


def _pack_body(tt_hbm, tail_hbm, out_hbm, a_v, b_v, tp_v, *sems):
    isems, osems = sems
    c = lax.axis_index("c")
    s = lax.axis_index("s")
    wid = s * _NC + c
    lane = lax.iota(jnp.int32, 16)
    xors = [jnp.bitwise_xor(lane, k) for k in range(16)]

    extra = jnp.where(wid < _NBLK - 122 * _NW, wid, _NBLK - 122 * _NW)
    start = wid * 122 + extra
    count = 122 + jnp.where(wid < _NBLK - 122 * _NW, 1, 0)

    def issue_in(g, r):
        pltpu.async_copy(tt_hbm.at[:, pl.ds(g * 256, 128)], a_v.at[r], isems.at[r])
        pltpu.async_copy(
            tt_hbm.at[:, pl.ds(g * 256 + 128, 128)], b_v.at[r], isems.at[r]
        )

    def wait_in(r):
        pltpu.make_async_copy(
            tt_hbm.at[:, pl.ds(0, 128)], a_v.at[r], isems.at[r]
        ).wait()
        pltpu.make_async_copy(
            tt_hbm.at[:, pl.ds(0, 128)], b_v.at[r], isems.at[r]
        ).wait()

    def transpose(r):
        @plsc.parallel_loop(0, 32, 1)
        def _(t):
            ob = lax.shift_right_logical(t, 2)
            cb = lax.bitwise_and(t, 3) * 16
            lo = ob * 16 + lane
            for k in range(16):
                cr = xors[k] + cb
                va = plsc.load_gather(a_v.at[r], [cr, lo])
                plsc.store_scatter(tp_v.at[r], [lo, cr], va)
                vb = plsc.load_gather(b_v.at[r], [cr, lo])
                plsc.store_scatter(tp_v.at[r], [lo, cr + _D], vb)

    def issue_out(g, r):
        pltpu.async_copy(tp_v.at[r], out_hbm.at[pl.ds(g * 128, 128)], osems.at[r])

    def wait_out(r):
        pltpu.make_async_copy(
            tp_v.at[r], out_hbm.at[pl.ds(0, 128)], osems.at[r]
        ).wait()

    issue_in(start, 0)

    @pl.when(count > 1)
    def _():
        issue_in(start + 1, 1)

    def blk(i, carry):
        r = lax.rem(i, 2)

        @pl.when(i >= 2)
        def _():
            wait_out(r)

        wait_in(r)
        transpose(r)
        issue_out(start + i, r)

        @pl.when(i + 2 < count)
        def _():
            issue_in(start + i + 2, r)

        return carry

    lax.fori_loop(0, count, blk, 0)
    wait_out(lax.rem(count - 1, 2))

    @pl.when(count > 1)
    def _():
        wait_out(lax.rem(count, 2))

    @pl.when(wid == 0)
    def _():
        pltpu.sync_copy(tail_hbm, out_hbm.at[pl.ds(_NBLK * 128, _D)])


@jax.jit
def _pack(tt, tail2):
    mesh = plsc.VectorSubcoreMesh(core_axis_name="c", subcore_axis_name="s")
    k = functools.partial(
        pl.kernel,
        out_type=jax.ShapeDtypeStruct((_NBLK * 128 + _D, 128), jnp.float32),
        mesh=mesh,
        scratch_types=[
            pltpu.VMEM((2, _D, 128), jnp.float32),
            pltpu.VMEM((2, _D, 128), jnp.float32),
            pltpu.VMEM((2, 128, 128), jnp.float32),
            pltpu.SemaphoreType.DMA((2,)),
            pltpu.SemaphoreType.DMA((2,)),
        ],
        compiler_params=pltpu.CompilerParams(
            use_tc_tiling_on_sc=True, needs_layout_passes=False
        ),
    )(_pack_body)
    return k(tt, tail2)


def _sc_body(table_hbm, idx_hbm, out_hbm, idx_v, u_v, rows_v, tb_v, *sems):
    gsems = sems[:_NB]
    osems = sems[_NB:]

    c = lax.axis_index("c")
    s = lax.axis_index("s")
    wid = s * _NC + c
    d0 = wid * _PER_W

    pltpu.sync_copy(idx_hbm.at[pl.ds(d0, _PER_W)], idx_v)

    lane = lax.iota(jnp.int32, 16)
    xors = [jnp.bitwise_xor(lane, k) for k in range(16)]

    def issue_gather(m, b):
        @plsc.parallel_loop(0, _C // 16, 1)
        def _(h):
            sl = pl.ds(h * 16, 16)
            raw = idx_v[m, sl]
            u_v[b, sl] = (
                lax.shift_left(lax.shift_right_logical(raw, 8), 7)
                + lax.bitwise_and(raw, 127)
            )

        pltpu.async_copy(table_hbm.at[u_v.at[b]], rows_v.at[b], gsems[b])

    def drain_gather(b):
        pltpu.make_async_copy(
            table_hbm.at[pl.ds(0, _C)], rows_v.at[b], gsems[b]
        ).wait()

    def transcale(m, b):
        @plsc.parallel_loop(0, (_C // 16) * (_D // 16), 1)
        def _(t):
            h = lax.shift_right_logical(t, 2)
            cb = lax.bitwise_and(t, (_D // 16) - 1) * 16
            raw = idx_v[m, pl.ds(h * 16, 16)]
            par = lax.shift_left(
                lax.bitwise_and(lax.shift_right_logical(raw, 7), 1), 6
            )
            li = lane + h * 16
            for k in range(16):
                crow = xors[k] + cb
                vals = plsc.load_gather(rows_v.at[b], [li, crow + par])
                plsc.store_scatter(tb_v.at[b], [crow, li], vals * _SCALE)

    def issue_out(m, b):
        d = d0 + m
        base = (
            lax.shift_right_logical(d, 7) * _ROWS_PER_J
            + lax.bitwise_and(d, _IT - 1) * 8
        )
        for tr in range(_D // 8):
            pltpu.async_copy(
                tb_v.at[b].at[pl.ds(tr * 8, 8)],
                out_hbm.at[pl.ds(base + tr * (_IT * 8), 8)],
                osems[b],
            )

    def drain_out(b):
        pltpu.make_async_copy(
            tb_v.at[b], out_hbm.at[pl.ds(0, _D)], osems[b]
        ).wait()

    for b in range(_NB):
        issue_gather(jnp.int32(b), b)

    for b in range(_NB):
        m = jnp.int32(b)
        drain_gather(b)
        transcale(m, b)
        issue_out(m, b)
        issue_gather(m + _NB, b)

    def outer(o, carry):
        for b in range(_NB):
            m = o * _NB + b
            drain_out(b)
            drain_gather(b)
            transcale(m, b)
            issue_out(m, b)
            issue_gather(m + _NB, b)
        return carry

    lax.fori_loop(1, _PER_W // _NB - 1, outer, 0)

    for b in range(_NB):
        m = jnp.int32(_PER_W - _NB + b)
        drain_out(b)
        drain_gather(b)
        transcale(m, b)
        issue_out(m, b)
    for b in range(_NB):
        drain_out(b)


@jax.jit
def _embed(table2, idx2d):
    mesh = plsc.VectorSubcoreMesh(core_axis_name="c", subcore_axis_name="s")
    k = functools.partial(
        pl.kernel,
        out_type=jax.ShapeDtypeStruct((_SEQ * _ROWS_PER_J, _C), jnp.float32),
        mesh=mesh,
        scratch_types=[
            pltpu.VMEM((_PER_W, _C), jnp.int32),
            pltpu.VMEM((_NB, _C), jnp.int32),
            pltpu.VMEM((_NB, _C, _C), jnp.float32),
            pltpu.VMEM((_NB, _D, _C), jnp.float32),
        ]
        + [pltpu.SemaphoreType.DMA] * (2 * _NB),
        compiler_params=pltpu.CompilerParams(
            use_tc_tiling_on_sc=False, needs_layout_passes=False
        ),
    )(_sc_body)
    return k(table2, idx2d)


def kernel(xb, table):
    tail2 = jnp.pad(
        lax.slice(table, (_NBLK * 256, 0), (_VOCAB, _D)), ((0, 0), (0, _D))
    )
    table2 = _pack(jnp.transpose(table), tail2)
    idx2d = jnp.transpose(xb).astype(jnp.int32).reshape(_NCHUNK_TOT, _C)
    flat = _embed(table2, idx2d)
    a = flat.reshape(_SEQ, _D // 8, _IT, 8, _C)
    return a.transpose(2, 4, 0, 1, 3).reshape(_BATCH, _SEQ, _D)

# --- scband reference (transcript-rebuilt; emitter-appended) ---
"""Pipeline reference for scband-input-embedding-25958782337680 (READ-ONLY COPY).

The authoritative reference and input builder live on the scoring server;
editing this copy changes nothing except your own understanding.
"""

import jax, jax.numpy as jnp
import numpy as np

VOCAB = 1000000
MODEL_D = 64

def setup_inputs(seed: int = 0) -> dict:
    key = jax.random.key(seed)
    k1, k2 = jax.random.split(key)
    xb = jax.random.randint(k1, (16384, 50), 0, VOCAB, dtype=jnp.int64) if jax.config.jax_enable_x64 else jax.random.randint(k1, (16384, 50), 0, VOCAB, dtype=jnp.int32)
    table = jax.random.normal(k2, (VOCAB, MODEL_D), dtype=jnp.float32)
    return {"xb": xb, "table": table}

def reference(xb, table):
    emb = jnp.take(table, xb, axis=0)
    return emb * (MODEL_D ** 0.5)

if __name__ == "__main__":
    import jax
    _d = setup_inputs()
    print(jax.jit(kernel)(*tuple(_d.values())))

</pallas_src>

<mosaic_0001>
#map = affine_map<(d0, d1) -> (0, 0)>
module attributes {stable_mosaic.version = 14 : i64} {
  func.func @_pack_body(%arg0: i32, %arg1: i32, %arg2: memref<64x1000000xf32, #tpu.memory_space<hbm>>, %arg3: memref<64x128xf32, #tpu.memory_space<hbm>>, %arg4: memref<500032x128xf32, #tpu.memory_space<hbm>>, %arg5: memref<2x64x128xf32, #tpu.memory_space<vmem>>, %arg6: memref<2x64x128xf32, #tpu.memory_space<vmem>>, %arg7: memref<2x128x128xf32, #tpu.memory_space<vmem>>, %arg8: memref<2x!tpu.dma_semaphore, #tpu.memory_space<semaphore_mem>>, %arg9: memref<2x!tpu.dma_semaphore, #tpu.memory_space<semaphore_mem>>) attributes {dimension_semantics = [#tpu.dimension_semantics<core_parallel>, #tpu.dimension_semantics<subcore_parallel>], iteration_bounds = array<i64: 2, 16>, scalar_prefetch = 0 : i64, scratch_operands = 5 : i64, tpu.core_type = #tpu.core_type<sc_vector_subcore>, window_params = [{transform_indices = #map}, {transform_indices = #map}, {transform_indices = #map}]} {
    %mul3A = arith.constant 2 : i32
    %mul3A_0 = arith.muli %arg1, %mul3A : i32
    %add3A = arith.addi %mul3A_0, %arg0 : i32
    %iota3A = tpu.iota {dimensions = array<i32: 0>} : vector<16xi32>
    %xor3A = arith.constant 0 : i32
    %xor3A_1 = vector.broadcast %xor3A : i32 to vector<16xi32>
    %xor3A_2 = arith.xori %iota3A, %xor3A_1 : vector<16xi32>
    %xor3A_3 = arith.constant 1 : i32
    %xor3A_4 = vector.broadcast %xor3A_3 : i32 to vector<16xi32>
    %xor3A_5 = arith.xori %iota3A, %xor3A_4 : vector<16xi32>
    %xor3A_6 = arith.constant 2 : i32
    %xor3A_7 = vector.broadcast %xor3A_6 : i32 to vector<16xi32>
    %xor3A_8 = arith.xori %iota3A, %xor3A_7 : vector<16xi32>
    %xor3A_9 = arith.constant 3 : i32
    %xor3A_10 = vector.broadcast %xor3A_9 : i32 to vector<16xi32>
    %xor3A_11 = arith.xori %iota3A, %xor3A_10 : vector<16xi32>
    %xor3A_12 = arith.constant 4 : i32
    %xor3A_13 = vector.broadcast %xor3A_12 : i32 to vector<16xi32>
    %xor3A_14 = arith.xori %iota3A, %xor3A_13 : vector<16xi32>
    %xor3A_15 = arith.constant 5 : i32
    %xor3A_16 = vector.broadcast %xor3A_15 : i32 to vector<16xi32>
    %xor3A_17 = arith.xori %iota3A, %xor3A_16 : vector<16xi32>
    %xor3A_18 = arith.constant 6 : i32
    %xor3A_19 = vector.broadcast %xor3A_18 : i32 to vector<16xi32>
    %xor3A_20 = arith.xori %iota3A, %xor3A_19 : vector<16xi32>
    %xor3A_21 = arith.constant 7 : i32
    %xor3A_22 = vector.broadcast %xor3A_21 : i32 to vector<16xi32>
    %xor3A_23 = arith.xori %iota3A, %xor3A_22 : vector<16xi32>
    %xor3A_24 = arith.constant 8 : i32
    %xor3A_25 = vector.broadcast %xor3A_24 : i32 to vector<16xi32>
    %xor3A_26 = arith.xori %iota3A, %xor3A_25 : vector<16xi32>
    %xor3A_27 = arith.constant 9 : i32
    %xor3A_28 = vector.broadcast %xor3A_27 : i32 to vector<16xi32>
    %xor3A_29 = arith.xori %iota3A, %xor3A_28 : vector<16xi32>
    %xor3A_30 = arith.constant 10 : i32
    %xor3A_31 = vector.broadcast %xor3A_30 : i32 to vector<16xi32>
    %xor3A_32 = arith.xori %iota3A, %xor3A_31 : vector<16xi32>
    %xor3A_33 = arith.constant 11 : i32
    %xor3A_34 = vector.broadcast %xor3A_33 : i32 to vector<16xi32>
    %xor3A_35 = arith.xori %iota3A, %xor3A_34 : vector<16xi32>
    %xor3A_36 = arith.constant 12 : i32
    %xor3A_37 = vector.broadcast %xor3A_36 : i32 to vector<16xi32>
    %xor3A_38 = arith.xori %iota3A, %xor3A_37 : vector<16xi32>
    %xor3A_39 = arith.constant 13 : i32
    %xor3A_40 = vector.broadcast %xor3A_39 : i32 to vector<16xi32>
    %xor3A_41 = arith.xori %iota3A, %xor3A_40 : vector<16xi32>
    %xor3A_42 = arith.constant 14 : i32
    %xor3A_43 = vector.broadcast %xor3A_42 : i32 to vector<16xi32>
    %xor3A_44 = arith.xori %iota3A, %xor3A_43 : vector<16xi32>
    %xor3A_45 = arith.constant 15 : i32
    %xor3A_46 = vector.broadcast %xor3A_45 : i32 to vector<16xi32>
    %xor3A_47 = arith.xori %iota3A, %xor3A_46 : vector<16xi32>
    %lt3A = arith.constant 2 : i32
    %lt3A_48 = arith.cmpi slt, %add3A, %lt3A : i32
    %jit3A = arith.constant 2 : i32
    %select_n3A = arith.select %lt3A_48, %add3A, %jit3A : i32
    %mul3A_49 = arith.constant 122 : i32
    %mul3A_50 = arith.muli %add3A, %mul3A_49 : i32
    %add3A_51 = arith.addi %mul3A_50, %select_n3A : i32
    %lt3A_52 = arith.constant 2 : i32
    %lt3A_53 = arith.cmpi slt, %add3A, %lt3A_52 : i32
    %jit3A_54 = arith.constant 1 : i32
    %jit3A_55 = arith.constant 0 : i32
    %select_n3A_56 = arith.select %lt3A_53, %jit3A_54, %jit3A_55 : i32
    %add3A_57 = arith.constant 122 : i32
    %add3A_58 = arith.addi %add3A_57, %select_n3A_56 : i32
    %mul3A_59 = arith.constant 256 : i32
    %mul3A_60 = arith.muli %add3A_51, %mul3A_59 : i32
    %dma_start3A = arith.constant 0 : i32
    %dma_start3A_61 = arith.constant 0 : i32
    %dma_start3A_62 = arith.constant 0 : i32
    %dma_start3A_63 = arith.constant 0 : i32
    %dma_start3A_64 = tpu.memref_slice %arg5[%dma_start3A, %dma_start3A_62, %dma_start3A_63] : memref<2x64x128xf32, #tpu.memory_space<vmem>> -> memref<1x64x128xf32, #tpu.memory_space<vmem>>
    %dma_start3A_65 = tpu.memref_squeeze %dma_start3A_64 : memref<1x64x128xf32, #tpu.memory_space<vmem>> -> memref<64x128xf32, #tpu.memory_space<vmem>>
    %dma_start3A_66 = arith.constant 0 : i32
    %dma_start3A_67 = tpu.memref_slice %arg2[%dma_start3A_66, %mul3A_60] : memref<64x1000000xf32, #tpu.memory_space<hbm>> -> memref<64x128xf32, #tpu.memory_space<hbm>>
    %dma_start3A_68 = tpu.memref_slice %arg8[%dma_start3A_61] : memref<2x!tpu.dma_semaphore, #tpu.memory_space<semaphore_mem>> -> memref<1x!tpu.dma_semaphore, #tpu.memory_space<semaphore_mem>>
    %dma_start3A_69 = tpu.memref_squeeze %dma_start3A_68 : memref<1x!tpu.dma_semaphore, #tpu.memory_space<semaphore_mem>> -> memref<!tpu.dma_semaphore, #tpu.memory_space<semaphore_mem>>
    %dma_start3A_70 = arith.constant 0 : i32
    %dma_start3A_71 = arith.constant 0 : i32
    %dma_start3A_72 = tpu.memref_slice %arg5[%dma_start3A, %dma_start3A_70, %dma_start3A_71] : memref<2x64x128xf32, #tpu.memory_space<vmem>> -> memref<1x64x128xf32, #tpu.memory_space<vmem>>
    %dma_start3A_73 = tpu.memref_squeeze %dma_start3A_72 : memref<1x64x128xf32, #tpu.memory_space<vmem>> -> memref<64x128xf32, #tpu.memory_space<vmem>>
    %dma_start3A_74 = arith.constant 0 : i32
    %dma_start3A_75 = tpu.memref_slice %arg2[%dma_start3A_74, %mul3A_60] : memref<64x1000000xf32, #tpu.memory_space<hbm>> -> memref<64x128xf32, #tpu.memory_space<hbm>>
    tpu.enqueue_dma source(%dma_start3A_75 : memref<64x128xf32, #tpu.memory_space<hbm>>) target(%dma_start3A_73 : memref<64x128xf32, #tpu.memory_space<vmem>>) target_semaphore(%dma_start3A_69 : memref<!tpu.dma_semaphore, #tpu.memory_space<semaphore_mem>>)
    %mul3A_76 = arith.constant 256 : i32
    %mul3A_77 = arith.muli %add3A_51, %mul3A_76 : i32
    %add3A_78 = arith.constant 128 : i32
    %add3A_79 = arith.addi %mul3A_77, %add3A_78 : i32
    %dma_start3A_80 = arith.constant 0 : i32
    %dma_start3A_81 = arith.constant 0 : i32
    %dma_start3A_82 = arith.constant 0 : i32
    %dma_start3A_83 = arith.constant 0 : i32
    %dma_start3A_84 = tpu.memref_slice %arg6[%dma_start3A_80, %dma_start3A_82, %dma_start3A_83] : memref<2x64x128xf32, #tpu.memory_space<vmem>> -> memref<1x64x128xf32, #tpu.memory_space<vmem>>
    %dma_start3A_85 = tpu.memref_squeeze %dma_start3A_84 : memref<1x64x128xf32, #tpu.memory_space<vmem>> -> memref<64x128xf32, #tpu.memory_space<vmem>>
    %dma_start3A_86 = arith.constant 0 : i32
    %dma_start3A_87 = tpu.memref_slice %arg2[%dma_start3A_86, %add3A_79] : memref<64x1000000xf32, #tpu.memory_space<hbm>> -> memref<64x128xf32, #tpu.memory_space<hbm>>
    %dma_start3A_88 = tpu.memref_slice %arg8[%dma_start3A_81] : memref<2x!tpu.dma_semaphore, #tpu.memory_space<semaphore_mem>> -> memref<1x!tpu.dma_semaphore, #tpu.memory_space<semaphore_mem>>
    %dma_start3A_89 = tpu.memref_squeeze %dma_start3A_88 : memref<1x!tpu.dma_semaphore, #tpu.memory_space<semaphore_mem>> -> memref<!tpu.dma_semaphore, #tpu.memory_space<semaphore_mem>>
    %dma_start3A_90 = arith.constant 0 : i32
    %dma_start3A_91 = arith.constant 0 : i32
    %dma_start3A_92 = tpu.memref_slice %arg6[%dma_start3A_80, %dma_start3A_90, %dma_start3A_91] : memref<2x64x128xf32, #tpu.memory_space<vmem>> -> memref<1x64x128xf32, #tpu.memory_space<vmem>>
    %dma_start3A_93 = tpu.memref_squeeze %dma_start3A_92 : memref<1x64x128xf32, #tpu.memory_space<vmem>> -> memref<64x128xf32, #tpu.memory_space<vmem>>
    %dma_start3A_94 = arith.constant 0 : i32
    %dma_start3A_95 = tpu.memref_slice %arg2[%dma_start3A_94, %add3A_79] : memref<64x1000000xf32, #tpu.memory_space<hbm>> -> memref<64x128xf32, #tpu.memory_space<hbm>>
    tpu.enqueue_dma source(%dma_start3A_95 : memref<64x128xf32, #tpu.memory_space<hbm>>) target(%dma_start3A_93 : memref<64x128xf32, #tpu.memory_space<vmem>>) target_semaphore(%dma_start3A_89 : memref<!tpu.dma_semaphore, #tpu.memory_space<semaphore_mem>>)
    %gt3A = arith.constant 1 : i32
    %gt3A_96 = arith.cmpi sgt, %add3A_58, %gt3A : i32
    %convert_element_type3A = arith.extui %gt3A_96 : i1 to i32
    %cond3A = arith.constant 0 : i32
    %cond3A_97 = arith.cmpi ne, %convert_element_type3A, %cond3A : i32
    scf.if %cond3A_97 {
      %add3A_133 = arith.constant 1 : i32
      %add3A_134 = arith.addi %add3A_51, %add3A_133 : i32
      %mul3A_135 = arith.constant 256 : i32
      %mul3A_136 = arith.muli %add3A_134, %mul3A_135 : i32
      %dma_start3A_137 = arith.constant 1 : i32
      %dma_start3A_138 = arith.constant 1 : i32
      %dma_start3A_139 = arith.constant 0 : i32
      %dma_start3A_140 = arith.constant 0 : i32
      %dma_start3A_141 = tpu.memref_slice %arg5[%dma_start3A_137, %dma_start3A_139, %dma_start3A_140] : memref<2x64x128xf32, #tpu.memory_space<vmem>> -> memref<1x64x128xf32, #tpu.memory_space<vmem>>
      %dma_start3A_142 = tpu.memref_squeeze %dma_start3A_141 : memref<1x64x128xf32, #tpu.memory_space<vmem>> -> memref<64x128xf32, #tpu.memory_space<vmem>>
      %dma_start3A_143 = arith.constant 0 : i32
      %dma_start3A_144 = tpu.memref_slice %arg2[%dma_start3A_143, %mul3A_136] : memref<64x1000000xf32, #tpu.memory_space<hbm>> -> memref<64x128xf32, #tpu.memory_space<hbm>>
      %dma_start3A_145 = tpu.memref_slice %arg8[%dma_start3A_138] : memref<2x!tpu.dma_semaphore, #tpu.memory_space<semaphore_mem>> -> memref<1x!tpu.dma_semaphore, #tpu.memory_space<semaphore_mem>>
      %dma_start3A_146 = tpu.memref_squeeze %dma_start3A_145 : memref<1x!tpu.dma_semaphore, #tpu.memory_space<semaphore_mem>> -> memref<!tpu.dma_semaphore, #tpu.memory_space<semaphore_mem>>
      %dma_start3A_147 = arith.constant 0 : i32
      %dma_start3A_148 = arith.constant 0 : i32
      %dma_start3A_149 = tpu.memref_slice %arg5[%dma_start3A_137, %dma_start3A_147, %dma_start3A_148] : memref<2x64x128xf32, #tpu.memory_space<vmem>> -> memref<1x64x128xf32, #tpu.memory_space<vmem>>
      %dma_start3A_150 = tpu.memref_squeeze %dma_start3A_149 : memref<1x64x128xf32, #tpu.memory_space<vmem>> -> memref<64x128xf32, #tpu.memory_space<vmem>>
      %dma_start3A_151 = arith.constant 0 : i32
      %dma_start3A_152 = tpu.memref_slice %arg2[%dma_start3A_151, %mul3A_136] : memref<64x1000000xf32, #tpu.memory_space<hbm>> -> memref<64x128xf32, #tpu.memory_space<hbm>>
      tpu.enqueue_dma source(%dma_start3A_152 : memref<64x128xf32, #tpu.memory_space<hbm>>) target(%dma_start3A_150 : memref<64x128xf32, #tpu.memory_space<vmem>>) target_semaphore(%dma_start3A_146 : memref<!tpu.dma_semaphore, #tpu.memory_space<semaphore_mem>>)
      %mul3A_153 = arith.constant 256 : i32
      %mul3A_154 = arith.muli %add3A_134, %mul3A_153 : i32
      %add3A_155 = arith.constant 128 : i32
      %add3A_156 = arith.addi %mul3A_154, %add3A_155 : i32
      %dma_start3A_157 = arith.constant 1 : i32
      %dma_start3A_158 = arith.constant 1 : i32
      %dma_start3A_159 = arith.constant 0 : i32
      %dma_start3A_160 = arith.constant 0 : i32
      %dma_start3A_161 = tpu.memref_slice %arg6[%dma_start3A_157, %dma_start3A_159, %dma_start3A_160] : memref<2x64x128xf32, #tpu.memory_space<vmem>> -> memref<1x64x128xf32, #tpu.memory_space<vmem>>
      %dma_start3A_162 = tpu.memref_squeeze %dma_start3A_161 : memref<1x64x128xf32, #tpu.memory_space<vmem>> -> memref<64x128xf32, #tpu.memory_space<vmem>>
      %dma_start3A_163 = arith.constant 0 : i32
      %dma_start3A_164 = tpu.memref_slice %arg2[%dma_start3A_163, %add3A_156] : memref<64x1000000xf32, #tpu.memory_space<hbm>> -> memref<64x128xf32, #tpu.memory_space<hbm>>
      %dma_start3A_165 = tpu.memref_slice %arg8[%dma_start3A_158] : memref<2x!tpu.dma_semaphore, #tpu.memory_space<semaphore_mem>> -> memref<1x!tpu.dma_semaphore, #tpu.memory_space<semaphore_mem>>
      %dma_start3A_166 = tpu.memref_squeeze %dma_start3A_165 : memref<1x!tpu.dma_semaphore, #tpu.memory_space<semaphore_mem>> -> memref<!tpu.dma_semaphore, #tpu.memory_space<semaphore_mem>>
      %dma_start3A_167 = arith.constant 0 : i32
      %dma_start3A_168 = arith.constant 0 : i32
      %dma_start3A_169 = tpu.memref_slice %arg6[%dma_start3A_157, %dma_start3A_167, %dma_start3A_168] : memref<2x64x128xf32, #tpu.memory_space<vmem>> -> memref<1x64x128xf32, #tpu.memory_space<vmem>>
      %dma_start3A_170 = tpu.memref_squeeze %dma_start3A_169 : memref<1x64x128xf32, #tpu.memory_space<vmem>> -> memref<64x128xf32, #tpu.memory_space<vmem>>
      %dma_start3A_171 = arith.constant 0 : i32
      %dma_start3A_172 = tpu.memref_slice %arg2[%dma_start3A_171, %add3A_156] : memref<64x1000000xf32, #tpu.memory_space<hbm>> -> memref<64x128xf32, #tpu.memory_space<hbm>>
      tpu.enqueue_dma source(%dma_start3A_172 : memref<64x128xf32, #tpu.memory_space<hbm>>) target(%dma_start3A_170 : memref<64x128xf32, #tpu.memory_space<vmem>>) target_semaphore(%dma_start3A_166 : memref<!tpu.dma_semaphore, #tpu.memory_space<semaphore_mem>>)
    } else {
    }
    %while3A = arith.constant 0 : i32
    %while3A_98 = arith.constant 0 : i32
    %while3A_99 = arith.subi %add3A_58, %while3A_98 : i32
    %while3A_100 = arith.addi %while3A_98, %while3A_99 : i32
    %while3A_101 = arith.constant 1 : i32
    %while3A_102 = arith.divsi %while3A_99, %while3A_101 : i32
    %while3A_103 = arith.muli %while3A_102, %while3A_101 : i32
    %while3A_104 = arith.addi %while3A_98, %while3A_103 : i32
    %while3A_105 = arith.constant 1 : i32
    scf.for %while3A_133 = %while3A_98 to %while3A_104 step %while3A_105  : i32 {
      %rem3A_134 = arith.constant 2 : i32
      %rem3A_135 = arith.remsi %while3A_133, %rem3A_134 : i32
      %ge3A = arith.constant 2 : i32
      %ge3A_136 = arith.cmpi sge, %while3A_133, %ge3A : i32
      %convert_element_type3A_137 = arith.extui %ge3A_136 : i1 to i32
      %cond3A_138 = arith.constant 0 : i32
      %cond3A_139 = arith.cmpi ne, %convert_element_type3A_137, %cond3A_138 : i32
      scf.if %cond3A_139 {
        %dma_wait3A_197 = arith.constant 0 : i32
        %dma_wait3A_198 = arith.constant 0 : i32
        %dma_wait3A_199 = tpu.memref_slice %arg7[%rem3A_135, %dma_wait3A_197, %dma_wait3A_198] : memref<2x128x128xf32, #tpu.memory_space<vmem>> -> memref<1x128x128xf32, #tpu.memory_space<vmem>>
        %dma_wait3A_200 = tpu.memref_squeeze %dma_wait3A_199 : memref<1x128x128xf32, #tpu.memory_space<vmem>> -> memref<128x128xf32, #tpu.memory_space<vmem>>
        %dma_wait3A_201 = arith.constant 0 : i32
        %dma_wait3A_202 = arith.constant 0 : i32
        %dma_wait3A_203 = tpu.memref_slice %arg4[%dma_wait3A_201, %dma_wait3A_202] : memref<500032x128xf32, #tpu.memory_space<hbm>> -> memref<128x128xf32, #tpu.memory_space<hbm>>
        %dma_wait3A_204 = tpu.memref_slice %arg9[%rem3A_135] : memref<2x!tpu.dma_semaphore, #tpu.memory_space<semaphore_mem>> -> memref<1x!tpu.dma_semaphore, #tpu.memory_space<semaphore_mem>>
        %dma_wait3A_205 = tpu.memref_squeeze %dma_wait3A_204 : memref<1x!tpu.dma_semaphore, #tpu.memory_space<semaphore_mem>> -> memref<!tpu.dma_semaphore, #tpu.memory_space<semaphore_mem>>
        %dma_wait3A_206 = arith.constant 0 : i32
        %dma_wait3A_207 = arith.constant 0 : i32
        %dma_wait3A_208 = tpu.memref_slice %arg4[%dma_wait3A_206, %dma_wait3A_207] : memref<500032x128xf32, #tpu.memory_space<hbm>> -> memref<128x128xf32, #tpu.memory_space<hbm>>
        %dma_wait3A_209 = arith.constant 0 : i32
        %dma_wait3A_210 = arith.constant 0 : i32
        %dma_wait3A_211 = tpu.memref_slice %arg7[%rem3A_135, %dma_wait3A_209, %dma_wait3A_210] : memref<2x128x128xf32, #tpu.memory_space<vmem>> -> memref<1x128x128xf32, #tpu.memory_space<vmem>>
        %dma_wait3A_212 = tpu.memref_squeeze %dma_wait3A_211 : memref<1x128x128xf32, #tpu.memory_space<vmem>> -> memref<128x128xf32, #tpu.memory_space<vmem>>
        tpu.wait_dma2 semaphore(%dma_wait3A_205 : memref<!tpu.dma_semaphore, #tpu.memory_space<semaphore_mem>>) src(%dma_wait3A_212 : memref<128x128xf32, #tpu.memory_space<vmem>>) dst(%dma_wait3A_208 : memref<128x128xf32, #tpu.memory_space<hbm>>)
      } else {
      }
      %dma_wait3A_140 = arith.constant 0 : i32
      %dma_wait3A_141 = arith.constant 0 : i32
      %dma_wait3A_142 = tpu.memref_slice %arg5[%rem3A_135, %dma_wait3A_140, %dma_wait3A_141] : memref<2x64x128xf32, #tpu.memory_space<vmem>> -> memref<1x64x128xf32, #tpu.memory_space<vmem>>
      %dma_wait3A_143 = tpu.memref_squeeze %dma_wait3A_142 : memref<1x64x128xf32, #tpu.memory_space<vmem>> -> memref<64x128xf32, #tpu.memory_space<vmem>>
      %dma_wait3A_144 = arith.constant 0 : i32
      %dma_wait3A_145 = arith.constant 0 : i32
      %dma_wait3A_146 = tpu.memref_slice %arg2[%dma_wait3A_144, %dma_wait3A_145] : memref<64x1000000xf32, #tpu.memory_space<hbm>> -> memref<64x128xf32, #tpu.memory_space<hbm>>
      %dma_wait3A_147 = tpu.memref_slice %arg8[%rem3A_135] : memref<2x!tpu.dma_semaphore, #tpu.memory_space<semaphore_mem>> -> memref<1x!tpu.dma_semaphore, #tpu.memory_space<semaphore_mem>>
      %dma_wait3A_148 = tpu.memref_squeeze %dma_wait3A_147 : memref<1x!tpu.dma_semaphore, #tpu.memory_space<semaphore_mem>> -> memref<!tpu.dma_semaphore, #tpu.memory_space<semaphore_mem>>
      %dma_wait3A_149 = arith.constant 0 : i32
      %dma_wait3A_150 = arith.constant 0 : i32
      %dma_wait3A_151 = tpu.memref_slice %arg5[%rem3A_135, %dma_wait3A_149, %dma_wait3A_150] : memref<2x64x128xf32, #tpu.memory_space<vmem>> -> memref<1x64x128xf32, #tpu.memory_space<vmem>>
      %dma_wait3A_152 = tpu.memref_squeeze %dma_wait3A_151 : memref<1x64x128xf32, #tpu.memory_space<vmem>> -> memref<64x128xf32, #tpu.memory_space<vmem>>
      %dma_wait3A_153 = arith.constant 0 : i32
      %dma_wait3A_154 = arith.constant 0 : i32
      %dma_wait3A_155 = tpu.memref_slice %arg2[%dma_wait3A_153, %dma_wait3A_154] : memref<64x1000000xf32, #tpu.memory_space<hbm>> -> memref<64x128xf32, #tpu.memory_space<hbm>>
      tpu.wait_dma2 semaphore(%dma_wait3A_148 : memref<!tpu.dma_semaphore, #tpu.memory_space<semaphore_mem>>) src(%dma_wait3A_155 : memref<64x128xf32, #tpu.memory_space<hbm>>) dst(%dma_wait3A_152 : memref<64x128xf32, #tpu.memory_space<vmem>>)
      %dma_wait3A_156 = arith.constant 0 : i32
      %dma_wait3A_157 = arith.constant 0 : i32
      %dma_wait3A_158 = tpu.memref_slice %arg6[%rem3A_135, %dma_wait3A_156, %dma_wait3A_157] : memref<2x64x128xf32, #tpu.memory_space<vmem>> -> memref<1x64x128xf32, #tpu.memory_space<vmem>>
      %dma_wait3A_159 = tpu.memref_squeeze %dma_wait3A_158 : memref<1x64x128xf32, #tpu.memory_space<vmem>> -> memref<64x128xf32, #tpu.memory_space<vmem>>
      %dma_wait3A_160 = arith.constant 0 : i32
      %dma_wait3A_161 = arith.constant 0 : i32
      %dma_wait3A_162 = tpu.memref_slice %arg2[%dma_wait3A_160, %dma_wait3A_161] : memref<64x1000000xf32, #tpu.memory_space<hbm>> -> memref<64x128xf32, #tpu.memory_space<hbm>>
      %dma_wait3A_163 = tpu.memref_slice %arg8[%rem3A_135] : memref<2x!tpu.dma_semaphore, #tpu.memory_space<semaphore_mem>> -> memref<1x!tpu.dma_semaphore, #tpu.memory_space<semaphore_mem>>
      %dma_wait3A_164 = tpu.memref_squeeze %dma_wait3A_163 : memref<1x!tpu.dma_semaphore, #tpu.memory_space<semaphore_mem>> -> memref<!tpu.dma_semaphore, #tpu.memory_space<semaphore_mem>>
      %dma_wait3A_165 = arith.constant 0 : i32
      %dma_wait3A_166 = arith.constant 0 : i32
      %dma_wait3A_167 = tpu.memref_slice %arg6[%rem3A_135, %dma_wait3A_165, %dma_wait3A_166] : memref<2x64x128xf32, #tpu.memory_space<vmem>> -> memref<1x64x128xf32, #tpu.memory_space<vmem>>
      %dma_wait3A_168 = tpu.memref_squeeze %dma_wait3A_167 : memref<1x64x128xf32, #tpu.memory_space<vmem>> -> memref<64x128xf32, #tpu.memory_space<vmem>>
      %dma_wait3A_169 = arith.constant 0 : i32
      %dma_wait3A_170 = arith.constant 0 : i32
      %dma_wait3A_171 = tpu.memref_slice %arg2[%dma_wait3A_169, %dma_wait3A_170] : memref<64x1000000xf32, #tpu.memory_space<hbm>> -> memref<64x128xf32, #tpu.memory_space<hbm>>
      tpu.wait_dma2 semaphore(%dma_wait3A_164 : memref<!tpu.dma_semaphore, #tpu.memory_space<semaphore_mem>>) src(%dma_wait3A_171 : memref<64x128xf32, #tpu.memory_space<hbm>>) dst(%dma_wait3A_168 : memref<64x128xf32, #tpu.memory_space<vmem>>)
      %parallel_loop3A = arith.constant 0 : i32
      %parallel_loop3A_172 = arith.constant 32 : i32
      %parallel_loop3A_173 = arith.constant 1 : i32
      scf.for %parallel_loop3A_197 = %parallel_loop3A to %parallel_loop3A_172 step %parallel_loop3A_173  : i32 {
        %parallel_loop3A_198 = arith.constant 2 : i32
        %parallel_loop3A_199 = arith.shrui %parallel_loop3A_197, %parallel_loop3A_198 : i32
        %parallel_loop3A_200 = arith.constant 3 : i32
        %parallel_loop3A_201 = arith.andi %parallel_loop3A_197, %parallel_loop3A_200 : i32
        %parallel_loop3A_202 = arith.constant 16 : i32
        %parallel_loop3A_203 = arith.muli %parallel_loop3A_201, %parallel_loop3A_202 : i32
        %parallel_loop3A_204 = arith.constant 16 : i32
        %parallel_loop3A_205 = arith.muli %parallel_loop3A_199, %parallel_loop3A_204 : i32
        %parallel_loop3A_206 = vector.broadcast %parallel_loop3A_205 : i32 to vector<16xi32>
        %parallel_loop3A_207 = arith.addi %parallel_loop3A_206, %iota3A : vector<16xi32>
        %parallel_loop3A_208 = vector.broadcast %parallel_loop3A_203 : i32 to vector<16xi32>
        %parallel_loop3A_209 = arith.addi %xor3A_2, %parallel_loop3A_208 : vector<16xi32>
        %parallel_loop3A_210 = arith.constant 0 : i32
        %parallel_loop3A_211 = arith.constant 0 : i32
        %parallel_loop3A_212 = tpu.memref_slice %arg5[%rem3A_135, %parallel_loop3A_210, %parallel_loop3A_211] : memref<2x64x128xf32, #tpu.memory_space<vmem>> -> memref<1x64x128xf32, #tpu.memory_space<vmem>>
        %parallel_loop3A_213 = tpu.memref_squeeze %parallel_loop3A_212 : memref<1x64x128xf32, #tpu.memory_space<vmem>> -> memref<64x128xf32, #tpu.memory_space<vmem>>
        %parallel_loop3A_214 = tpu.vector_load_idx %parallel_loop3A_213[%parallel_loop3A_209, %parallel_loop3A_207] : memref<64x128xf32, #tpu.memory_space<vmem>>[vector<16xi32>, vector<16xi32>], vector<16xf32>,
        %parallel_loop3A_215 = arith.constant 0 : i32
        %parallel_loop3A_216 = arith.constant 0 : i32
        %parallel_loop3A_217 = tpu.memref_slice %arg7[%rem3A_135, %parallel_loop3A_215, %parallel_loop3A_216] : memref<2x128x128xf32, #tpu.memory_space<vmem>> -> memref<1x128x128xf32, #tpu.memory_space<vmem>>
        %parallel_loop3A_218 = tpu.memref_squeeze %parallel_loop3A_217 : memref<1x128x128xf32, #tpu.memory_space<vmem>> -> memref<128x128xf32, #tpu.memory_space<vmem>>
        tpu.vector_store_idx %parallel_loop3A_218[%parallel_loop3A_207, %parallel_loop3A_209], %parallel_loop3A_214 : memref<128x128xf32, #tpu.memory_space<vmem>>[vector<16xi32>, vector<16xi32>], vector<16xf32>,
        %parallel_loop3A_219 = arith.constant 0 : i32
        %parallel_loop3A_220 = arith.constant 0 : i32
        %parallel_loop3A_221 = tpu.memref_slice %arg6[%rem3A_135, %parallel_loop3A_219, %parallel_loop3A_220] : memref<2x64x128xf32, #tpu.memory_space<vmem>> -> memref<1x64x128xf32, #tpu.memory_space<vmem>>
        %parallel_loop3A_222 = tpu.memref_squeeze %parallel_loop3A_221 : memref<1x64x128xf32, #tpu.memory_space<vmem>> -> memref<64x128xf32, #tpu.memory_space<vmem>>
        %parallel_loop3A_223 = tpu.vector_load_idx %parallel_loop3A_222[%parallel_loop3A_209, %parallel_loop3A_207] : memref<64x128xf32, #tpu.memory_space<vmem>>[vector<16xi32>, vector<16xi32>], vector<16xf32>,
        %parallel_loop3A_224 = arith.constant 64 : i32
        %parallel_loop3A_225 = vector.broadcast %parallel_loop3A_224 : i32 to vector<16xi32>
        %parallel_loop3A_226 = arith.addi %parallel_loop3A_209, %parallel_loop3A_225 : vector<16xi32>
        %parallel_loop3A_227 = arith.constant 0 : i32
        %parallel_loop3A_228 = arith.constant 0 : i32
        %parallel_loop3A_229 = tpu.memref_slice %arg7[%rem3A_135, %parallel_loop3A_227, %parallel_loop3A_228] : memref<2x128x128xf32, #tpu.memory_space<vmem>> -> memref<1x128x128xf32, #tpu.memory_space<vmem>>
        %parallel_loop3A_230 = tpu.memref_squeeze %parallel_loop3A_229 : memref<1x128x128xf32, #tpu.memory_space<vmem>> -> memref<128x128xf32, #tpu.memory_space<vmem>>
        tpu.vector_store_idx %parallel_loop3A_230[%parallel_loop3A_207, %parallel_loop3A_226], %parallel_loop3A_223 : memref<128x128xf32, #tpu.memory_space<vmem>>[vector<16xi32>, vector<16xi32>], vector<16xf32>,
        %parallel_loop3A_231 = vector.broadcast %parallel_loop3A_203 : i32 to vector<16xi32>
        %parallel_loop3A_232 = arith.addi %xor3A_5, %parallel_loop3A_231 : vector<16xi32>
        %parallel_loop3A_233 = arith.constant 0 : i32
        %parallel_loop3A_234 = arith.constant 0 : i32
        %parallel_loop3A_235 = tpu.memref_slice %arg5[%rem3A_135, %parallel_loop3A_233, %parallel_loop3A_234] : memref<2x64x128xf32, #tpu.memory_space<vmem>> -> memref<1x64x128xf32, #tpu.memory_space<vmem>>
        %parallel_loop3A_236 = tpu.memref_squeeze %parallel_loop3A_235 : memref<1x64x128xf32, #tpu.memory_space<vmem>> -> memref<64x128xf32, #tpu.memory_space<vmem>>
        %parallel_loop3A_237 = tpu.vector_load_idx %parallel_loop3A_236[%parallel_loop3A_232, %parallel_loop3A_207] : memref<64x128xf32, #tpu.memory_space<vmem>>[vector<16xi32>, vector<16xi32>], vector<16xf32>,
        %parallel_loop3A_238 = arith.constant 0 : i32
        %parallel_loop3A_239 = arith.constant 0 : i32
        %parallel_loop3A_240 = tpu.memref_slice %arg7[%rem3A_135, %parallel_loop3A_238, %parallel_loop3A_239] : memref<2x128x128xf32, #tpu.memory_space<vmem>> -> memref<1x128x128xf32, #tpu.memory_space<vmem>>
        %parallel_loop3A_241 = tpu.memref_squeeze %parallel_loop3A_240 : memref<1x128x128xf32, #tpu.memory_space<vmem>> -> memref<128x128xf32, #tpu.memory_space<vmem>>
        tpu.vector_store_idx %parallel_loop3A_241[%parallel_loop3A_207, %parallel_loop3A_232], %parallel_loop3A_237 : memref<128x128xf32, #tpu.memory_space<vmem>>[vector<16xi32>, vector<16xi32>], vector<16xf32>,
        %parallel_loop3A_242 = arith.constant 0 : i32
        %parallel_loop3A_243 = arith.constant 0 : i32
        %parallel_loop3A_244 = tpu.memref_slice %arg6[%rem3A_135, %parallel_loop3A_242, %parallel_loop3A_243] : memref<2x64x128xf32, #tpu.memory_space<vmem>> -> memref<1x64x128xf32, #tpu.memory_space<vmem>>
        %parallel_loop3A_245 = tpu.memref_squeeze %parallel_loop3A_244 : memref<1x64x128xf32, #tpu.memory_space<vmem>> -> memref<64x128xf32, #tpu.memory_space<vmem>>
        %parallel_loop3A_246 = tpu.vector_load_idx %parallel_loop3A_245[%parallel_loop3A_232, %parallel_loop3A_207] : memref<64x128xf32, #tpu.memory_space<vmem>>[vector<16xi32>, vector<16xi32>], vector<16xf32>,
        %parallel_loop3A_247 = arith.constant 64 : i32
        %parallel_loop3A_248 = vector.broadcast %parallel_loop3A_247 : i32 to vector<16xi32>
        %parallel_loop3A_249 = arith.addi %parallel_loop3A_232, %parallel_loop3A_248 : vector<16xi32>
        %parallel_loop3A_250 = arith.constant 0 : i32
        %parallel_loop3A_251 = arith.constant 0 : i32
        %parallel_loop3A_252 = tpu.memref_slice %arg7[%rem3A_135, %parallel_loop3A_250, %parallel_loop3A_251] : memref<2x128x128xf32, #tpu.memory_space<vmem>> -> memref<1x128x128xf32, #tpu.memory_space<vmem>>
        %parallel_loop3A_253 = tpu.memref_squeeze %parallel_loop3A_252 : memref<1x128x128xf32, #tpu.memory_space<vmem>> -> memref<128x128xf32, #tpu.memory_space<vmem>>
        tpu.vector_store_idx %parallel_loop3A_253[%parallel_loop3A_207, %parallel_loop3A_249], %parallel_loop3A_246 : memref<128x128xf32, #tpu.memory_space<vmem>>[vector<16xi32>, vector<16xi32>], vector<16xf32>,
        %parallel_loop3A_254 = vector.broadcast %parallel_loop3A_203 : i32 to vector<16xi32>
        %parallel_loop3A_255 = arith.addi %xor3A_8, %parallel_loop3A_254 : vector<16xi32>
        %parallel_loop3A_256 = arith.constant 0 : i32
        %parallel_loop3A_257 = arith.constant 0 : i32
        %parallel_loop3A_258 = tpu.memref_slice %arg5[%rem3A_135, %parallel_loop3A_256, %parallel_loop3A_257] : memref<2x64x128xf32, #tpu.memory_space<vmem>> -> memref<1x64x128xf32, #tpu.memory_space<vmem>>
        %parallel_loop3A_259 = tpu.memref_squeeze %parallel_loop3A_258 : memref<1x64x128xf32, #tpu.memory_space<vmem>> -> memref<64x128xf32, #tpu.memory_space<vmem>>
        %parallel_loop3A_260 = tpu.vector_load_idx %parallel_loop3A_259[%parallel_loop3A_255, %parallel_loop3A_207] : memref<64x128xf32, #tpu.memory_space<vmem>>[vector<16xi32>, vector<16xi32>], vector<16xf32>,
        %parallel_loop3A_261 = arith.constant 0 : i32
        %parallel_loop3A_262 = arith.constant 0 : i32
        %parallel_loop3A_263 = tpu.memref_slice %arg7[%rem3A_135, %parallel_loop3A_261, %parallel_loop3A_262] : memref<2x128x128xf32, #tpu.memory_space<vmem>> -> memref<1x128x128xf32, #tpu.memory_space<vmem>>
        %parallel_loop3A_264 = tpu.memref_squeeze %parallel_loop3A_263 : memref<1x128x128xf32, #tpu.memory_space<vmem>> -> memref<128x128xf32, #tpu.memory_space<vmem>>
        tpu.vector_store_idx %parallel_loop3A_264[%parallel_loop3A_207, %parallel_loop3A_255], %parallel_loop3A_260 : memref<128x128xf32, #tpu.memory_space<vmem>>[vector<16xi32>, vector<16xi32>], vector<16xf32>,
        %parallel_loop3A_265 = arith.constant 0 : i32
        %parallel_loop3A_266 = arith.constant 0 : i32
        %parallel_loop3A_267 = tpu.memref_slice %arg6[%rem3A_135, %parallel_loop3A_265, %parallel_loop3A_266] : memref<2x64x128xf32, #tpu.memory_space<vmem>> -> memref<1x64x128xf32, #tpu.memory_space<vmem>>
        %parallel_loop3A_268 = tpu.memref_squeeze %parallel_loop3A_267 : memref<1x64x128xf32, #tpu.memory_space<vmem>> -> memref<64x128xf32, #tpu.memory_space<vmem>>
        %parallel_loop3A_269 = tpu.vector_load_idx %parallel_loop3A_268[%parallel_loop3A_255, %parallel_loop3A_207] : memref<64x128xf32, #tpu.memory_space<vmem>>[vector<16xi32>, vector<16xi32>], vector<16xf32>,
        %parallel_loop3A_270 = arith.constant 64 : i32
        %parallel_loop3A_271 = vector.broadcast %parallel_loop3A_270 : i32 to vector<16xi32>
        %parallel_loop3A_272 = arith.addi %parallel_loop3A_255, %parallel_loop3A_271 : vector<16xi32>
        %parallel_loop3A_273 = arith.constant 0 : i32
        %parallel_loop3A_274 = arith.constant 0 : i32
        %parallel_loop3A_275 = tpu.memref_slice %arg7[%rem3A_135, %parallel_loop3A_273, %parallel_loop3A_274] : memref<2x128x128xf32, #tpu.memory_space<vmem>> -> memref<1x128x128xf32, #tpu.memory_space<vmem>>
        %parallel_loop3A_276 = tpu.memref_squeeze %parallel_loop3A_275 : memref<1x128x128xf32, #tpu.memory_space<vmem>> -> memref<128x128xf32, #tpu.memory_space<vmem>>
        tpu.vector_store_idx %parallel_loop3A_276[%parallel_loop3A_207, %parallel_loop3A_272], %parallel_loop3A_269 : memref<128x128xf32, #tpu.memory_space<vmem>>[vector<16xi32>, vector<16xi32>], vector<16xf32>,
        %parallel_loop3A_277 = vector.broadcast %parallel_loop3A_203 : i32 to vector<16xi32>
        %parallel_loop3A_278 = arith.addi %xor3A_11, %parallel_loop3A_277 : vector<16xi32>
        %parallel_loop3A_279 = arith.constant 0 : i32
        %parallel_loop3A_280 = arith.constant 0 : i32
        %parallel_loop3A_281 = tpu.memref_slice %arg5[%rem3A_135, %parallel_loop3A_279, %parallel_loop3A_280] : memref<2x64x128xf32, #tpu.memory_space<vmem>> -> memref<1x64x128xf32, #tpu.memory_space<vmem>>
        %parallel_loop3A_282 = tpu.memref_squeeze %parallel_loop3A_281 : memref<1x64x128xf32, #tpu.memory_space<vmem>> -> memref<64x128xf32, #tpu.memory_space<vmem>>
        %parallel_loop3A_283 = tpu.vector_load_idx %parallel_loop3A_282[%parallel_loop3A_278, %parallel_loop3A_207] : memref<64x128xf32, #tpu.memory_space<vmem>>[vector<16xi32>, vector<16xi32>], vector<16xf32>,
        %parallel_loop3A_284 = arith.constant 0 : i32
        %parallel_loop3A_285 = arith.constant 0 : i32
        %parallel_loop3A_286 = tpu.memref_slice %arg7[%rem3A_135, %parallel_loop3A_284, %parallel_loop3A_285] : memref<2x128x128xf32, #tpu.memory_space<vmem>> -> memref<1x128x128xf32, #tpu.memory_space<vmem>>
        %parallel_loop3A_287 = tpu.memref_squeeze %parallel_loop3A_286 : memref<1x128x128xf32, #tpu.memory_space<vmem>> -> memref<128x128xf32, #tpu.memory_space<vmem>>
        tpu.vector_store_idx %parallel_loop3A_287[%parallel_loop3A_207, %parallel_loop3A_278], %parallel_loop3A_283 : memref<128x128xf32, #tpu.memory_space<vmem>>[vector<16xi32>, vector<16xi32>], vector<16xf32>,
        %parallel_loop3A_288 = arith.constant 0 : i32
        %parallel_loop3A_289 = arith.constant 0 : i32
        %parallel_loop3A_290 = tpu.memref_slice %arg6[%rem3A_135, %parallel_loop3A_288, %parallel_loop3A_289] : memref<2x64x128xf32, #tpu.memory_space<vmem>> -> memref<1x64x128xf32, #tpu.memory_space<vmem>>
        %parallel_loop3A_291 = tpu.memref_squeeze %parallel_loop3A_290 : memref<1x64x128xf32, #tpu.memory_space<vmem>> -> memref<64x128xf32, #tpu.memory_space<vmem>>
        %parallel_loop3A_292 = tpu.vector_load_idx %parallel_loop3A_291[%parallel_loop3A_278, %parallel_loop3A_207] : memref<64x128xf32, #tpu.memory_space<vmem>>[vector<16xi32>, vector<16xi32>], vector<16xf32>,
        %parallel_loop3A_293 = arith.constant 64 : i32
        %parallel_loop3A_294 = vector.broadcast %parallel_loop3A_293 : i32 to vector<16xi32>
        %parallel_loop3A_295 = arith.addi %parallel_loop3A_278, %parallel_loop3A_294 : vector<16xi32>
        %parallel_loop3A_296 = arith.constant 0 : i32
        %parallel_loop3A_297 = arith.constant 0 : i32
        %parallel_loop3A_298 = tpu.memref_slice %arg7[%rem3A_135, %parallel_loop3A_296, %parallel_loop3A_297] : memref<2x128x128xf32, #tpu.memory_space<vmem>> -> memref<1x128x128xf32, #tpu.memory_space<vmem>>
        %parallel_loop3A_299 = tpu.memref_squeeze %parallel_loop3A_298 : memref<1x128x128xf32, #tpu.memory_space<vmem>> -> memref<128x128xf32, #tpu.memory_space<vmem>>
        tpu.vector_store_idx %parallel_loop3A_299[%parallel_loop3A_207, %parallel_loop3A_295], %parallel_loop3A_292 : memref<128x128xf32, #tpu.memory_space<vmem>>[vector<16xi32>, vector<16xi32>], vector<16xf32>,
        %parallel_loop3A_300 = vector.broadcast %parallel_loop3A_203 : i32 to vector<16xi32>
        %parallel_loop3A_301 = arith.addi %xor3A_14, %parallel_loop3A_300 : vector<16xi32>
        %parallel_loop3A_302 = arith.constant 0 : i32
        %parallel_loop3A_303 = arith.constant 0 : i32
        %parallel_loop3A_304 = tpu.memref_slice %arg5[%rem3A_135, %parallel_loop3A_302, %parallel_loop3A_303] : memref<2x64x128xf32, #tpu.memory_space<vmem>> -> memref<1x64x128xf32, #tpu.memory_space<vmem>>
        %parallel_loop3A_305 = tpu.memref_squeeze %parallel_loop3A_304 : memref<1x64x128xf32, #tpu.memory_space<vmem>> -> memref<64x128xf32, #tpu.memory_space<vmem>>
        %parallel_loop3A_306 = tpu.vector_load_idx %parallel_loop3A_305[%parallel_loop3A_301, %parallel_loop3A_207] : memref<64x128xf32, #tpu.memory_space<vmem>>[vector<16xi32>, vector<16xi32>], vector<16xf32>,
        %parallel_loop3A_307 = arith.constant 0 : i32
        %parallel_loop3A_308 = arith.constant 0 : i32
        %parallel_loop3A_309 = tpu.memref_slice %arg7[%rem3A_135, %parallel_loop3A_307, %parallel_loop3A_308] : memref<2x128x128xf32, #tpu.memory_space<vmem>> -> memref<1x128x128xf32, #tpu.memory_space<vmem>>
        %parallel_loop3A_310 = tpu.memref_squeeze %parallel_loop3A_309 : memref<1x128x128xf32, #tpu.memory_space<vmem>> -> memref<128x128xf32, #tpu.memory_space<vmem>>
        tpu.vector_store_idx %parallel_loop3A_310[%parallel_loop3A_207, %parallel_loop3A_301], %parallel_loop3A_306 : memref<128x128xf32, #tpu.memory_space<vmem>>[vector<16xi32>, vector<16xi32>], vector<16xf32>,
        %parallel_loop3A_311 = arith.constant 0 : i32
        %parallel_loop3A_312 = arith.constant 0 : i32
        %parallel_loop3A_313 = tpu.memref_slice %arg6[%rem3A_135, %parallel_loop3A_311, %parallel_loop3A_312] : memref<2x64x128xf32, #tpu.memory_space<vmem>> -> memref<1x64x128xf32, #tpu.memory_space<vmem>>
        %parallel_loop3A_314 = tpu.memref_squeeze %parallel_loop3A_313 : memref<1x64x128xf32, #tpu.memory_space<vmem>> -> memref<64x128xf32, #tpu.memory_space<vmem>>
        %parallel_loop3A_315 = tpu.vector_load_idx %parallel_loop3A_314[%parallel_loop3A_301, %parallel_loop3A_207] : memref<64x128xf32, #tpu.memory_space<vmem>>[vector<16xi32>, vector<16xi32>], vector<16xf32>,
        %parallel_loop3A_316 = arith.constant 64 : i32
        %parallel_loop3A_317 = vector.broadcast %parallel_loop3A_316 : i32 to vector<16xi32>
        %parallel_loop3A_318 = arith.addi %parallel_loop3A_301, %parallel_loop3A_317 : vector<16xi32>
        %parallel_loop3A_319 = arith.constant 0 : i32
        %parallel_loop3A_320 = arith.constant 0 : i32
        %parallel_loop3A_321 = tpu.memref_slice %arg7[%rem3A_135, %parallel_loop3A_319, %parallel_loop3A_320] : memref<2x128x128xf32, #tpu.memory_space<vmem>> -> memref<1x128x128xf32, #tpu.memory_space<vmem>>
        %parallel_loop3A_322 = tpu.memref_squeeze %parallel_loop3A_321 : memref<1x128x128xf32, #tpu.memory_space<vmem>> -> memref<128x128xf32, #tpu.memory_space<vmem>>
        tpu.vector_store_idx %parallel_loop3A_322[%parallel_loop3A_207, %parallel_loop3A_318], %parallel_loop3A_315 : memref<128x128xf32, #tpu.memory_space<vmem>>[vector<16xi32>, vector<16xi32>], vector<16xf32>,
        %parallel_loop3A_323 = vector.broadcast %parallel_loop3A_203 : i32 to vector<16xi32>
        %parallel_loop3A_324 = arith.addi %xor3A_17, %parallel_loop3A_323 : vector<16xi32>
        %parallel_loop3A_325 = arith.constant 0 : i32
        %parallel_loop3A_326 = arith.constant 0 : i32
        %parallel_loop3A_327 = tpu.memref_slice %arg5[%rem3A_135, %parallel_loop3A_325, %parallel_loop3A_326] : memref<2x64x128xf32, #tpu.memory_space<vmem>> -> memref<1x64x128xf32, #tpu.memory_space<vmem>>
        %parallel_loop3A_328 = tpu.memref_squeeze %parallel_loop3A_327 : memref<1x64x128xf32, #tpu.memory_space<vmem>> -> memref<64x128xf32, #tpu.memory_space<vmem>>
        %parallel_loop3A_329 = tpu.vector_load_idx %parallel_loop3A_328[%parallel_loop3A_324, %parallel_loop3A_207] : memref<64x128xf32, #tpu.memory_space<vmem>>[vector<16xi32>, vector<16xi32>], vector<16xf32>,
        %parallel_loop3A_330 = arith.constant 0 : i32
        %parallel_loop3A_331 = arith.constant 0 : i32
        %parallel_loop3A_332 = tpu.memref_slice %arg7[%rem3A_135, %parallel_loop3A_330, %parallel_loop3A_331] : memref<2x128x128xf32, #tpu.memory_space<vmem>> -> memref<1x128x128xf32, #tpu.memory_space<vmem>>
        %parallel_loop3A_333 = tpu.memref_squeeze %parallel_loop3A_332 : memref<1x128x128xf32, #tpu.memory_space<vmem>> -> memref<128x128xf32, #tpu.memory_space<vmem>>
        tpu.vector_store_idx %parallel_loop3A_333[%parallel_loop3A_207, %parallel_loop3A_324], %parallel_loop3A_329 : memref<128x128xf32, #tpu.memory_space<vmem>>[vector<16xi32>, vector<16xi32>], vector<16xf32>,
        %parallel_loop3A_334 = arith.constant 0 : i32
        %parallel_loop3A_335 = arith.constant 0 : i32
        %parallel_loop3A_336 = tpu.memref_slice %arg6[%rem3A_135, %parallel_loop3A_334, %parallel_loop3A_335] : memref<2x64x128xf32, #tpu.memory_space<vmem>> -> memref<1x64x128xf32, #tpu.memory_space<vmem>>
        %parallel_loop3A_337 = tpu.memref_squeeze %parallel_loop3A_336 : memref<1x64x128xf32, #tpu.memory_space<vmem>> -> memref<64x128xf32, #tpu.memory_space<vmem>>
        %parallel_loop3A_338 = tpu.vector_load_idx %parallel_loop3A_337[%parallel_loop3A_324, %parallel_loop3A_207] : memref<64x128xf32, #tpu.memory_space<vmem>>[vector<16xi32>, vector<16xi32>], vector<16xf32>,
        %parallel_loop3A_339 = arith.constant 64 : i32
        %parallel_loop3A_340 = vector.broadcast %parallel_loop3A_339 : i32 to vector<16xi32>
        %parallel_loop3A_341 = arith.addi %parallel_loop3A_324, %parallel_loop3A_340 : vector<16xi32>
        %parallel_loop3A_342 = arith.constant 0 : i32
        %parallel_loop3A_343 = arith.constant 0 : i32
        %parallel_loop3A_344 = tpu.memref_slice %arg7[%rem3A_135, %parallel_loop3A_342, %parallel_loop3A_343] : memref<2x128x128xf32, #tpu.memory_space<vmem>> -> memref<1x128x128xf32, #tpu.memory_space<vmem>>
        %parallel_loop3A_345 = tpu.memref_squeeze %parallel_loop3A_344 : memref<1x128x128xf32, #tpu.memory_space<vmem>> -> memref<128x128xf32, #tpu.memory_space<vmem>>
        tpu.vector_store_idx %parallel_loop3A_345[%parallel_loop3A_207, %parallel_loop3A_341], %parallel_loop3A_338 : memref<128x128xf32, #tpu.memory_space<vmem>>[vector<16xi32>, vector<16xi32>], vector<16xf32>,
        %parallel_loop3A_346 = vector.broadcast %parallel_loop3A_203 : i32 to vector<16xi32>
        %parallel_loop3A_347 = arith.addi %xor3A_20, %parallel_loop3A_346 : vector<16xi32>
        %parallel_loop3A_348 = arith.constant 0 : i32
        %parallel_loop3A_349 = arith.constant 0 : i32
        %parallel_loop3A_350 = tpu.memref_slice %arg5[%rem3A_135, %parallel_loop3A_348, %parallel_loop3A_349] : memref<2x64x128xf32, #tpu.memory_space<vmem>> -> memref<1x64x128xf32, #tpu.memory_space<vmem>>
        %parallel_loop3A_351 = tpu.memref_squeeze %parallel_loop3A_350 : memref<1x64x128xf32, #tpu.memory_space<vmem>> -> memref<64x128xf32, #tpu.memory_space<vmem>>
        %parallel_loop3A_352 = tpu.vector_load_idx %parallel_loop3A_351[%parallel_loop3A_347, %parallel_loop3A_207] : memref<64x128xf32, #tpu.memory_space<vmem>>[vector<16xi32>, vector<16xi32>], vector<16xf32>,
        %parallel_loop3A_353 = arith.constant 0 : i32
        %parallel_loop3A_354 = arith.constant 0 : i32
        %parallel_loop3A_355 = tpu.memref_slice %arg7[%rem3A_135, %parallel_loop3A_353, %parallel_loop3A_354] : memref<2x128x128xf32, #tpu.memory_space<vmem>> -> memref<1x128x128xf32, #tpu.memory_space<vmem>>
        %parallel_loop3A_356 = tpu.memref_squeeze %parallel_loop3A_355 : memref<1x128x128xf32, #tpu.memory_space<vmem>> -> memref<128x128xf32, #tpu.memory_space<vmem>>
        tpu.vector_store_idx %parallel_loop3A_356[%parallel_loop3A_207, %parallel_loop3A_347], %parallel_loop3A_352 : memref<128x128xf32, #tpu.memory_space<vmem>>[vector<16xi32>, vector<16xi32>], vector<16xf32>,
        %parallel_loop3A_357 = arith.constant 0 : i32
        %parallel_loop3A_358 = arith.constant 0 : i32
        %parallel_loop3A_359 = tpu.memref_slice %arg6[%rem3A_135, %parallel_loop3A_357, %parallel_loop3A_358] : memref<2x64x128xf32, #tpu.memory_space<vmem>> -> memref<1x64x128xf32, #tpu.memory_space<vmem>>
        %parallel_loop3A_360 = tpu.memref_squeeze %parallel_loop3A_359 : memref<1x64x128xf32, #tpu.memory_space<vmem>> -> memref<64x128xf32, #tpu.memory_space<vmem>>
        %parallel_loop3A_361 = tpu.vector_load_idx %parallel_loop3A_360[%parallel_loop3A_347, %parallel_loop3A_207] : memref<64x128xf32, #tpu.memory_space<vmem>>[vector<16xi32>, vector<16xi32>], vector<16xf32>,
        %parallel_loop3A_362 = arith.constant 64 : i32
        %parallel_loop3A_363 = vector.broadcast %parallel_loop3A_362 : i32 to vector<16xi32>
        %parallel_loop3A_364 = arith.addi %parallel_loop3A_347, %parallel_loop3A_363 : vector<16xi32>
        %parallel_loop3A_365 = arith.constant 0 : i32
        %parallel_loop3A_366 = arith.constant 0 : i32
        %parallel_loop3A_367 = tpu.memref_slice %arg7[%rem3A_135, %parallel_loop3A_365, %parallel_loop3A_366] : memref<2x128x128xf32, #tpu.memory_space<vmem>> -> memref<1x128x128xf32, #tpu.memory_space<vmem>>
        %parallel_loop3A_368 = tpu.memref_squeeze %parallel_loop3A_367 : memref<1x128x128xf32, #tpu.memory_space<vmem>> -> memref<128x128xf32, #tpu.memory_space<vmem>>
        tpu.vector_store_idx %parallel_loop3A_368[%parallel_loop3A_207, %parallel_loop3A_364], %parallel_loop3A_361 : memref<128x128xf32, #tpu.memory_space<vmem>>[vector<16xi32>, vector<16xi32>], vector<16xf32>,
        %parallel_loop3A_369 = vector.broadcast %parallel_loop3A_203 : i32 to vector<16xi32>
        %parallel_loop3A_370 = arith.addi %xor3A_23, %parallel_loop3A_369 : vector<16xi32>
        %parallel_loop3A_371 = arith.constant 0 : i32
        %parallel_loop3A_372 = arith.constant 0 : i32
        %parallel_loop3A_373 = tpu.memref_slice %arg5[%rem3A_135, %parallel_loop3A_371, %parallel_loop3A_372] : memref<2x64x128xf32, #tpu.memory_space<vmem>> -> memref<1x64x128xf32, #tpu.memory_space<vmem>>
        %parallel_loop3A_374 = tpu.memref_squeeze %parallel_loop3A_373 : memref<1x64x128xf32, #tpu.memory_space<vmem>> -> memref<64x128xf32, #tpu.memory_space<vmem>>
        %parallel_loop3A_375 = tpu.vector_load_idx %parallel_loop3A_374[%parallel_loop3A_370, %parallel_loop3A_207] : memref<64x128xf32, #tpu.memory_space<vmem>>[vector<16xi32>, vector<16xi32>], vector<16xf32>,
        %parallel_loop3A_376 = arith.constant 0 : i32
        %parallel_loop3A_377 = arith.constant 0 : i32
        %parallel_loop3A_378 = tpu.memref_slice %arg7[%rem3A_135, %parallel_loop3A_376, %parallel_loop3A_377] : memref<2x128x128xf32, #tpu.memory_space<vmem>> -> memref<1x128x128xf32, #tpu.memory_space<vmem>>
        %parallel_loop3A_379 = tpu.memref_squeeze %parallel_loop3A_378 : memref<1x128x128xf32, #tpu.memory_space<vmem>> -> memref<128x128xf32, #tpu.memory_space<vmem>>
        tpu.vector_store_idx %parallel_loop3A_379[%parallel_loop3A_207, %parallel_loop3A_370], %parallel_loop3A_375 : memref<128x128xf32, #tpu.memory_space<vmem>>[vector<16xi32>, vector<16xi32>], vector<16xf32>,
        %parallel_loop3A_380 = arith.constant 0 : i32
        %parallel_loop3A_381 = arith.constant 0 : i32
        %parallel_loop3A_382 = tpu.memref_slice %arg6[%rem3A_135, %parallel_loop3A_380, %parallel_loop3A_381] : memref<2x64x128xf32, #tpu.memory_space<vmem>> -> memref<1x64x128xf32, #tpu.memory_space<vmem>>
        %parallel_loop3A_383 = tpu.memref_squeeze %parallel_loop3A_382 : memref<1x64x128xf32, #tpu.memory_space<vmem>> -> memref<64x128xf32, #tpu.memory_space<vmem>>
        %parallel_loop3A_384 = tpu.vector_load_idx %parallel_loop3A_383[%parallel_loop3A_370, %parallel_loop3A_207] : memref<64x128xf32, #tpu.memory_space<vmem>>[vector<16xi32>, vector<16xi32>], vector<16xf32>,
        %parallel_loop3A_385 = arith.constant 64 : i32
        %parallel_loop3A_386 = vector.broadcast %parallel_loop3A_385 : i32 to vector<16xi32>
        %parallel_loop3A_387 = arith.addi %parallel_loop3A_370, %parallel_loop3A_386 : vector<16xi32>
        %parallel_loop3A_388 = arith.constant 0 : i32
        %parallel_loop3A_389 = arith.constant 0 : i32
        %parallel_loop3A_390 = tpu.memref_slice %arg7[%rem3A_135, %parallel_loop3A_388, %parallel_loop3A_389] : memref<2x128x128xf32, #tpu.memory_space<vmem>> -> memref<1x128x128xf32, #tpu.memory_space<vmem>>
        %parallel_loop3A_391 = tpu.memref_squeeze %parallel_loop3A_390 : memref<1x128x128xf32, #tpu.memory_space<vmem>> -> memref<128x128xf32, #tpu.memory_space<vmem>>
        tpu.vector_store_idx %parallel_loop3A_391[%parallel_loop3A_207, %parallel_loop3A_387], %parallel_loop3A_384 : memref<128x128xf32, #tpu.memory_space<vmem>>[vector<16xi32>, vector<16xi32>], vector<16xf32>,
        %parallel_loop3A_392 = vector.broadcast %parallel_loop3A_203 : i32 to vector<16xi32>
        %parallel_loop3A_393 = arith.addi %xor3A_26, %parallel_loop3A_392 : vector<16xi32>
        %parallel_loop3A_394 = arith.constant 0 : i32
        %parallel_loop3A_395 = arith.constant 0 : i32
        %parallel_loop3A_396 = tpu.memref_slice %arg5[%rem3A_135, %parallel_loop3A_394, %parallel_loop3A_395] : memref<2x64x128xf32, #tpu.memory_space<vmem>> -> memref<1x64x128xf32, #tpu.memory_space<vmem>>
        %parallel_loop3A_397 = tpu.memref_squeeze %parallel_loop3A_396 : memref<1x64x128xf32, #tpu.memory_space<vmem>> -> memref<64x128xf32, #tpu.memory_space<vmem>>
        %parallel_loop3A_398 = tpu.vector_load_idx %parallel_loop3A_397[%parallel_loop3A_393, %parallel_loop3A_207] : memref<64x128xf32, #tpu.memory_space<vmem>>[vector<16xi32>, vector<16xi32>], vector<16xf32>,
        %parallel_loop3A_399 = arith.constant 0 : i32
        %parallel_loop3A_400 = arith.constant 0 : i32
        %parallel_loop3A_401 = tpu.memref_slice %arg7[%rem3A_135, %parallel_loop3A_399, %parallel_loop3A_400] : memref<2x128x128xf32, #tpu.memory_space<vmem>> -> memref<1x128x128xf32, #tpu.memory_space<vmem>>
        %parallel_loop3A_402 = tpu.memref_squeeze %parallel_loop3A_401 : memref<1x128x128xf32, #tpu.memory_space<vmem>> -> memref<128x128xf32, #tpu.memory_space<vmem>>
        tpu.vector_store_idx %parallel_loop3A_402[%parallel_loop3A_207, %parallel_loop3A_393], %parallel_loop3A_398 : memref<128x128xf32, #tpu.memory_space<vmem>>[vector<16xi32>, vector<16xi32>], vector<16xf32>,
        %parallel_loop3A_403 = arith.constant 0 : i32
        %parallel_loop3A_404 = arith.constant 0 : i32
        %parallel_loop3A_405 = tpu.memref_slice %arg6[%rem3A_135, %parallel_loop3A_403, %parallel_loop3A_404] : memref<2x64x128xf32, #tpu.memory_space<vmem>> -> memref<1x64x128xf32, #tpu.memory_space<vmem>>
        %parallel_loop3A_406 = tpu.memref_squeeze %parallel_loop3A_405 : memref<1x64x128xf32, #tpu.memory_space<vmem>> -> memref<64x128xf32, #tpu.memory_space<vmem>>
        %parallel_loop3A_407 = tpu.vector_load_idx %parallel_loop3A_406[%parallel_loop3A_393, %parallel_loop3A_207] : memref<64x128xf32, #tpu.memory_space<vmem>>[vector<16xi32>, vector<16xi32>], vector<16xf32>,
        %parallel_loop3A_408 = arith.constant 64 : i32
        %parallel_loop3A_409 = vector.broadcast %parallel_loop3A_408 : i32 to vector<16xi32>
        %parallel_loop3A_410 = arith.addi %parallel_loop3A_393, %parallel_loop3A_409 : vector<16xi32>
        %parallel_loop3A_411 = arith.constant 0 : i32
        %parallel_loop3A_412 = arith.constant 0 : i32
        %parallel_loop3A_413 = tpu.memref_slice %arg7[%rem3A_135, %parallel_loop3A_411, %parallel_loop3A_412] : memref<2x128x128xf32, #tpu.memory_space<vmem>> -> memref<1x128x128xf32, #tpu.memory_space<vmem>>
        %parallel_loop3A_414 = tpu.memref_squeeze %parallel_loop3A_413 : memref<1x128x128xf32, #tpu.memory_space<vmem>> -> memref<128x128xf32, #tpu.memory_space<vmem>>
        tpu.vector_store_idx %parallel_loop3A_414[%parallel_loop3A_207, %parallel_loop3A_410], %parallel_loop3A_407 : memref<128x128xf32, #tpu.memory_space<vmem>>[vector<16xi32>, vector<16xi32>], vector<16xf32>,
        %parallel_loop3A_415 = vector.broadcast %parallel_loop3A_203 : i32 to vector<16xi32>
        %parallel_loop3A_416 = arith.addi %xor3A_29, %parallel_loop3A_415 : vector<16xi32>
        %parallel_loop3A_417 = arith.constant 0 : i32
        %parallel_loop3A_418 = arith.constant 0 : i32
        %parallel_loop3A_419 = tpu.memref_slice %arg5[%rem3A_135, %parallel_loop3A_417, %parallel_loop3A_418] : memref<2x64x128xf32, #tpu.memory_space<vmem>> -> memref<1x64x128xf32, #tpu.memory_space<vmem>>
        %parallel_loop3A_420 = tpu.memref_squeeze %parallel_loop3A_419 : memref<1x64x128xf32, #tpu.memory_space<vmem>> -> memref<64x128xf32, #tpu.memory_space<vmem>>
        %parallel_loop3A_421 = tpu.vector_load_idx %parallel_loop3A_420[%parallel_loop3A_416, %parallel_loop3A_207] : memref<64x128xf32, #tpu.memory_space<vmem>>[vector<16xi32>, vector<16xi32>], vector<16xf32>,
        %parallel_loop3A_422 = arith.constant 0 : i32
        %parallel_loop3A_423 = arith.constant 0 : i32
        %parallel_loop3A_424 = tpu.memref_slice %arg7[%rem3A_135, %parallel_loop3A_422, %parallel_loop3A_423] : memref<2x128x128xf32, #tpu.memory_space<vmem>> -> memref<1x128x128xf32, #tpu.memory_space<vmem>>
        %parallel_loop3A_425 = tpu.memref_squeeze %parallel_loop3A_424 : memref<1x128x128xf32, #tpu.memory_space<vmem>> -> memref<128x128xf32, #tpu.memory_space<vmem>>
        tpu.vector_store_idx %parallel_loop3A_425[%parallel_loop3A_207, %parallel_loop3A_416], %parallel_loop3A_421 : memref<128x128xf32, #tpu.memory_space<vmem>>[vector<16xi32>, vector<16xi32>], vector<16xf32>,
        %parallel_loop3A_426 = arith.constant 0 : i32
        %parallel_loop3A_427 = arith.constant 0 : i32
        %parallel_loop3A_428 = tpu.memref_slice %arg6[%rem3A_135, %parallel_loop3A_426, %parallel_loop3A_427] : memref<2x64x128xf32, #tpu.memory_space<vmem>> -> memref<1x64x128xf32, #tpu.memory_space<vmem>>
        %parallel_loop3A_429 = tpu.memref_squeeze %parallel_loop3A_428 : memref<1x64x128xf32, #tpu.memory_space<vmem>> -> memref<64x128xf32, #tpu.memory_space<vmem>>
        %parallel_loop3A_430 = tpu.vector_load_idx %parallel_loop3A_429[%parallel_loop3A_416, %parallel_loop3A_207] : memref<64x128xf32, #tpu.memory_space<vmem>>[vector<16xi32>, vector<16xi32>], vector<16xf32>,
        %parallel_loop3A_431 = arith.constant 64 : i32
        %parallel_loop3A_432 = vector.broadcast %parallel_loop3A_431 : i32 to vector<16xi32>
        %parallel_loop3A_433 = arith.addi %parallel_loop3A_416, %parallel_loop3A_432 : vector<16xi32>
        %parallel_loop3A_434 = arith.constant 0 : i32
        %parallel_loop3A_435 = arith.constant 0 : i32
        %parallel_loop3A_436 = tpu.memref_slice %arg7[%rem3A_135, %parallel_loop3A_434, %parallel_loop3A_435] : memref<2x128x128xf32, #tpu.memory_space<vmem>> -> memref<1x128x128xf32, #tpu.memory_space<vmem>>
        %parallel_loop3A_437 = tpu.memref_squeeze %parallel_loop3A_436 : memref<1x128x128xf32, #tpu.memory_space<vmem>> -> memref<128x128xf32, #tpu.memory_space<vmem>>
        tpu.vector_store_idx %parallel_loop3A_437[%parallel_loop3A_207, %parallel_loop3A_433], %parallel_loop3A_430 : memref<128x128xf32, #tpu.memory_space<vmem>>[vector<16xi32>, vector<16xi32>], vector<16xf32>,
        %parallel_loop3A_438 = vector.broadcast %parallel_loop3A_203 : i32 to vector<16xi32>
        %parallel_loop3A_439 = arith.addi %xor3A_32, %parallel_loop3A_438 : vector<16xi32>
        %parallel_loop3A_440 = arith.constant 0 : i32
        %parallel_loop3A_441 = arith.constant 0 : i32
        %parallel_loop3A_442 = tpu.memref_slice %arg5[%rem3A_135, %parallel_loop3A_440, %parallel_loop3A_441] : memref<2x64x128xf32, #tpu.memory_space<vmem>> -> memref<1x64x128xf32, #tpu.memory_space<vmem>>
        %parallel_loop3A_443 = tpu.memref_squeeze %parallel_loop3A_442 : memref<1x64x128xf32, #tpu.memory_space<vmem>> -> memref<64x128xf32, #tpu.memory_space<vmem>>
        %parallel_loop3A_444 = tpu.vector_load_idx %parallel_loop3A_443[%parallel_loop3A_439, %parallel_loop3A_207] : memref<64x128xf32, #tpu.memory_space<vmem>>[vector<16xi32>, vector<16xi32>], vector<16xf32>,
        %parallel_loop3A_445 = arith.constant 0 : i32
        %parallel_loop3A_446 = arith.constant 0 : i32
        %parallel_loop3A_447 = tpu.memref_slice %arg7[%rem3A_135, %parallel_loop3A_445, %parallel_loop3A_446] : memref<2x128x128xf32, #tpu.memory_space<vmem>> -> memref<1x128x128xf32, #tpu.memory_space<vmem>>
        %parallel_loop3A_448 = tpu.memref_squeeze %parallel_loop3A_447 : memref<1x128x128xf32, #tpu.memory_space<vmem>> -> memref<128x128xf32, #tpu.memory_space<vmem>>
        tpu.vector_store_idx %parallel_loop3A_448[%parallel_loop3A_207, %parallel_loop3A_439], %parallel_loop3A_444 : memref<128x128xf32, #tpu.memory_space<vmem>>[vector<16xi32>, vector<16xi32>], vector<16xf32>,
        %parallel_loop3A_449 = arith.constant 0 : i32
        %parallel_loop3A_450 = arith.constant 0 : i32
        %parallel_loop3A_451 = tpu.memref_slice %arg6[%rem3A_135, %parallel_loop3A_449, %parallel_loop3A_450] : memref<2x64x128xf32, #tpu.memory_space<vmem>> -> memref<1x64x128xf32, #tpu.memory_space<vmem>>
        %parallel_loop3A_452 = tpu.memref_squeeze %parallel_loop3A_451 : memref<1x64x128xf32, #tpu.memory_space<vmem>> -> memref<64x128xf32, #tpu.memory_space<vmem>>
        %parallel_loop3A_453 = tpu.vector_load_idx %parallel_loop3A_452[%parallel_loop3A_439, %parallel_loop3A_207] : memref<64x128xf32, #tpu.memory_space<vmem>>[vector<16xi32>, vector<16xi32>], vector<16xf32>,
        %parallel_loop3A_454 = arith.constant 64 : i32
        %parallel_loop3A_455 = vector.broadcast %parallel_loop3A_454 : i32 to vector<16xi32>
        %parallel_loop3A_456 = arith.addi %parallel_loop3A_439, %parallel_loop3A_455 : vector<16xi32>
        %parallel_loop3A_457 = arith.constant 0 : i32
        %parallel_loop3A_458 = arith.constant 0 : i32
        %parallel_loop3A_459 = tpu.memref_slice %arg7[%rem3A_135, %parallel_loop3A_457, %parallel_loop3A_458] : memref<2x128x128xf32, #tpu.memory_space<vmem>> -> memref<1x128x128xf32, #tpu.memory_space<vmem>>
        %parallel_loop3A_460 = tpu.memref_squeeze %parallel_loop3A_459 : memref<1x128x128xf32, #tpu.memory_space<vmem>> -> memref<128x128xf32, #tpu.memory_space<vmem>>
        tpu.vector_store_idx %parallel_loop3A_460[%parallel_loop3A_207, %parallel_loop3A_456], %parallel_loop3A_453 : memref<128x128xf32, #tpu.memory_space<vmem>>[vector<16xi32>, vector<16xi32>], vector<16xf32>,
        %parallel_loop3A_461 = vector.broadcast %parallel_loop3A_203 : i32 to vector<16xi32>
        %parallel_loop3A_462 = arith.addi %xor3A_35, %parallel_loop3A_461 : vector<16xi32>
        %parallel_loop3A_463 = arith.constant 0 : i32
        %parallel_loop3A_464 = arith.constant 0 : i32
        %parallel_loop3A_465 = tpu.memref_slice %arg5[%rem3A_135, %parallel_loop3A_463, %parallel_loop3A_464] : memref<2x64x128xf32, #tpu.memory_space<vmem>> -> memref<1x64x128xf32, #tpu.memory_space<vmem>>
        %parallel_loop3A_466 = tpu.memref_squeeze %parallel_loop3A_465 : memref<1x64x128xf32, #tpu.memory_space<vmem>> -> memref<64x128xf32, #tpu.memory_space<vmem>>
        %parallel_loop3A_467 = tpu.vector_load_idx %parallel_loop3A_466[%parallel_loop3A_462, %parallel_loop3A_207] : memref<64x128xf32, #tpu.memory_space<vmem>>[vector<16xi32>, vector<16xi32>], vector<16xf32>,
        %parallel_loop3A_468 = arith.constant 0 : i32
        %parallel_loop3A_469 = arith.constant 0 : i32
        %parallel_loop3A_470 = tpu.memref_slice %arg7[%rem3A_135, %parallel_loop3A_468, %parallel_loop3A_469] : memref<2x128x128xf32, #tpu.memory_space<vmem>> -> memref<1x128x128xf32, #tpu.memory_space<vmem>>
        %parallel_loop3A_471 = tpu.memref_squeeze %parallel_loop3A_470 : memref<1x128x128xf32, #tpu.memory_space<vmem>> -> memref<128x128xf32, #tpu.memory_space<vmem>>
        tpu.vector_store_idx %parallel_loop3A_471[%parallel_loop3A_207, %parallel_loop3A_462], %parallel_loop3A_467 : memref<128x128xf32, #tpu.memory_space<vmem>>[vector<16xi32>, vector<16xi32>], vector<16xf32>,
        %parallel_loop3A_472 = arith.constant 0 : i32
        %parallel_loop3A_473 = arith.constant 0 : i32
        %parallel_loop3A_474 = tpu.memref_slice %arg6[%rem3A_135, %parallel_loop3A_472, %parallel_loop3A_473] : memref<2x64x128xf32, #tpu.memory_space<vmem>> -> memref<1x64x128xf32, #tpu.memory_space<vmem>>
        %parallel_loop3A_475 = tpu.memref_squeeze %parallel_loop3A_474 : memref<1x64x128xf32, #tpu.memory_space<vmem>> -> memref<64x128xf32, #tpu.memory_space<vmem>>
        %parallel_loop3A_476 = tpu.vector_load_idx %parallel_loop3A_475[%parallel_loop3A_462, %parallel_loop3A_207] : memref<64x128xf32, #tpu.memory_space<vmem>>[vector<16xi32>, vector<16xi32>], vector<16xf32>,
        %parallel_loop3A_477 = arith.constant 64 : i32
        %parallel_loop3A_478 = vector.broadcast %parallel_loop3A_477 : i32 to vector<16xi32>
        %parallel_loop3A_479 = arith.addi %parallel_loop3A_462, %parallel_loop3A_478 : vector<16xi32>
        %parallel_loop3A_480 = arith.constant 0 : i32
        %parallel_loop3A_481 = arith.constant 0 : i32
        %parallel_loop3A_482 = tpu.memref_slice %arg7[%rem3A_135, %parallel_loop3A_480, %parallel_loop3A_481] : memref<2x128x128xf32, #tpu.memory_space<vmem>> -> memref<1x128x128xf32, #tpu.memory_space<vmem>>
        %parallel_loop3A_483 = tpu.memref_squeeze %parallel_loop3A_482 : memref<1x128x128xf32, #tpu.memory_space<vmem>> -> memref<128x128xf32, #tpu.memory_space<vmem>>
        tpu.vector_store_idx %parallel_loop3A_483[%parallel_loop3A_207, %parallel_loop3A_479], %parallel_loop3A_476 : memref<128x128xf32, #tpu.memory_space<vmem>>[vector<16xi32>, vector<16xi32>], vector<16xf32>,
        %parallel_loop3A_484 = vector.broadcast %parallel_loop3A_203 : i32 to vector<16xi32>
        %parallel_loop3A_485 = arith.addi %xor3A_38, %parallel_loop3A_484 : vector<16xi32>
        %parallel_loop3A_486 = arith.constant 0 : i32
        %parallel_loop3A_487 = arith.constant 0 : i32
        %parallel_loop3A_488 = tpu.memref_slice %arg5[%rem3A_135, %parallel_loop3A_486, %parallel_loop3A_487] : memref<2x64x128xf32, #tpu.memory_space<vmem>> -> memref<1x64x128xf32, #tpu.memory_space<vmem>>
        %parallel_loop3A_489 = tpu.memref_squeeze %parallel_loop3A_488 : memref<1x64x128xf32, #tpu.memory_space<vmem>> -> memref<64x128xf32, #tpu.memory_space<vmem>>
        %parallel_loop3A_490 = tpu.vector_load_idx %parallel_loop3A_489[%parallel_loop3A_485, %parallel_loop3A_207] : memref<64x128xf32, #tpu.memory_space<vmem>>[vector<16xi32>, vector<16xi32>], vector<16xf32>,
        %parallel_loop3A_491 = arith.constant 0 : i32
        %parallel_loop3A_492 = arith.constant 0 : i32
        %parallel_loop3A_493 = tpu.memref_slice %arg7[%rem3A_135, %parallel_loop3A_491, %parallel_loop3A_492] : memref<2x128x128xf32, #tpu.memory_space<vmem>> -> memref<1x128x128xf32, #tpu.memory_space<vmem>>
        %parallel_loop3A_494 = tpu.memref_squeeze %parallel_loop3A_493 : memref<1x128x128xf32, #tpu.memory_space<vmem>> -> memref<128x128xf32, #tpu.memory_space<vmem>>
        tpu.vector_store_idx %parallel_loop3A_494[%parallel_loop3A_207, %parallel_loop3A_485], %parallel_loop3A_490 : memref<128x128xf32, #tpu.memory_space<vmem>>[vector<16xi32>, vector<16xi32>], vector<16xf32>,
        %parallel_loop3A_495 = arith.constant 0 : i32
        %parallel_loop3A_496 = arith.constant 0 : i32
        %parallel_loop3A_497 = tpu.memref_slice %arg6[%rem3A_135, %parallel_loop3A_495, %parallel_loop3A_496] : memref<2x64x128xf32, #tpu.memory_space<vmem>> -> memref<1x64x128xf32, #tpu.memory_space<vmem>>
        %parallel_loop3A_498 = tpu.memref_squeeze %parallel_loop3A_497 : memref<1x64x128xf32, #tpu.memory_space<vmem>> -> memref<64x128xf32, #tpu.memory_space<vmem>>
        %parallel_loop3A_499 = tpu.vector_load_idx %parallel_loop3A_498[%parallel_loop3A_485, %parallel_loop3A_207] : memref<64x128xf32, #tpu.memory_space<vmem>>[vector<16xi32>, vector<16xi32>], vector<16xf32>,
        %parallel_loop3A_500 = arith.constant 64 : i32
        %parallel_loop3A_501 = vector.broadcast %parallel_loop3A_500 : i32 to vector<16xi32>
        %parallel_loop3A_502 = arith.addi %parallel_loop3A_485, %parallel_loop3A_501 : vector<16xi32>
        %parallel_loop3A_503 = arith.constant 0 : i32
        %parallel_loop3A_504 = arith.constant 0 : i32
        %parallel_loop3A_505 = tpu.memref_slice %arg7[%rem3A_135, %parallel_loop3A_503, %parallel_loop3A_504] : memref<2x128x128xf32, #tpu.memory_space<vmem>> -> memref<1x128x128xf32, #tpu.memory_space<vmem>>
        %parallel_loop3A_506 = tpu.memref_squeeze %parallel_loop3A_505 : memref<1x128x128xf32, #tpu.memory_space<vmem>> -> memref<128x128xf32, #tpu.memory_space<vmem>>
        tpu.vector_store_idx %parallel_loop3A_506[%parallel_loop3A_207, %parallel_loop3A_502], %parallel_loop3A_499 : memref<128x128xf32, #tpu.memory_space<vmem>>[vector<16xi32>, vector<16xi32>], vector<16xf32>,
        %parallel_loop3A_507 = vector.broadcast %parallel_loop3A_203 : i32 to vector<16xi32>
        %parallel_loop3A_508 = arith.addi %xor3A_41, %parallel_loop3A_507 : vector<16xi32>
        %parallel_loop3A_509 = arith.constant 0 : i32
        %parallel_loop3A_510 = arith.constant 0 : i32
        %parallel_loop3A_511 = tpu.memref_slice %arg5[%rem3A_135, %parallel_loop3A_509, %parallel_loop3A_510] : memref<2x64x128xf32, #tpu.memory_space<vmem>> -> memref<1x64x128xf32, #tpu.memory_space<vmem>>
        %parallel_loop3A_512 = tpu.memref_squeeze %parallel_loop3A_511 : memref<1x64x128xf32, #tpu.memory_space<vmem>> -> memref<64x128xf32, #tpu.memory_space<vmem>>
        %parallel_loop3A_513 = tpu.vector_load_idx %parallel_loop3A_512[%parallel_loop3A_508, %parallel_loop3A_207] : memref<64x128xf32, #tpu.memory_space<vmem>>[vector<16xi32>, vector<16xi32>], vector<16xf32>,
        %parallel_loop3A_514 = arith.constant 0 : i32
        %parallel_loop3A_515 = arith.constant 0 : i32
        %parallel_loop3A_516 = tpu.memref_slice %arg7[%rem3A_135, %parallel_loop3A_514, %parallel_loop3A_515] : memref<2x128x128xf32, #tpu.memory_space<vmem>> -> memref<1x128x128xf32, #tpu.memory_space<vmem>>
        %parallel_loop3A_517 = tpu.memref_squeeze %parallel_loop3A_516 : memref<1x128x128xf32, #tpu.memory_space<vmem>> -> memref<128x128xf32, #tpu.memory_space<vmem>>
        tpu.vector_store_idx %parallel_loop3A_517[%parallel_loop3A_207, %parallel_loop3A_508], %parallel_loop3A_513 : memref<128x128xf32, #tpu.memory_space<vmem>>[vector<16xi32>, vector<16xi32>], vector<16xf32>,
        %parallel_loop3A_518 = arith.constant 0 : i32
        %parallel_loop3A_519 = arith.constant 0 : i32
        %parallel_loop3A_520 = tpu.memref_slice %arg6[%rem3A_135, %parallel_loop3A_518, %parallel_loop3A_519] : memref<2x64x128xf32, #tpu.memory_space<vmem>> -> memref<1x64x128xf32, #tpu.memory_space<vmem>>
        %parallel_loop3A_521 = tpu.memref_squeeze %parallel_loop3A_520 : memref<1x64x128xf32, #tpu.memory_space<vmem>> -> memref<64x128xf32, #tpu.memory_space<vmem>>
        %parallel_loop3A_522 = tpu.vector_load_idx %parallel_loop3A_521[%parallel_loop3A_508, %parallel_loop3A_207] : memref<64x128xf32, #tpu.memory_space<vmem>>[vector<16xi32>, vector<16xi32>], vector<16xf32>,
        %parallel_loop3A_523 = arith.constant 64 : i32
        %parallel_loop3A_524 = vector.broadcast %parallel_loop3A_523 : i32 to vector<16xi32>
        %parallel_loop3A_525 = arith.addi %parallel_loop3A_508, %parallel_loop3A_524 : vector<16xi32>
        %parallel_loop3A_526 = arith.constant 0 : i32
        %parallel_loop3A_527 = arith.constant 0 : i32
        %parallel_loop3A_528 = tpu.memref_slice %arg7[%rem3A_135, %parallel_loop3A_526, %parallel_loop3A_527] : memref<2x128x128xf32, #tpu.memory_space<vmem>> -> memref<1x128x128xf32, #tpu.memory_space<vmem>>
        %parallel_loop3A_529 = tpu.memref_squeeze %parallel_loop3A_528 : memref<1x128x128xf32, #tpu.memory_space<vmem>> -> memref<128x128xf32, #tpu.memory_space<vmem>>
        tpu.vector_store_idx %parallel_loop3A_529[%parallel_loop3A_207, %parallel_loop3A_525], %parallel_loop3A_522 : memref<128x128xf32, #tpu.memory_space<vmem>>[vector<16xi32>, vector<16xi32>], vector<16xf32>,
        %parallel_loop3A_530 = vector.broadcast %parallel_loop3A_203 : i32 to vector<16xi32>
        %parallel_loop3A_531 = arith.addi %xor3A_44, %parallel_loop3A_530 : vector<16xi32>
        %parallel_loop3A_532 = arith.constant 0 : i32
        %parallel_loop3A_533 = arith.constant 0 : i32
        %parallel_loop3A_534 = tpu.memref_slice %arg5[%rem3A_135, %parallel_loop3A_532, %parallel_loop3A_533] : memref<2x64x128xf32, #tpu.memory_space<vmem>> -> memref<1x64x128xf32, #tpu.memory_space<vmem>>
        %parallel_loop3A_535 = tpu.memref_squeeze %parallel_loop3A_534 : memref<1x64x128xf32, #tpu.memory_space<vmem>> -> memref<64x128xf32, #tpu.memory_space<vmem>>
        %parallel_loop3A_536 = tpu.vector_load_idx %parallel_loop3A_535[%parallel_loop3A_531, %parallel_loop3A_207] : memref<64x128xf32, #tpu.memory_space<vmem>>[vector<16xi32>, vector<16xi32>], vector<16xf32>,
        %parallel_loop3A_537 = arith.constant 0 : i32
        %parallel_loop3A_538 = arith.constant 0 : i32
        %parallel_loop3A_539 = tpu.memref_slice %arg7[%rem3A_135, %parallel_loop3A_537, %parallel_loop3A_538] : memref<2x128x128xf32, #tpu.memory_space<vmem>> -> memref<1x128x128xf32, #tpu.memory_space<vmem>>
        %parallel_loop3A_540 = tpu.memref_squeeze %parallel_loop3A_539 : memref<1x128x128xf32, #tpu.memory_space<vmem>> -> memref<128x128xf32, #tpu.memory_space<vmem>>
        tpu.vector_store_idx %parallel_loop3A_540[%parallel_loop3A_207, %parallel_loop3A_531], %parallel_loop3A_536 : memref<128x128xf32, #tpu.memory_space<vmem>>[vector<16xi32>, vector<16xi32>], vector<16xf32>,
        %parallel_loop3A_541 = arith.constant 0 : i32
        %parallel_loop3A_542 = arith.constant 0 : i32
        %parallel_loop3A_543 = tpu.memref_slice %arg6[%rem3A_135, %parallel_loop3A_541, %parallel_loop3A_542] : memref<2x64x128xf32, #tpu.memory_space<vmem>> -> memref<1x64x128xf32, #tpu.memory_space<vmem>>
        %parallel_loop3A_544 = tpu.memref_squeeze %parallel_loop3A_543 : memref<1x64x128xf32, #tpu.memory_space<vmem>> -> memref<64x128xf32, #tpu.memory_space<vmem>>
        %parallel_loop3A_545 = tpu.vector_load_idx %parallel_loop3A_544[%parallel_loop3A_531, %parallel_loop3A_207] : memref<64x128xf32, #tpu.memory_space<vmem>>[vector<16xi32>, vector<16xi32>], vector<16xf32>,
        %parallel_loop3A_546 = arith.constant 64 : i32
        %parallel_loop3A_547 = vector.broadcast %parallel_loop3A_546 : i32 to vector<16xi32>
        %parallel_loop3A_548 = arith.addi %parallel_loop3A_531, %parallel_loop3A_547 : vector<16xi32>
        %parallel_loop3A_549 = arith.constant 0 : i32
        %parallel_loop3A_550 = arith.constant 0 : i32
        %parallel_loop3A_551 = tpu.memref_slice %arg7[%rem3A_135, %parallel_loop3A_549, %parallel_loop3A_550] : memref<2x128x128xf32, #tpu.memory_space<vmem>> -> memref<1x128x128xf32, #tpu.memory_space<vmem>>
        %parallel_loop3A_552 = tpu.memref_squeeze %parallel_loop3A_551 : memref<1x128x128xf32, #tpu.memory_space<vmem>> -> memref<128x128xf32, #tpu.memory_space<vmem>>
        tpu.vector_store_idx %parallel_loop3A_552[%parallel_loop3A_207, %parallel_loop3A_548], %parallel_loop3A_545 : memref<128x128xf32, #tpu.memory_space<vmem>>[vector<16xi32>, vector<16xi32>], vector<16xf32>,
        %parallel_loop3A_553 = vector.broadcast %parallel_loop3A_203 : i32 to vector<16xi32>
        %parallel_loop3A_554 = arith.addi %xor3A_47, %parallel_loop3A_553 : vector<16xi32>
        %parallel_loop3A_555 = arith.constant 0 : i32
        %parallel_loop3A_556 = arith.constant 0 : i32
        %parallel_loop3A_557 = tpu.memref_slice %arg5[%rem3A_135, %parallel_loop3A_555, %parallel_loop3A_556] : memref<2x64x128xf32, #tpu.memory_space<vmem>> -> memref<1x64x128xf32, #tpu.memory_space<vmem>>
        %parallel_loop3A_558 = tpu.memref_squeeze %parallel_loop3A_557 : memref<1x64x128xf32, #tpu.memory_space<vmem>> -> memref<64x128xf32, #tpu.memory_space<vmem>>
        %parallel_loop3A_559 = tpu.vector_load_idx %parallel_loop3A_558[%parallel_loop3A_554, %parallel_loop3A_207] : memref<64x128xf32, #tpu.memory_space<vmem>>[vector<16xi32>, vector<16xi32>], vector<16xf32>,
        %parallel_loop3A_560 = arith.constant 0 : i32
        %parallel_loop3A_561 = arith.constant 0 : i32
        %parallel_loop3A_562 = tpu.memref_slice %arg7[%rem3A_135, %parallel_loop3A_560, %parallel_loop3A_561] : memref<2x128x128xf32, #tpu.memory_space<vmem>> -> memref<1x128x128xf32, #tpu.memory_space<vmem>>
        %parallel_loop3A_563 = tpu.memref_squeeze %parallel_loop3A_562 : memref<1x128x128xf32, #tpu.memory_space<vmem>> -> memref<128x128xf32, #tpu.memory_space<vmem>>
        tpu.vector_store_idx %parallel_loop3A_563[%parallel_loop3A_207, %parallel_loop3A_554], %parallel_loop3A_559 : memref<128x128xf32, #tpu.memory_space<vmem>>[vector<16xi32>, vector<16xi32>], vector<16xf32>,
        %parallel_loop3A_564 = arith.constant 0 : i32
        %parallel_loop3A_565 = arith.constant 0 : i32
        %parallel_loop3A_566 = tpu.memref_slice %arg6[%rem3A_135, %parallel_loop3A_564, %parallel_loop3A_565] : memref<2x64x128xf32, #tpu.memory_space<vmem>> -> memref<1x64x128xf32, #tpu.memory_space<vmem>>
        %parallel_loop3A_567 = tpu.memref_squeeze %parallel_loop3A_566 : memref<1x64x128xf32, #tpu.memory_space<vmem>> -> memref<64x128xf32, #tpu.memory_space<vmem>>
        %parallel_loop3A_568 = tpu.vector_load_idx %parallel_loop3A_567[%parallel_loop3A_554, %parallel_loop3A_207] : memref<64x128xf32, #tpu.memory_space<vmem>>[vector<16xi32>, vector<16xi32>], vector<16xf32>,
        %parallel_loop3A_569 = arith.constant 64 : i32
        %parallel_loop3A_570 = vector.broadcast %parallel_loop3A_569 : i32 to vector<16xi32>
        %parallel_loop3A_571 = arith.addi %parallel_loop3A_554, %parallel_loop3A_570 : vector<16xi32>
        %parallel_loop3A_572 = arith.constant 0 : i32
        %parallel_loop3A_573 = arith.constant 0 : i32
        %parallel_loop3A_574 = tpu.memref_slice %arg7[%rem3A_135, %parallel_loop3A_572, %parallel_loop3A_573] : memref<2x128x128xf32, #tpu.memory_space<vmem>> -> memref<1x128x128xf32, #tpu.memory_space<vmem>>
        %parallel_loop3A_575 = tpu.memref_squeeze %parallel_loop3A_574 : memref<1x128x128xf32, #tpu.memory_space<vmem>> -> memref<128x128xf32, #tpu.memory_space<vmem>>
        tpu.vector_store_idx %parallel_loop3A_575[%parallel_loop3A_207, %parallel_loop3A_571], %parallel_loop3A_568 : memref<128x128xf32, #tpu.memory_space<vmem>>[vector<16xi32>, vector<16xi32>], vector<16xf32>,
      } {sc.loop_unroll_factor = 1 : i64, sc.parallel_access}
      %add3A_174 = arith.addi %add3A_51, %while3A_133 : i32
      %mul3A_175 = arith.constant 128 : i32
      %mul3A_176 = arith.muli %add3A_174, %mul3A_175 : i32
      %dma_start3A_177 = arith.constant 0 : i32
      %dma_start3A_178 = arith.constant 0 : i32
      %dma_start3A_179 = tpu.memref_slice %arg7[%rem3A_135, %dma_start3A_177, %dma_start3A_178] : memref<2x128x128xf32, #tpu.memory_space<vmem>> -> memref<1x128x128xf32, #tpu.memory_space<vmem>>
      %dma_start3A_180 = tpu.memref_squeeze %dma_start3A_179 : memref<1x128x128xf32, #tpu.memory_space<vmem>> -> memref<128x128xf32, #tpu.memory_space<vmem>>
      %dma_start3A_181 = arith.constant 0 : i32
      %dma_start3A_182 = tpu.memref_slice %arg4[%mul3A_176, %dma_start3A_181] : memref<500032x128xf32, #tpu.memory_space<hbm>> -> memref<128x128xf32, #tpu.memory_space<hbm>>
      %dma_start3A_183 = tpu.memref_slice %arg9[%rem3A_135] : memref<2x!tpu.dma_semaphore, #tpu.memory_space<semaphore_mem>> -> memref<1x!tpu.dma_semaphore, #tpu.memory_space<semaphore_mem>>
      %dma_start3A_184 = tpu.memref_squeeze %dma_start3A_183 : memref<1x!tpu.dma_semaphore, #tpu.memory_space<semaphore_mem>> -> memref<!tpu.dma_semaphore, #tpu.memory_space<semaphore_mem>>
      %dma_start3A_185 = arith.constant 0 : i32
      %dma_start3A_186 = tpu.memref_slice %arg4[%mul3A_176, %dma_start3A_185] : memref<500032x128xf32, #tpu.memory_space<hbm>> -> memref<128x128xf32, #tpu.memory_space<hbm>>
      %dma_start3A_187 = arith.constant 0 : i32
      %dma_start3A_188 = arith.constant 0 : i32
      %dma_start3A_189 = tpu.memref_slice %arg7[%rem3A_135, %dma_start3A_187, %dma_start3A_188] : memref<2x128x128xf32, #tpu.memory_space<vmem>> -> memref<1x128x128xf32, #tpu.memory_space<vmem>>
      %dma_start3A_190 = tpu.memref_squeeze %dma_start3A_189 : memref<1x128x128xf32, #tpu.memory_space<vmem>> -> memref<128x128xf32, #tpu.memory_space<vmem>>
      tpu.enqueue_dma source(%dma_start3A_190 : memref<128x128xf32, #tpu.memory_space<vmem>>) target(%dma_start3A_186 : memref<128x128xf32, #tpu.memory_space<hbm>>) target_semaphore(%dma_start3A_184 : memref<!tpu.dma_semaphore, #tpu.memory_space<semaphore_mem>>)
      %add3A_191 = arith.constant 2 : i32
      %add3A_192 = arith.addi %while3A_133, %add3A_191 : i32
      %lt3A_193 = arith.cmpi slt, %add3A_192, %add3A_58 : i32
      %convert_element_type3A_194 = arith.extui %lt3A_193 : i1 to i32
      %cond3A_195 = arith.constant 0 : i32
      %cond3A_196 = arith.cmpi ne, %convert_element_type3A_194, %cond3A_195 : i32
      scf.if %cond3A_196 {
        %add3A_197 = arith.addi %add3A_51, %while3A_133 : i32
        %add3A_198 = arith.constant 2 : i32
        %add3A_199 = arith.addi %add3A_197, %add3A_198 : i32
        %mul3A_200 = arith.constant 256 : i32
        %mul3A_201 = arith.muli %add3A_199, %mul3A_200 : i32
        %dma_start3A_202 = arith.constant 0 : i32
        %dma_start3A_203 = arith.constant 0 : i32
        %dma_start3A_204 = tpu.memref_slice %arg5[%rem3A_135, %dma_start3A_202, %dma_start3A_203] : memref<2x64x128xf32, #tpu.memory_space<vmem>> -> memref<1x64x128xf32, #tpu.memory_space<vmem>>
        %dma_start3A_205 = tpu.memref_squeeze %dma_start3A_204 : memref<1x64x128xf32, #tpu.memory_space<vmem>> -> memref<64x128xf32, #tpu.memory_space<vmem>>
        %dma_start3A_206 = arith.constant 0 : i32
        %dma_start3A_207 = tpu.memref_slice %arg2[%dma_start3A_206, %mul3A_201] : memref<64x1000000xf32, #tpu.memory_space<hbm>> -> memref<64x128xf32, #tpu.memory_space<hbm>>
        %dma_start3A_208 = tpu.memref_slice %arg8[%rem3A_135] : memref<2x!tpu.dma_semaphore, #tpu.memory_space<semaphore_mem>> -> memref<1x!tpu.dma_semaphore, #tpu.memory_space<semaphore_mem>>
        %dma_start3A_209 = tpu.memref_squeeze %dma_start3A_208 : memref<1x!tpu.dma_semaphore, #tpu.memory_space<semaphore_mem>> -> memref<!tpu.dma_semaphore, #tpu.memory_space<semaphore_mem>>
        %dma_start3A_210 = arith.constant 0 : i32
        %dma_start3A_211 = arith.constant 0 : i32
        %dma_start3A_212 = tpu.memref_slice %arg5[%rem3A_135, %dma_start3A_210, %dma_start3A_211] : memref<2x64x128xf32, #tpu.memory_space<vmem>> -> memref<1x64x128xf32, #tpu.memory_space<vmem>>
        %dma_start3A_213 = tpu.memref_squeeze %dma_start3A_212 : memref<1x64x128xf32, #tpu.memory_space<vmem>> -> memref<64x128xf32, #tpu.memory_space<vmem>>
        %dma_start3A_214 = arith.constant 0 : i32
        %dma_start3A_215 = tpu.memref_slice %arg2[%dma_start3A_214, %mul3A_201] : memref<64x1000000xf32, #tpu.memory_space<hbm>> -> memref<64x128xf32, #tpu.memory_space<hbm>>
        tpu.enqueue_dma source(%dma_start3A_215 : memref<64x128xf32, #tpu.memory_space<hbm>>) target(%dma_start3A_213 : memref<64x128xf32, #tpu.memory_space<vmem>>) target_semaphore(%dma_start3A_209 : memref<!tpu.dma_semaphore, #tpu.memory_space<semaphore_mem>>)
        %mul3A_216 = arith.constant 256 : i32
        %mul3A_217 = arith.muli %add3A_199, %mul3A_216 : i32
        %add3A_218 = arith.constant 128 : i32
        %add3A_219 = arith.addi %mul3A_217, %add3A_218 : i32
        %dma_start3A_220 = arith.constant 0 : i32
        %dma_start3A_221 = arith.constant 0 : i32
        %dma_start3A_222 = tpu.memref_slice %arg6[%rem3A_135, %dma_start3A_220, %dma_start3A_221] : memref<2x64x128xf32, #tpu.memory_space<vmem>> -> memref<1x64x128xf32, #tpu.memory_space<vmem>>
        %dma_start3A_223 = tpu.memref_squeeze %dma_start3A_222 : memref<1x64x128xf32, #tpu.memory_space<vmem>> -> memref<64x128xf32, #tpu.memory_space<vmem>>
        %dma_start3A_224 = arith.constant 0 : i32
        %dma_start3A_225 = tpu.memref_slice %arg2[%dma_start3A_224, %add3A_219] : memref<64x1000000xf32, #tpu.memory_space<hbm>> -> memref<64x128xf32, #tpu.memory_space<hbm>>
        %dma_start3A_226 = tpu.memref_slice %arg8[%rem3A_135] : memref<2x!tpu.dma_semaphore, #tpu.memory_space<semaphore_mem>> -> memref<1x!tpu.dma_semaphore, #tpu.memory_space<semaphore_mem>>
        %dma_start3A_227 = tpu.memref_squeeze %dma_start3A_226 : memref<1x!tpu.dma_semaphore, #tpu.memory_space<semaphore_mem>> -> memref<!tpu.dma_semaphore, #tpu.memory_space<semaphore_mem>>
        %dma_start3A_228 = arith.constant 0 : i32
        %dma_start3A_229 = arith.constant 0 : i32
        %dma_start3A_230 = tpu.memref_slice %arg6[%rem3A_135, %dma_start3A_228, %dma_start3A_229] : memref<2x64x128xf32, #tpu.memory_space<vmem>> -> memref<1x64x128xf32, #tpu.memory_space<vmem>>
        %dma_start3A_231 = tpu.memref_squeeze %dma_start3A_230 : memref<1x64x128xf32, #tpu.memory_space<vmem>> -> memref<64x128xf32, #tpu.memory_space<vmem>>
        %dma_start3A_232 = arith.constant 0 : i32
        %dma_start3A_233 = tpu.memref_slice %arg2[%dma_start3A_232, %add3A_219] : memref<64x1000000xf32, #tpu.memory_space<hbm>> -> memref<64x128xf32, #tpu.memory_space<hbm>>
        tpu.enqueue_dma source(%dma_start3A_233 : memref<64x128xf32, #tpu.memory_space<hbm>>) target(%dma_start3A_231 : memref<64x128xf32, #tpu.memory_space<vmem>>) target_semaphore(%dma_start3A_227 : memref<!tpu.dma_semaphore, #tpu.memory_space<semaphore_mem>>)
      } else {
      }
    }
    %while3A_106 = arith.constant 1 : i32
    scf.for %while3A_133 = %while3A_104 to %while3A_100 step %while3A_106  : i32 {
      %rem3A_134 = arith.constant 2 : i32
      %rem3A_135 = arith.remsi %while3A_133, %rem3A_134 : i32
      %ge3A = arith.constant 2 : i32
      %ge3A_136 = arith.cmpi sge, %while3A_133, %ge3A : i32
      %convert_element_type3A_137 = arith.extui %ge3A_136 : i1 to i32
      %cond3A_138 = arith.constant 0 : i32
      %cond3A_139 = arith.cmpi ne, %convert_element_type3A_137, %cond3A_138 : i32
      scf.if %cond3A_139 {
        %dma_wait3A_197 = arith.constant 0 : i32
        %dma_wait3A_198 = arith.constant 0 : i32
        %dma_wait3A_199 = tpu.memref_slice %arg7[%rem3A_135, %dma_wait3A_197, %dma_wait3A_198] : memref<2x128x128xf32, #tpu.memory_space<vmem>> -> memref<1x128x128xf32, #tpu.memory_space<vmem>>
        %dma_wait3A_200 = tpu.memref_squeeze %dma_wait3A_199 : memref<1x128x128xf32, #tpu.memory_space<vmem>> -> memref<128x128xf32, #tpu.memory_space<vmem>>
        %dma_wait3A_201 = arith.constant 0 : i32
        %dma_wait3A_202 = arith.constant 0 : i32
        %dma_wait3A_203 = tpu.memref_slice %arg4[%dma_wait3A_201, %dma_wait3A_202] : memref<500032x128xf32, #tpu.memory_space<hbm>> -> memref<128x128xf32, #tpu.memory_space<hbm>>
        %dma_wait3A_204 = tpu.memref_slice %arg9[%rem3A_135] : memref<2x!tpu.dma_semaphore, #tpu.memory_space<semaphore_mem>> -> memref<1x!tpu.dma_semaphore, #tpu.memory_space<semaphore_mem>>
        %dma_wait3A_205 = tpu.memref_squeeze %dma_wait3A_204 : memref<1x!tpu.dma_semaphore, #tpu.memory_space<semaphore_mem>> -> memref<!tpu.dma_semaphore, #tpu.memory_space<semaphore_mem>>
        %dma_wait3A_206 = arith.constant 0 : i32
        %dma_wait3A_207 = arith.constant 0 : i32
        %dma_wait3A_208 = tpu.memref_slice %arg4[%dma_wait3A_206, %dma_wait3A_207] : memref<500032x128xf32, #tpu.memory_space<hbm>> -> memref<128x128xf32, #tpu.memory_space<hbm>>
        %dma_wait3A_209 = arith.constant 0 : i32
        %dma_wait3A_210 = arith.constant 0 : i32
        %dma_wait3A_211 = tpu.memref_slice %arg7[%rem3A_135, %dma_wait3A_209, %dma_wait3A_210] : memref<2x128x128xf32, #tpu.memory_space<vmem>> -> memref<1x128x128xf32, #tpu.memory_space<vmem>>
        %dma_wait3A_212 = tpu.memref_squeeze %dma_wait3A_211 : memref<1x128x128xf32, #tpu.memory_space<vmem>> -> memref<128x128xf32, #tpu.memory_space<vmem>>
        tpu.wait_dma2 semaphore(%dma_wait3A_205 : memref<!tpu.dma_semaphore, #tpu.memory_space<semaphore_mem>>) src(%dma_wait3A_212 : memref<128x128xf32, #tpu.memory_space<vmem>>) dst(%dma_wait3A_208 : memref<128x128xf32, #tpu.memory_space<hbm>>)
      } else {
      }
      %dma_wait3A_140 = arith.constant 0 : i32
      %dma_wait3A_141 = arith.constant 0 : i32
      %dma_wait3A_142 = tpu.memref_slice %arg5[%rem3A_135, %dma_wait3A_140, %dma_wait3A_141] : memref<2x64x128xf32, #tpu.memory_space<vmem>> -> memref<1x64x128xf32, #tpu.memory_space<vmem>>
      %dma_wait3A_143 = tpu.memref_squeeze %dma_wait3A_142 : memref<1x64x128xf32, #tpu.memory_space<vmem>> -> memref<64x128xf32, #tpu.memory_space<vmem>>
      %dma_wait3A_144 = arith.constant 0 : i32
      %dma_wait3A_145 = arith.constant 0 : i32
      %dma_wait3A_146 = tpu.memref_slice %arg2[%dma_wait3A_144, %dma_wait3A_145] : memref<64x1000000xf32, #tpu.memory_space<hbm>> -> memref<64x128xf32, #tpu.memory_space<hbm>>
      %dma_wait3A_147 = tpu.memref_slice %arg8[%rem3A_135] : memref<2x!tpu.dma_semaphore, #tpu.memory_space<semaphore_mem>> -> memref<1x!tpu.dma_semaphore, #tpu.memory_space<semaphore_mem>>
      %dma_wait3A_148 = tpu.memref_squeeze %dma_wait3A_147 : memref<1x!tpu.dma_semaphore, #tpu.memory_space<semaphore_mem>> -> memref<!tpu.dma_semaphore, #tpu.memory_space<semaphore_mem>>
      %dma_wait3A_149 = arith.constant 0 : i32
      %dma_wait3A_150 = arith.constant 0 : i32
      %dma_wait3A_151 = tpu.memref_slice %arg5[%rem3A_135, %dma_wait3A_149, %dma_wait3A_150] : memref<2x64x128xf32, #tpu.memory_space<vmem>> -> memref<1x64x128xf32, #tpu.memory_space<vmem>>
      %dma_wait3A_152 = tpu.memref_squeeze %dma_wait3A_151 : memref<1x64x128xf32, #tpu.memory_space<vmem>> -> memref<64x128xf32, #tpu.memory_space<vmem>>
      %dma_wait3A_153 = arith.constant 0 : i32
      %dma_wait3A_154 = arith.constant 0 : i32
      %dma_wait3A_155 = tpu.memref_slice %arg2[%dma_wait3A_153, %dma_wait3A_154] : memref<64x1000000xf32, #tpu.memory_space<hbm>> -> memref<64x128xf32, #tpu.memory_space<hbm>>
      tpu.wait_dma2 semaphore(%dma_wait3A_148 : memref<!tpu.dma_semaphore, #tpu.memory_space<semaphore_mem>>) src(%dma_wait3A_155 : memref<64x128xf32, #tpu.memory_space<hbm>>) dst(%dma_wait3A_152 : memref<64x128xf32, #tpu.memory_space<vmem>>)
      %dma_wait3A_156 = arith.constant 0 : i32
      %dma_wait3A_157 = arith.constant 0 : i32
      %dma_wait3A_158 = tpu.memref_slice %arg6[%rem3A_135, %dma_wait3A_156, %dma_wait3A_157] : memref<2x64x128xf32, #tpu.memory_space<vmem>> -> memref<1x64x128xf32, #tpu.memory_space<vmem>>
      %dma_wait3A_159 = tpu.memref_squeeze %dma_wait3A_158 : memref<1x64x128xf32, #tpu.memory_space<vmem>> -> memref<64x128xf32, #tpu.memory_space<vmem>>
      %dma_wait3A_160 = arith.constant 0 : i32
      %dma_wait3A_161 = arith.constant 0 : i32
      %dma_wait3A_162 = tpu.memref_slice %arg2[%dma_wait3A_160, %dma_wait3A_161] : memref<64x1000000xf32, #tpu.memory_space<hbm>> -> memref<64x128xf32, #tpu.memory_space<hbm>>
      %dma_wait3A_163 = tpu.memref_slice %arg8[%rem3A_135] : memref<2x!tpu.dma_semaphore, #tpu.memory_space<semaphore_mem>> -> memref<1x!tpu.dma_semaphore, #tpu.memory_space<semaphore_mem>>
      %dma_wait3A_164 = tpu.memref_squeeze %dma_wait3A_163 : memref<1x!tpu.dma_semaphore, #tpu.memory_space<semaphore_mem>> -> memref<!tpu.dma_semaphore, #tpu.memory_space<semaphore_mem>>
      %dma_wait3A_165 = arith.constant 0 : i32
      %dma_wait3A_166 = arith.constant 0 : i32
      %dma_wait3A_167 = tpu.memref_slice %arg6[%rem3A_135, %dma_wait3A_165, %dma_wait3A_166] : memref<2x64x128xf32, #tpu.memory_space<vmem>> -> memref<1x64x128xf32, #tpu.memory_space<vmem>>
      %dma_wait3A_168 = tpu.memref_squeeze %dma_wait3A_167 : memref<1x64x128xf32, #tpu.memory_space<vmem>> -> memref<64x128xf32, #tpu.memory_space<vmem>>
      %dma_wait3A_169 = arith.constant 0 : i32
      %dma_wait3A_170 = arith.constant 0 : i32
      %dma_wait3A_171 = tpu.memref_slice %arg2[%dma_wait3A_169, %dma_wait3A_170] : memref<64x1000000xf32, #tpu.memory_space<hbm>> -> memref<64x128xf32, #tpu.memory_space<hbm>>
      tpu.wait_dma2 semaphore(%dma_wait3A_164 : memref<!tpu.dma_semaphore, #tpu.memory_space<semaphore_mem>>) src(%dma_wait3A_171 : memref<64x128xf32, #tpu.memory_space<hbm>>) dst(%dma_wait3A_168 : memref<64x128xf32, #tpu.memory_space<vmem>>)
      %parallel_loop3A = arith.constant 0 : i32
      %parallel_loop3A_172 = arith.constant 32 : i32
      %parallel_loop3A_173 = arith.constant 1 : i32
      scf.for %parallel_loop3A_197 = %parallel_loop3A to %parallel_loop3A_172 step %parallel_loop3A_173  : i32 {
        %parallel_loop3A_198 = arith.constant 2 : i32
        %parallel_loop3A_199 = arith.shrui %parallel_loop3A_197, %parallel_loop3A_198 : i32
        %parallel_loop3A_200 = arith.constant 3 : i32
        %parallel_loop3A_201 = arith.andi %parallel_loop3A_197, %parallel_loop3A_200 : i32
        %parallel_loop3A_202 = arith.constant 16 : i32
        %parallel_loop3A_203 = arith.muli %parallel_loop3A_201, %parallel_loop3A_202 : i32
        %parallel_loop3A_204 = arith.constant 16 : i32
        %parallel_loop3A_205 = arith.muli %parallel_loop3A_199, %parallel_loop3A_204 : i32
        %parallel_loop3A_206 = vector.broadcast %parallel_loop3A_205 : i32 to vector<16xi32>
        %parallel_loop3A_207 = arith.addi %parallel_loop3A_206, %iota3A : vector<16xi32>
        %parallel_loop3A_208 = vector.broadcast %parallel_loop3A_203 : i32 to vector<16xi32>
        %parallel_loop3A_209 = arith.addi %xor3A_2, %parallel_loop3A_208 : vector<16xi32>
        %parallel_loop3A_210 = arith.constant 0 : i32
        %parallel_loop3A_211 = arith.constant 0 : i32
        %parallel_loop3A_212 = tpu.memref_slice %arg5[%rem3A_135, %parallel_loop3A_210, %parallel_loop3A_211] : memref<2x64x128xf32, #tpu.memory_space<vmem>> -> memref<1x64x128xf32, #tpu.memory_space<vmem>>
        %parallel_loop3A_213 = tpu.memref_squeeze %parallel_loop3A_212 : memref<1x64x128xf32, #tpu.memory_space<vmem>> -> memref<64x128xf32, #tpu.memory_space<vmem>>
        %parallel_loop3A_214 = tpu.vector_load_idx %parallel_loop3A_213[%parallel_loop3A_209, %parallel_loop3A_207] : memref<64x128xf32, #tpu.memory_space<vmem>>[vector<16xi32>, vector<16xi32>], vector<16xf32>,
        %parallel_loop3A_215 = arith.constant 0 : i32
        %parallel_loop3A_216 = arith.constant 0 : i32
        %parallel_loop3A_217 = tpu.memref_slice %arg7[%rem3A_135, %parallel_loop3A_215, %parallel_loop3A_216] : memref<2x128x128xf32, #tpu.memory_space<vmem>> -> memref<1x128x128xf32, #tpu.memory_space<vmem>>
        %parallel_loop3A_218 = tpu.memref_squeeze %parallel_loop3A_217 : memref<1x128x128xf32, #tpu.memory_space<vmem>> -> memref<128x128xf32, #tpu.memory_space<vmem>>
        tpu.vector_store_idx %parallel_loop3A_218[%parallel_loop3A_207, %parallel_loop3A_209], %parallel_loop3A_214 : memref<128x128xf32, #tpu.memory_space<vmem>>[vector<16xi32>, vector<16xi32>], vector<16xf32>,
        %parallel_loop3A_219 = arith.constant 0 : i32
        %parallel_loop3A_220 = arith.constant 0 : i32
        %parallel_loop3A_221 = tpu.memref_slice %arg6[%rem3A_135, %parallel_loop3A_219, %parallel_loop3A_220] : memref<2x64x128xf32, #tpu.memory_space<vmem>> -> memref<1x64x128xf32, #tpu.memory_space<vmem>>
        %parallel_loop3A_222 = tpu.memref_squeeze %parallel_loop3A_221 : memref<1x64x128xf32, #tpu.memory_space<vmem>> -> memref<64x128xf32, #tpu.memory_space<vmem>>
        %parallel_loop3A_223 = tpu.vector_load_idx %parallel_loop3A_222[%parallel_loop3A_209, %parallel_loop3A_207] : memref<64x128xf32, #tpu.memory_space<vmem>>[vector<16xi32>, vector<16xi32>], vector<16xf32>,
        %parallel_loop3A_224 = arith.constant 64 : i32
        %parallel_loop3A_225 = vector.broadcast %parallel_loop3A_224 : i32 to vector<16xi32>
        %parallel_loop3A_226 = arith.addi %parallel_loop3A_209, %parallel_loop3A_225 : vector<16xi32>
        %parallel_loop3A_227 = arith.constant 0 : i32
        %parallel_loop3A_228 = arith.constant 0 : i32
        %parallel_loop3A_229 = tpu.memref_slice %arg7[%rem3A_135, %parallel_loop3A_227, %parallel_loop3A_228] : memref<2x128x128xf32, #tpu.memory_space<vmem>> -> memref<1x128x128xf32, #tpu.memory_space<vmem>>
        %parallel_loop3A_230 = tpu.memref_squeeze %parallel_loop3A_229 : memref<1x128x128xf32, #tpu.memory_space<vmem>> -> memref<128x128xf32, #tpu.memory_space<vmem>>
        tpu.vector_store_idx %parallel_loop3A_230[%parallel_loop3A_207, %parallel_loop3A_226], %parallel_loop3A_223 : memref<128x128xf32, #tpu.memory_space<vmem>>[vector<16xi32>, vector<16xi32>], vector<16xf32>,
        %parallel_loop3A_231 = vector.broadcast %parallel_loop3A_203 : i32 to vector<16xi32>
        %parallel_loop3A_232 = arith.addi %xor3A_5, %parallel_loop3A_231 : vector<16xi32>
        %parallel_loop3A_233 = arith.constant 0 : i32
        %parallel_loop3A_234 = arith.constant 0 : i32
        %parallel_loop3A_235 = tpu.memref_slice %arg5[%rem3A_135, %parallel_loop3A_233, %parallel_loop3A_234] : memref<2x64x128xf32, #tpu.memory_space<vmem>> -> memref<1x64x128xf32, #tpu.memory_space<vmem>>
        %parallel_loop3A_236 = tpu.memref_squeeze %parallel_loop3A_235 : memref<1x64x128xf32, #tpu.memory_space<vmem>> -> memref<64x128xf32, #tpu.memory_space<vmem>>
        %parallel_loop3A_237 = tpu.vector_load_idx %parallel_loop3A_236[%parallel_loop3A_232, %parallel_loop3A_207] : memref<64x128xf32, #tpu.memory_space<vmem>>[vector<16xi32>, vector<16xi32>], vector<16xf32>,
        %parallel_loop3A_238 = arith.constant 0 : i32
        %parallel_loop3A_239 = arith.constant 0 : i32
        %parallel_loop3A_240 = tpu.memref_slice %arg7[%rem3A_135, %parallel_loop3A_238, %parallel_loop3A_239] : memref<2x128x128xf32, #tpu.memory_space<vmem>> -> memref<1x128x128xf32, #tpu.memory_space<vmem>>
        %parallel_loop3A_241 = tpu.memref_squeeze %parallel_loop3A_240 : memref<1x128x128xf32, #tpu.memory_space<vmem>> -> memref<128x128xf32, #tpu.memory_space<vmem>>
        tpu.vector_store_idx %parallel_loop3A_241[%parallel_loop3A_207, %parallel_loop3A_232], %parallel_loop3A_237 : memref<128x128xf32, #tpu.memory_space<vmem>>[vector<16xi32>, vector<16xi32>], vector<16xf32>,
        %parallel_loop3A_242 = arith.constant 0 : i32
        %parallel_loop3A_243 = arith.constant 0 : i32
        %parallel_loop3A_244 = tpu.memref_slice %arg6[%rem3A_135, %parallel_loop3A_242, %parallel_loop3A_243] : memref<2x64x128xf32, #tpu.memory_space<vmem>> -> memref<1x64x128xf32, #tpu.memory_space<vmem>>
        %parallel_loop3A_245 = tpu.memref_squeeze %parallel_loop3A_244 : memref<1x64x128xf32, #tpu.memory_space<vmem>> -> memref<64x128xf32, #tpu.memory_space<vmem>>
        %parallel_loop3A_246 = tpu.vector_load_idx %parallel_loop3A_245[%parallel_loop3A_232, %parallel_loop3A_207] : memref<64x128xf32, #tpu.memory_space<vmem>>[vector<16xi32>, vector<16xi32>], vector<16xf32>,
        %parallel_loop3A_247 = arith.constant 64 : i32
        %parallel_loop3A_248 = vector.broadcast %parallel_loop3A_247 : i32 to vector<16xi32>
        %parallel_loop3A_249 = arith.addi %parallel_loop3A_232, %parallel_loop3A_248 : vector<16xi32>
        %parallel_loop3A_250 = arith.constant 0 : i32
        %parallel_loop3A_251 = arith.constant 0 : i32
        %parallel_loop3A_252 = tpu.memref_slice %arg7[%rem3A_135, %parallel_loop3A_250, %parallel_loop3A_251] : memref<2x128x128xf32, #tpu.memory_space<vmem>> -> memref<1x128x128xf32, #tpu.memory_space<vmem>>
        %parallel_loop3A_253 = tpu.memref_squeeze %parallel_loop3A_252 : memref<1x128x128xf32, #tpu.memory_space<vmem>> -> memref<128x128xf32, #tpu.memory_space<vmem>>
        tpu.vector_store_idx %parallel_loop3A_253[%parallel_loop3A_207, %parallel_loop3A_249], %parallel_loop3A_246 : memref<128x128xf32, #tpu.memory_space<vmem>>[vector<16xi32>, vector<16xi32>], vector<16xf32>,
        %parallel_loop3A_254 = vector.broadcast %parallel_loop3A_203 : i32 to vector<16xi32>
        %parallel_loop3A_255 = arith.addi %xor3A_8, %parallel_loop3A_254 : vector<16xi32>
        %parallel_loop3A_256 = arith.constant 0 : i32
        %parallel_loop3A_257 = arith.constant 0 : i32
        %parallel_loop3A_258 = tpu.memref_slice %arg5[%rem3A_135, %parallel_loop3A_256, %parallel_loop3A_257] : memref<2x64x128xf32, #tpu.memory_space<vmem>> -> memref<1x64x128xf32, #tpu.memory_space<vmem>>
        %parallel_loop3A_259 = tpu.memref_squeeze %parallel_loop3A_258 : memref<1x64x128xf32, #tpu.memory_space<vmem>> -> memref<64x128xf32, #tpu.memory_space<vmem>>
        %parallel_loop3A_260 = tpu.vector_load_idx %parallel_loop3A_259[%parallel_loop3A_255, %parallel_loop3A_207] : memref<64x128xf32, #tpu.memory_space<vmem>>[vector<16xi32>, vector<16xi32>], vector<16xf32>,
        %parallel_loop3A_261 = arith.constant 0 : i32
        %parallel_loop3A_262 = arith.constant 0 : i32
        %parallel_loop3A_263 = tpu.memref_slice %arg7[%rem3A_135, %parallel_loop3A_261, %parallel_loop3A_262] : memref<2x128x128xf32, #tpu.memory_space<vmem>> -> memref<1x128x128xf32, #tpu.memory_space<vmem>>
        %parallel_loop3A_264 = tpu.memref_squeeze %parallel_loop3A_263 : memref<1x128x128xf32, #tpu.memory_space<vmem>> -> memref<128x128xf32, #tpu.memory_space<vmem>>
        tpu.vector_store_idx %parallel_loop3A_264[%parallel_loop3A_207, %parallel_loop3A_255], %parallel_loop3A_260 : memref<128x128xf32, #tpu.memory_space<vmem>>[vector<16xi32>, vector<16xi32>], vector<16xf32>,
        %parallel_loop3A_265 = arith.constant 0 : i32
        %parallel_loop3A_266 = arith.constant 0 : i32
        %parallel_loop3A_267 = tpu.memref_slice %arg6[%rem3A_135, %parallel_loop3A_265, %parallel_loop3A_266] : memref<2x64x128xf32, #tpu.memory_space<vmem>> -> memref<1x64x128xf32, #tpu.memory_space<vmem>>
        %parallel_loop3A_268 = tpu.memref_squeeze %parallel_loop3A_267 : memref<1x64x128xf32, #tpu.memory_space<vmem>> -> memref<64x128xf32, #tpu.memory_space<vmem>>
        %parallel_loop3A_269 = tpu.vector_load_idx %parallel_loop3A_268[%parallel_loop3A_255, %parallel_loop3A_207] : memref<64x128xf32, #tpu.memory_space<vmem>>[vector<16xi32>, vector<16xi32>], vector<16xf32>,
        %parallel_loop3A_270 = arith.constant 64 : i32
        %parallel_loop3A_271 = vector.broadcast %parallel_loop3A_270 : i32 to vector<16xi32>
        %parallel_loop3A_272 = arith.addi %parallel_loop3A_255, %parallel_loop3A_271 : vector<16xi32>
        %parallel_loop3A_273 = arith.constant 0 : i32
        %parallel_loop3A_274 = arith.constant 0 : i32
        %parallel_loop3A_275 = tpu.memref_slice %arg7[%rem3A_135, %parallel_loop3A_273, %parallel_loop3A_274] : memref<2x128x128xf32, #tpu.memory_space<vmem>> -> memref<1x128x128xf32, #tpu.memory_space<vmem>>
        %parallel_loop3A_276 = tpu.memref_squeeze %parallel_loop3A_275 : memref<1x128x128xf32, #tpu.memory_space<vmem>> -> memref<128x128xf32, #tpu.memory_space<vmem>>
        tpu.vector_store_idx %parallel_loop3A_276[%parallel_loop3A_207, %parallel_loop3A_272], %parallel_loop3A_269 : memref<128x128xf32, #tpu.memory_space<vmem>>[vector<16xi32>, vector<16xi32>], vector<16xf32>,
        %parallel_loop3A_277 = vector.broadcast %parallel_loop3A_203 : i32 to vector<16xi32>
        %parallel_loop3A_278 = arith.addi %xor3A_11, %parallel_loop3A_277 : vector<16xi32>
        %parallel_loop3A_279 = arith.constant 0 : i32
        %parallel_loop3A_280 = arith.constant 0 : i32
        %parallel_loop3A_281 = tpu.memref_slice %arg5[%rem3A_135, %parallel_loop3A_279, %parallel_loop3A_280] : memref<2x64x128xf32, #tpu.memory_space<vmem>> -> memref<1x64x128xf32, #tpu.memory_space<vmem>>
        %parallel_loop3A_282 = tpu.memref_squeeze %parallel_loop3A_281 : memref<1x64x128xf32, #tpu.memory_space<vmem>> -> memref<64x128xf32, #tpu.memory_space<vmem>>
        %parallel_loop3A_283 = tpu.vector_load_idx %parallel_loop3A_282[%parallel_loop3A_278, %parallel_loop3A_207] : memref<64x128xf32, #tpu.memory_space<vmem>>[vector<16xi32>, vector<16xi32>], vector<16xf32>,
        %parallel_loop3A_284 = arith.constant 0 : i32
        %parallel_loop3A_285 = arith.constant 0 : i32
        %parallel_loop3A_286 = tpu.memref_slice %arg7[%rem3A_135, %parallel_loop3A_284, %parallel_loop3A_285] : memref<2x128x128xf32, #tpu.memory_space<vmem>> -> memref<1x128x128xf32, #tpu.memory_space<vmem>>
        %parallel_loop3A_287 = tpu.memref_squeeze %parallel_loop3A_286 : memref<1x128x128xf32, #tpu.memory_space<vmem>> -> memref<128x128xf32, #tpu.memory_space<vmem>>
        tpu.vector_store_idx %parallel_loop3A_287[%parallel_loop3A_207, %parallel_loop3A_278], %parallel_loop3A_283 : memref<128x128xf32, #tpu.memory_space<vmem>>[vector<16xi32>, vector<16xi32>], vector<16xf32>,
        %parallel_loop3A_288 = arith.constant 0 : i32
        %parallel_loop3A_289 = arith.constant 0 : i32
        %parallel_loop3A_290 = tpu.memref_slice %arg6[%rem3A_135, %parallel_loop3A_288, %parallel_loop3A_289] : memref<2x64x128xf32, #tpu.memory_space<vmem>> -> memref<1x64x128xf32, #tpu.memory_space<vmem>>
        %parallel_loop3A_291 = tpu.memref_squeeze %parallel_loop3A_290 : memref<1x64x128xf32, #tpu.memory_space<vmem>> -> memref<64x128xf32, #tpu.memory_space<vmem>>
        %parallel_loop3A_292 = tpu.vector_load_idx %parallel_loop3A_291[%parallel_loop3A_278, %parallel_loop3A_207] : memref<64x128xf32, #tpu.memory_space<vmem>>[vector<16xi32>, vector<16xi32>], vector<16xf32>,
        %parallel_loop3A_293 = arith.constant 64 : i32
        %parallel_loop3A_294 = vector.broadcast %parallel_loop3A_293 : i32 to vector<16xi32>
        %parallel_loop3A_295 = arith.addi %parallel_loop3A_278, %parallel_loop3A_294 : vector<16xi32>
        %parallel_loop3A_296 = arith.constant 0 : i32
        %parallel_loop3A_297 = arith.constant 0 : i32
        %parallel_loop3A_298 = tpu.memref_slice %arg7[%rem3A_135, %parallel_loop3A_296, %parallel_loop3A_297] : memref<2x128x128xf32, #tpu.memory_space<vmem>> -> memref<1x128x128xf32, #tpu.memory_space<vmem>>
        %parallel_loop3A_299 = tpu.memref_squeeze %parallel_loop3A_298 : memref<1x128x128xf32, #tpu.memory_space<vmem>> -> memref<128x128xf32, #tpu.memory_space<vmem>>
        tpu.vector_store_idx %parallel_loop3A_299[%parallel_loop3A_207, %parallel_loop3A_295], %parallel_loop3A_292 : memref<128x128xf32, #tpu.memory_space<vmem>>[vector<16xi32>, vector<16xi32>], vector<16xf32>,
        %parallel_loop3A_300 = vector.broadcast %parallel_loop3A_203 : i32 to vector<16xi32>
        %parallel_loop3A_301 = arith.addi %xor3A_14, %parallel_loop3A_300 : vector<16xi32>
        %parallel_loop3A_302 = arith.constant 0 : i32
        %parallel_loop3A_303 = arith.constant 0 : i32
        %parallel_loop3A_304 = tpu.memref_slice %arg5[%rem3A_135, %parallel_loop3A_302, %parallel_loop3A_303] : memref<2x64x128xf32, #tpu.memory_space<vmem>> -> memref<1x64x128xf32, #tpu.memory_space<vmem>>
        %parallel_loop3A_305 = tpu.memref_squeeze %parallel_loop3A_304 : memref<1x64x128xf32, #tpu.memory_space<vmem>> -> memref<64x128xf32, #tpu.memory_space<vmem>>
        %parallel_loop3A_306 = tpu.vector_load_idx %parallel_loop3A_305[%parallel_loop3A_301, %parallel_loop3A_207] : memref<64x128xf32, #tpu.memory_space<vmem>>[vector<16xi32>, vector<16xi32>], vector<16xf32>,
        %parallel_loop3A_307 = arith.constant 0 : i32
        %parallel_loop3A_308 = arith.constant 0 : i32
        %parallel_loop3A_309 = tpu.memref_slice %arg7[%rem3A_135, %parallel_loop3A_307, %parallel_loop3A_308] : memref<2x128x128xf32, #tpu.memory_space<vmem>> -> memref<1x128x128xf32, #tpu.memory_space<vmem>>
        %parallel_loop3A_310 = tpu.memref_squeeze %parallel_loop3A_309 : memref<1x128x128xf32, #tpu.memory_space<vmem>> -> memref<128x128xf32, #tpu.memory_space<vmem>>
        tpu.vector_store_idx %parallel_loop3A_310[%parallel_loop3A_207, %parallel_loop3A_301], %parallel_loop3A_306 : memref<128x128xf32, #tpu.memory_space<vmem>>[vector<16xi32>, vector<16xi32>], vector<16xf32>,
        %parallel_loop3A_311 = arith.constant 0 : i32
        %parallel_loop3A_312 = arith.constant 0 : i32
        %parallel_loop3A_313 = tpu.memref_slice %arg6[%rem3A_135, %parallel_loop3A_311, %parallel_loop3A_312] : memref<2x64x128xf32, #tpu.memory_space<vmem>> -> memref<1x64x128xf32, #tpu.memory_space<vmem>>
        %parallel_loop3A_314 = tpu.memref_squeeze %parallel_loop3A_313 : memref<1x64x128xf32, #tpu.memory_space<vmem>> -> memref<64x128xf32, #tpu.memory_space<vmem>>
        %parallel_loop3A_315 = tpu.vector_load_idx %parallel_loop3A_314[%parallel_loop3A_301, %parallel_loop3A_207] : memref<64x128xf32, #tpu.memory_space<vmem>>[vector<16xi32>, vector<16xi32>], vector<16xf32>,
        %parallel_loop3A_316 = arith.constant 64 : i32
        %parallel_loop3A_317 = vector.broadcast %parallel_loop3A_316 : i32 to vector<16xi32>
        %parallel_loop3A_318 = arith.addi %parallel_loop3A_301, %parallel_loop3A_317 : vector<16xi32>
        %parallel_loop3A_319 = arith.constant 0 : i32
        %parallel_loop3A_320 = arith.constant 0 : i32
        %parallel_loop3A_321 = tpu.memref_slice %arg7[%rem3A_135, %parallel_loop3A_319, %parallel_loop3A_320] : memref<2x128x128xf32, #tpu.memory_space<vmem>> -> memref<1x128x128xf32, #tpu.memory_space<vmem>>
        %parallel_loop3A_322 = tpu.memref_squeeze %parallel_loop3A_321 : memref<1x128x128xf32, #tpu.memory_space<vmem>> -> memref<128x128xf32, #tpu.memory_space<vmem>>
        tpu.vector_store_idx %parallel_loop3A_322[%parallel_loop3A_207, %parallel_loop3A_318], %parallel_loop3A_315 : memref<128x128xf32, #tpu.memory_space<vmem>>[vector<16xi32>, vector<16xi32>], vector<16xf32>,
        %parallel_loop3A_323 = vector.broadcast %parallel_loop3A_203 : i32 to vector<16xi32>
        %parallel_loop3A_324 = arith.addi %xor3A_17, %parallel_loop3A_323 : vector<16xi32>
        %parallel_loop3A_325 = arith.constant 0 : i32
        %parallel_loop3A_326 = arith.constant 0 : i32
        %parallel_loop3A_327 = tpu.memref_slice %arg5[%rem3A_135, %parallel_loop3A_325, %parallel_loop3A_326] : memref<2x64x128xf32, #tpu.memory_space<vmem>> -> memref<1x64x128xf32, #tpu.memory_space<vmem>>
        %parallel_loop3A_328 = tpu.memref_squeeze %parallel_loop3A_327 : memref<1x64x128xf32, #tpu.memory_space<vmem>> -> memref<64x128xf32, #tpu.memory_space<vmem>>
        %parallel_loop3A_329 = tpu.vector_load_idx %parallel_loop3A_328[%parallel_loop3A_324, %parallel_loop3A_207] : memref<64x128xf32, #tpu.memory_space<vmem>>[vector<16xi32>, vector<16xi32>], vector<16xf32>,
        %parallel_loop3A_330 = arith.constant 0 : i32
        %parallel_loop3A_331 = arith.constant 0 : i32
        %parallel_loop3A_332 = tpu.memref_slice %arg7[%rem3A_135, %parallel_loop3A_330, %parallel_loop3A_331] : memref<2x128x128xf32, #tpu.memory_space<vmem>> -> memref<1x128x128xf32, #tpu.memory_space<vmem>>
        %parallel_loop3A_333 = tpu.memref_squeeze %parallel_loop3A_332 : memref<1x128x128xf32, #tpu.memory_space<vmem>> -> memref<128x128xf32, #tpu.memory_space<vmem>>
        tpu.vector_store_idx %parallel_loop3A_333[%parallel_loop3A_207, %parallel_loop3A_324], %parallel_loop3A_329 : memref<128x128xf32, #tpu.memory_space<vmem>>[vector<16xi32>, vector<16xi32>], vector<16xf32>,
        %parallel_loop3A_334 = arith.constant 0 : i32
        %parallel_loop3A_335 = arith.constant 0 : i32
        %parallel_loop3A_336 = tpu.memref_slice %arg6[%rem3A_135, %parallel_loop3A_334, %parallel_loop3A_335] : memref<2x64x128xf32, #tpu.memory_space<vmem>> -> memref<1x64x128xf32, #tpu.memory_space<vmem>>
        %parallel_loop3A_337 = tpu.memref_squeeze %parallel_loop3A_336 : memref<1x64x128xf32, #tpu.memory_space<vmem>> -> memref<64x128xf32, #tpu.memory_space<vmem>>
        %parallel_loop3A_338 = tpu.vector_load_idx %parallel_loop3A_337[%parallel_loop3A_324, %parallel_loop3A_207] : memref<64x128xf32, #tpu.memory_space<vmem>>[vector<16xi32>, vector<16xi32>], vector<16xf32>,
        %parallel_loop3A_339 = arith.constant 64 : i32
        %parallel_loop3A_340 = vector.broadcast %parallel_loop3A_339 : i32 to vector<16xi32>
        %parallel_loop3A_341 = arith.addi %parallel_loop3A_324, %parallel_loop3A_340 : vector<16xi32>
        %parallel_loop3A_342 = arith.constant 0 : i32
        %parallel_loop3A_343 = arith.constant 0 : i32
        %parallel_loop3A_344 = tpu.memref_slice %arg7[%rem3A_135, %parallel_loop3A_342, %parallel_loop3A_343] : memref<2x128x128xf32, #tpu.memory_space<vmem>> -> memref<1x128x128xf32, #tpu.memory_space<vmem>>
        %parallel_loop3A_345 = tpu.memref_squeeze %parallel_loop3A_344 : memref<1x128x128xf32, #tpu.memory_space<vmem>> -> memref<128x128xf32, #tpu.memory_space<vmem>>
        tpu.vector_store_idx %parallel_loop3A_345[%parallel_loop3A_207, %parallel_loop3A_341], %parallel_loop3A_338 : memref<128x128xf32, #tpu.memory_space<vmem>>[vector<16xi32>, vector<16xi32>], vector<16xf32>,
        %parallel_loop3A_346 = vector.broadcast %parallel_loop3A_203 : i32 to vector<16xi32>
        %parallel_loop3A_347 = arith.addi %xor3A_20, %parallel_loop3A_346 : vector<16xi32>
        %parallel_loop3A_348 = arith.constant 0 : i32
        %parallel_loop3A_349 = arith.constant 0 : i32
        %parallel_loop3A_350 = tpu.memref_slice %arg5[%rem3A_135, %parallel_loop3A_348, %parallel_loop3A_349] : memref<2x64x128xf32, #tpu.memory_space<vmem>> -> memref<1x64x128xf32, #tpu.memory_space<vmem>>
        %parallel_loop3A_351 = tpu.memref_squeeze %parallel_loop3A_350 : memref<1x64x128xf32, #tpu.memory_space<vmem>> -> memref<64x128xf32, #tpu.memory_space<vmem>>
        %parallel_loop3A_352 = tpu.vector_load_idx %parallel_loop3A_351[%parallel_loop3A_347, %parallel_loop3A_207] : memref<64x128xf32, #tpu.memory_space<vmem>>[vector<16xi32>, vector<16xi32>], vector<16xf32>,
        %parallel_loop3A_353 = arith.constant 0 : i32
        %parallel_loop3A_354 = arith.constant 0 : i32
        %parallel_loop3A_355 = tpu.memref_slice %arg7[%rem3A_135, %parallel_loop3A_353, %parallel_loop3A_354] : memref<2x128x128xf32, #tpu.memory_space<vmem>> -> memref<1x128x128xf32, #tpu.memory_space<vmem>>
        %parallel_loop3A_356 = tpu.memref_squeeze %parallel_loop3A_355 : memref<1x128x128xf32, #tpu.memory_space<vmem>> -> memref<128x128xf32, #tpu.memory_space<vmem>>
        tpu.vector_store_idx %parallel_loop3A_356[%parallel_loop3A_207, %parallel_loop3A_347], %parallel_loop3A_352 : memref<128x128xf32, #tpu.memory_space<vmem>>[vector<16xi32>, vector<16xi32>], vector<16xf32>,
        %parallel_loop3A_357 = arith.constant 0 : i32
        %parallel_loop3A_358 = arith.constant 0 : i32
        %parallel_loop3A_359 = tpu.memref_slice %arg6[%rem3A_135, %parallel_loop3A_357, %parallel_loop3A_358] : memref<2x64x128xf32, #tpu.memory_space<vmem>> -> memref<1x64x128xf32, #tpu.memory_space<vmem>>
        %parallel_loop3A_360 = tpu.memref_squeeze %parallel_loop3A_359 : memref<1x64x128xf32, #tpu.memory_space<vmem>> -> memref<64x128xf32, #tpu.memory_space<vmem>>
        %parallel_loop3A_361 = tpu.vector_load_idx %parallel_loop3A_360[%parallel_loop3A_347, %parallel_loop3A_207] : memref<64x128xf32, #tpu.memory_space<vmem>>[vector<16xi32>, vector<16xi32>], vector<16xf32>,
        %parallel_loop3A_362 = arith.constant 64 : i32
        %parallel_loop3A_363 = vector.broadcast %parallel_loop3A_362 : i32 to vector<16xi32>
        %parallel_loop3A_364 = arith.addi %parallel_loop3A_347, %parallel_loop3A_363 : vector<16xi32>
        %parallel_loop3A_365 = arith.constant 0 : i32
        %parallel_loop3A_366 = arith.constant 0 : i32
        %parallel_loop3A_367 = tpu.memref_slice %arg7[%rem3A_135, %parallel_loop3A_365, %parallel_loop3A_366] : memref<2x128x128xf32, #tpu.memory_space<vmem>> -> memref<1x128x128xf32, #tpu.memory_space<vmem>>
        %parallel_loop3A_368 = tpu.memref_squeeze %parallel_loop3A_367 : memref<1x128x128xf32, #tpu.memory_space<vmem>> -> memref<128x128xf32, #tpu.memory_space<vmem>>
        tpu.vector_store_idx %parallel_loop3A_368[%parallel_loop3A_207, %parallel_loop3A_364], %parallel_loop3A_361 : memref<128x128xf32, #tpu.memory_space<vmem>>[vector<16xi32>, vector<16xi32>], vector<16xf32>,
        %parallel_loop3A_369 = vector.broadcast %parallel_loop3A_203 : i32 to vector<16xi32>
        %parallel_loop3A_370 = arith.addi %xor3A_23, %parallel_loop3A_369 : vector<16xi32>
        %parallel_loop3A_371 = arith.constant 0 : i32
        %parallel_loop3A_372 = arith.constant 0 : i32
        %parallel_loop3A_373 = tpu.memref_slice %arg5[%rem3A_135, %parallel_loop3A_371, %parallel_loop3A_372] : memref<2x64x128xf32, #tpu.memory_space<vmem>> -> memref<1x64x128xf32, #tpu.memory_space<vmem>>
        %parallel_loop3A_374 = tpu.memref_squeeze %parallel_loop3A_373 : memref<1x64x128xf32, #tpu.memory_space<vmem>> -> memref<64x128xf32, #tpu.memory_space<vmem>>
        %parallel_loop3A_375 = tpu.vector_load_idx %parallel_loop3A_374[%parallel_loop3A_370, %parallel_loop3A_207] : memref<64x128xf32, #tpu.memory_space<vmem>>[vector<16xi32>, vector<16xi32>], vector<16xf32>,
        %parallel_loop3A_376 = arith.constant 0 : i32
        %parallel_loop3A_377 = arith.constant 0 : i32
        %parallel_loop3A_378 = tpu.memref_slice %arg7[%rem3A_135, %parallel_loop3A_376, %parallel_loop3A_377] : memref<2x128x128xf32, #tpu.memory_space<vmem>> -> memref<1x128x128xf32, #tpu.memory_space<vmem>>
        %parallel_loop3A_379 = tpu.memref_squeeze %parallel_loop3A_378 : memref<1x128x128xf32, #tpu.memory_space<vmem>> -> memref<128x128xf32, #tpu.memory_space<vmem>>
        tpu.vector_store_idx %parallel_loop3A_379[%parallel_loop3A_207, %parallel_loop3A_370], %parallel_loop3A_375 : memref<128x128xf32, #tpu.memory_space<vmem>>[vector<16xi32>, vector<16xi32>], vector<16xf32>,
        %parallel_loop3A_380 = arith.constant 0 : i32
        %parallel_loop3A_381 = arith.constant 0 : i32
        %parallel_loop3A_382 = tpu.memref_slice %arg6[%rem3A_135, %parallel_loop3A_380, %parallel_loop3A_381] : memref<2x64x128xf32, #tpu.memory_space<vmem>> -> memref<1x64x128xf32, #tpu.memory_space<vmem>>
        %parallel_loop3A_383 = tpu.memref_squeeze %parallel_loop3A_382 : memref<1x64x128xf32, #tpu.memory_space<vmem>> -> memref<64x128xf32, #tpu.memory_space<vmem>>
        %parallel_loop3A_384 = tpu.vector_load_idx %parallel_loop3A_383[%parallel_loop3A_370, %parallel_loop3A_207] : memref<64x128xf32, #tpu.memory_space<vmem>>[vector<16xi32>, vector<16xi32>], vector<16xf32>,
        %parallel_loop3A_385 = arith.constant 64 : i32
        %parallel_loop3A_386 = vector.broadcast %parallel_loop3A_385 : i32 to vector<16xi32>
        %parallel_loop3A_387 = arith.addi %parallel_loop3A_370, %parallel_loop3A_386 : vector<16xi32>
        %parallel_loop3A_388 = arith.constant 0 : i32
        %parallel_loop3A_389 = arith.constant 0 : i32
        %parallel_loop3A_390 = tpu.memref_slice %arg7[%rem3A_135, %parallel_loop3A_388, %parallel_loop3A_389] : memref<2x128x128xf32, #tpu.memory_space<vmem>> -> memref<1x128x128xf32, #tpu.memory_space<vmem>>
        %parallel_loop3A_391 = tpu.memref_squeeze %parallel_loop3A_390 : memref<1x128x128xf32, #tpu.memory_space<vmem>> -> memref<128x128xf32, #tpu.memory_space<vmem>>
        tpu.vector_store_idx %parallel_loop3A_391[%parallel_loop3A_207, %parallel_loop3A_387], %parallel_loop3A_384 : memref<128x128xf32, #tpu.memory_space<vmem>>[vector<16xi32>, vector<16xi32>], vector<16xf32>,
        %parallel_loop3A_392 = vector.broadcast %parallel_loop3A_203 : i32 to vector<16xi32>
        %parallel_loop3A_393 = arith.addi %xor3A_26, %parallel_loop3A_392 : vector<16xi32>
        %parallel_loop3A_394 = arith.constant 0 : i32
        %parallel_loop3A_395 = arith.constant 0 : i32
        %parallel_loop3A_396 = tpu.memref_slice %arg5[%rem3A_135, %parallel_loop3A_394, %parallel_loop3A_395] : memref<2x64x128xf32, #tpu.memory_space<vmem>> -> memref<1x64x128xf32, #tpu.memory_space<vmem>>
        %parallel_loop3A_397 = tpu.memref_squeeze %parallel_loop3A_396 : memref<1x64x128xf32, #tpu.memory_space<vmem>> -> memref<64x128xf32, #tpu.memory_space<vmem>>
        %parallel_loop3A_398 = tpu.vector_load_idx %parallel_loop3A_397[%parallel_loop3A_393, %parallel_loop3A_207] : memref<64x128xf32, #tpu.memory_space<vmem>>[vector<16xi32>, vector<16xi32>], vector<16xf32>,
        %parallel_loop3A_399 = arith.constant 0 : i32
        %parallel_loop3A_400 = arith.constant 0 : i32
        %parallel_loop3A_401 = tpu.memref_slice %arg7[%rem3A_135, %parallel_loop3A_399, %parallel_loop3A_400] : memref<2x128x128xf32, #tpu.memory_space<vmem>> -> memref<1x128x128xf32, #tpu.memory_space<vmem>>
        %parallel_loop3A_402 = tpu.memref_squeeze %parallel_loop3A_401 : memref<1x128x128xf32, #tpu.memory_space<vmem>> -> memref<128x128xf32, #tpu.memory_space<vmem>>
        tpu.vector_store_idx %parallel_loop3A_402[%parallel_loop3A_207, %parallel_loop3A_393], %parallel_loop3A_398 : memref<128x128xf32, #tpu.memory_space<vmem>>[vector<16xi32>, vector<16xi32>], vector<16xf32>,
        %parallel_loop3A_403 = arith.constant 0 : i32
        %parallel_loop3A_404 = arith.constant 0 : i32
        %parallel_loop3A_405 = tpu.memref_slice %arg6[%rem3A_135, %parallel_loop3A_403, %parallel_loop3A_404] : memref<2x64x128xf32, #tpu.memory_space<vmem>> -> memref<1x64x128xf32, #tpu.memory_space<vmem>>
        %parallel_loop3A_406 = tpu.memref_squeeze %parallel_loop3A_405 : memref<1x64x128xf32, #tpu.memory_space<vmem>> -> memref<64x128xf32, #tpu.memory_space<vmem>>
        %parallel_loop3A_407 = tpu.vector_load_idx %parallel_loop3A_406[%parallel_loop3A_393, %parallel_loop3A_207] : memref<64x128xf32, #tpu.memory_space<vmem>>[vector<16xi32>, vector<16xi32>], vector<16xf32>,
        %parallel_loop3A_408 = arith.constant 64 : i32
        %parallel_loop3A_409 = vector.broadcast %parallel_loop3A_408 : i32 to vector<16xi32>
        %parallel_loop3A_410 = arith.addi %parallel_loop3A_393, %parallel_loop3A_409 : vector<16xi32>
        %parallel_loop3A_411 = arith.constant 0 : i32
        %parallel_loop3A_412 = arith.constant 0 : i32
        %parallel_loop3A_413 = tpu.memref_slice %arg7[%rem3A_135, %parallel_loop3A_411, %parallel_loop3A_412] : memref<2x128x128xf32, #tpu.memory_space<vmem>> -> memref<1x128x128xf32, #tpu.memory_space<vmem>>
        %parallel_loop3A_414 = tpu.memref_squeeze %parallel_loop3A_413 : memref<1x128x128xf32, #tpu.memory_space<vmem>> -> memref<128x128xf32, #tpu.memory_space<vmem>>
        tpu.vector_store_idx %parallel_loop3A_414[%parallel_loop3A_207, %parallel_loop3A_410], %parallel_loop3A_407 : memref<128x128xf32, #tpu.memory_space<vmem>>[vector<16xi32>, vector<16xi32>], vector<16xf32>,
        %parallel_loop3A_415 = vector.broadcast %parallel_loop3A_203 : i32 to vector<16xi32>
        %parallel_loop3A_416 = arith.addi %xor3A_29, %parallel_loop3A_415 : vector<16xi32>
        %parallel_loop3A_417 = arith.constant 0 : i32
        %parallel_loop3A_418 = arith.constant 0 : i32
        %parallel_loop3A_419 = tpu.memref_slice %arg5[%rem3A_135, %parallel_loop3A_417, %parallel_loop3A_418] : memref<2x64x128xf32, #tpu.memory_space<vmem>> -> memref<1x64x128xf32, #tpu.memory_space<vmem>>
        %parallel_loop3A_420 = tpu.memref_squeeze %parallel_loop3A_419 : memref<1x64x128xf32, #tpu.memory_space<vmem>> -> memref<64x128xf32, #tpu.memory_space<vmem>>
        %parallel_loop3A_421 = tpu.vector_load_idx %parallel_loop3A_420[%parallel_loop3A_416, %parallel_loop3A_207] : memref<64x128xf32, #tpu.memory_space<vmem>>[vector<16xi32>, vector<16xi32>], vector<16xf32>,
        %parallel_loop3A_422 = arith.constant 0 : i32
        %parallel_loop3A_423 = arith.constant 0 : i32
        %parallel_loop3A_424 = tpu.memref_slice %arg7[%rem3A_135, %parallel_loop3A_422, %parallel_loop3A_423] : memref<2x128x128xf32, #tpu.memory_space<vmem>> -> memref<1x128x128xf32, #tpu.memory_space<vmem>>
        %parallel_loop3A_425 = tpu.memref_squeeze %parallel_loop3A_424 : memref<1x128x128xf32, #tpu.memory_space<vmem>> -> memref<128x128xf32, #tpu.memory_space<vmem>>
        tpu.vector_store_idx %parallel_loop3A_425[%parallel_loop3A_207, %parallel_loop3A_416], %parallel_loop3A_421 : memref<128x128xf32, #tpu.memory_space<vmem>>[vector<16xi32>, vector<16xi32>], vector<16xf32>,
        %parallel_loop3A_426 = arith.constant 0 : i32
        %parallel_loop3A_427 = arith.constant 0 : i32
        %parallel_loop3A_428 = tpu.memref_slice %arg6[%rem3A_135, %parallel_loop3A_426, %parallel_loop3A_427] : memref<2x64x128xf32, #tpu.memory_space<vmem>> -> memref<1x64x128xf32, #tpu.memory_space<vmem>>
        %parallel_loop3A_429 = tpu.memref_squeeze %parallel_loop3A_428 : memref<1x64x128xf32, #tpu.memory_space<vmem>> -> memref<64x128xf32, #tpu.memory_space<vmem>>
        %parallel_loop3A_430 = tpu.vector_load_idx %parallel_loop3A_429[%parallel_loop3A_416, %parallel_loop3A_207] : memref<64x128xf32, #tpu.memory_space<vmem>>[vector<16xi32>, vector<16xi32>], vector<16xf32>,
        %parallel_loop3A_431 = arith.constant 64 : i32
        %parallel_loop3A_432 = vector.broadcast %parallel_loop3A_431 : i32 to vector<16xi32>
        %parallel_loop3A_433 = arith.addi %parallel_loop3A_416, %parallel_loop3A_432 : vector<16xi32>
        %parallel_loop3A_434 = arith.constant 0 : i32
        %parallel_loop3A_435 = arith.constant 0 : i32
        %parallel_loop3A_436 = tpu.memref_slice %arg7[%rem3A_135, %parallel_loop3A_434, %parallel_loop3A_435] : memref<2x128x128xf32, #tpu.memory_space<vmem>> -> memref<1x128x128xf32, #tpu.memory_space<vmem>>
        %parallel_loop3A_437 = tpu.memref_squeeze %parallel_loop3A_436 : memref<1x128x128xf32, #tpu.memory_space<vmem>> -> memref<128x128xf32, #tpu.memory_space<vmem>>
        tpu.vector_store_idx %parallel_loop3A_437[%parallel_loop3A_207, %parallel_loop3A_433], %parallel_loop3A_430 : memref<128x128xf32, #tpu.memory_space<vmem>>[vector<16xi32>, vector<16xi32>], vector<16xf32>,
        %parallel_loop3A_438 = vector.broadcast %parallel_loop3A_203 : i32 to vector<16xi32>
        %parallel_loop3A_439 = arith.addi %xor3A_32, %parallel_loop3A_438 : vector<16xi32>
        %parallel_loop3A_440 = arith.constant 0 : i32
        %parallel_loop3A_441 = arith.constant 0 : i32
        %parallel_loop3A_442 = tpu.memref_slice %arg5[%rem3A_135, %parallel_loop3A_440, %parallel_loop3A_441] : memref<2x64x128xf32, #tpu.memory_space<vmem>> -> memref<1x64x128xf32, #tpu.memory_space<vmem>>
        %parallel_loop3A_443 = tpu.memref_squeeze %parallel_loop3A_442 : memref<1x64x128xf32, #tpu.memory_space<vmem>> -> memref<64x128xf32, #tpu.memory_space<vmem>>
        %parallel_loop3A_444 = tpu.vector_load_idx %parallel_loop3A_443[%parallel_loop3A_439, %parallel_loop3A_207] : memref<64x128xf32, #tpu.memory_space<vmem>>[vector<16xi32>, vector<16xi32>], vector<16xf32>,
        %parallel_loop3A_445 = arith.constant 0 : i32
        %parallel_loop3A_446 = arith.constant 0 : i32
        %parallel_loop3A_447 = tpu.memref_slice %arg7[%rem3A_135, %parallel_loop3A_445, %parallel_loop3A_446] : memref<2x128x128xf32, #tpu.memory_space<vmem>> -> memref<1x128x128xf32, #tpu.memory_space<vmem>>
        %parallel_loop3A_448 = tpu.memref_squeeze %parallel_loop3A_447 : memref<1x128x128xf32, #tpu.memory_space<vmem>> -> memref<128x128xf32, #tpu.memory_space<vmem>>
        tpu.vector_store_idx %parallel_loop3A_448[%parallel_loop3A_207, %parallel_loop3A_439], %parallel_loop3A_444 : memref<128x128xf32, #tpu.memory_space<vmem>>[vector<16xi32>, vector<16xi32>], vector<16xf32>,
        %parallel_loop3A_449 = arith.constant 0 : i32
        %parallel_loop3A_450 = arith.constant 0 : i32
        %parallel_loop3A_451 = tpu.memref_slice %arg6[%rem3A_135, %parallel_loop3A_449, %parallel_loop3A_450] : memref<2x64x128xf32, #tpu.memory_space<vmem>> -> memref<1x64x128xf32, #tpu.memory_space<vmem>>
        %parallel_loop3A_452 = tpu.memref_squeeze %parallel_loop3A_451 : memref<1x64x128xf32, #tpu.memory_space<vmem>> -> memref<64x128xf32, #tpu.memory_space<vmem>>
        %parallel_loop3A_453 = tpu.vector_load_idx %parallel_loop3A_452[%parallel_loop3A_439, %parallel_loop3A_207] : memref<64x128xf32, #tpu.memory_space<vmem>>[vector<16xi32>, vector<16xi32>], vector<16xf32>,
        %parallel_loop3A_454 = arith.constant 64 : i32
        %parallel_loop3A_455 = vector.broadcast %parallel_loop3A_454 : i32 to vector<16xi32>
        %parallel_loop3A_456 = arith.addi %parallel_loop3A_439, %parallel_loop3A_455 : vector<16xi32>
        %parallel_loop3A_457 = arith.constant 0 : i32
        %parallel_loop3A_458 = arith.constant 0 : i32
        %parallel_loop3A_459 = tpu.memref_slice %arg7[%rem3A_135, %parallel_loop3A_457, %parallel_loop3A_458] : memref<2x128x128xf32, #tpu.memory_space<vmem>> -> memref<1x128x128xf32, #tpu.memory_space<vmem>>
        %parallel_loop3A_460 = tpu.memref_squeeze %parallel_loop3A_459 : memref<1x128x128xf32, #tpu.memory_space<vmem>> -> memref<128x128xf32, #tpu.memory_space<vmem>>
        tpu.vector_store_idx %parallel_loop3A_460[%parallel_loop3A_207, %parallel_loop3A_456], %parallel_loop3A_453 : memref<128x128xf32, #tpu.memory_space<vmem>>[vector<16xi32>, vector<16xi32>], vector<16xf32>,
        %parallel_loop3A_461 = vector.broadcast %parallel_loop3A_203 : i32 to vector<16xi32>
        %parallel_loop3A_462 = arith.addi %xor3A_35, %parallel_loop3A_461 : vector<16xi32>
        %parallel_loop3A_463 = arith.constant 0 : i32
        %parallel_loop3A_464 = arith.constant 0 : i32
        %parallel_loop3A_465 = tpu.memref_slice %arg5[%rem3A_135, %parallel_loop3A_463, %parallel_loop3A_464] : memref<2x64x128xf32, #tpu.memory_space<vmem>> -> memref<1x64x128xf32, #tpu.memory_space<vmem>>
        %parallel_loop3A_466 = tpu.memref_squeeze %parallel_loop3A_465 : memref<1x64x128xf32, #tpu.memory_space<vmem>> -> memref<64x128xf32, #tpu.memory_space<vmem>>
        %parallel_loop3A_467 = tpu.vector_load_idx %parallel_loop3A_466[%parallel_loop3A_462, %parallel_loop3A_207] : memref<64x128xf32, #tpu.memory_space<vmem>>[vector<16xi32>, vector<16xi32>], vector<16xf32>,
        %parallel_loop3A_468 = arith.constant 0 : i32
        %parallel_loop3A_469 = arith.constant 0 : i32
        %parallel_loop3A_470 = tpu.memref_slice %arg7[%rem3A_135, %parallel_loop3A_468, %parallel_loop3A_469] : memref<2x128x128xf32, #tpu.memory_space<vmem>> -> memref<1x128x128xf32, #tpu.memory_space<vmem>>
        %parallel_loop3A_471 = tpu.memref_squeeze %parallel_loop3A_470 : memref<1x128x128xf32, #tpu.memory_space<vmem>> -> memref<128x128xf32, #tpu.memory_space<vmem>>
        tpu.vector_store_idx %parallel_loop3A_471[%parallel_loop3A_207, %parallel_loop3A_462], %parallel_loop3A_467 : memref<128x128xf32, #tpu.memory_space<vmem>>[vector<16xi32>, vector<16xi32>], vector<16xf32>,
        %parallel_loop3A_472 = arith.constant 0 : i32
        %parallel_loop3A_473 = arith.constant 0 : i32
        %parallel_loop3A_474 = tpu.memref_slice %arg6[%rem3A_135, %parallel_loop3A_472, %parallel_loop3A_473] : memref<2x64x128xf32, #tpu.memory_space<vmem>> -> memref<1x64x128xf32, #tpu.memory_space<vmem>>
        %parallel_loop3A_475 = tpu.memref_squeeze %parallel_loop3A_474 : memref<1x64x128xf32, #tpu.memory_space<vmem>> -> memref<64x128xf32, #tpu.memory_space<vmem>>
        %parallel_loop3A_476 = tpu.vector_load_idx %parallel_loop3A_475[%parallel_loop3A_462, %parallel_loop3A_207] : memref<64x128xf32, #tpu.memory_space<vmem>>[vector<16xi32>, vector<16xi32>], vector<16xf32>,
        %parallel_loop3A_477 = arith.constant 64 : i32
        %parallel_loop3A_478 = vector.broadcast %parallel_loop3A_477 : i32 to vector<16xi32>
        %parallel_loop3A_479 = arith.addi %parallel_loop3A_462, %parallel_loop3A_478 : vector<16xi32>
        %parallel_loop3A_480 = arith.constant 0 : i32
        %parallel_loop3A_481 = arith.constant 0 : i32
        %parallel_loop3A_482 = tpu.memref_slice %arg7[%rem3A_135, %parallel_loop3A_480, %parallel_loop3A_481] : memref<2x128x128xf32, #tpu.memory_space<vmem>> -> memref<1x128x128xf32, #tpu.memory_space<vmem>>
        %parallel_loop3A_483 = tpu.memref_squeeze %parallel_loop3A_482 : memref<1x128x128xf32, #tpu.memory_space<vmem>> -> memref<128x128xf32, #tpu.memory_space<vmem>>
        tpu.vector_store_idx %parallel_loop3A_483[%parallel_loop3A_207, %parallel_loop3A_479], %parallel_loop3A_476 : memref<128x128xf32, #tpu.memory_space<vmem>>[vector<16xi32>, vector<16xi32>], vector<16xf32>,
        %parallel_loop3A_484 = vector.broadcast %parallel_loop3A_203 : i32 to vector<16xi32>
        %parallel_loop3A_485 = arith.addi %xor3A_38, %parallel_loop3A_484 : vector<16xi32>
        %parallel_loop3A_486 = arith.constant 0 : i32
        %parallel_loop3A_487 = arith.constant 0 : i32
        %parallel_loop3A_488 = tpu.memref_slice %arg5[%rem3A_135, %parallel_loop3A_486, %parallel_loop3A_487] : memref<2x64x128xf32, #tpu.memory_space<vmem>> -> memref<1x64x128xf32, #tpu.memory_space<vmem>>
        %parallel_loop3A_489 = tpu.memref_squeeze %parallel_loop3A_488 : memref<1x64x128xf32, #tpu.memory_space<vmem>> -> memref<64x128xf32, #tpu.memory_space<vmem>>
        %parallel_loop3A_490 = tpu.vector_load_idx %parallel_loop3A_489[%parallel_loop3A_485, %parallel_loop3A_207] : memref<64x128xf32, #tpu.memory_space<vmem>>[vector<16xi32>, vector<16xi32>], vector<16xf32>,
        %parallel_loop3A_491 = arith.constant 0 : i32
        %parallel_loop3A_492 = arith.constant 0 : i32
        %parallel_loop3A_493 = tpu.memref_slice %arg7[%rem3A_135, %parallel_loop3A_491, %parallel_loop3A_492] : memref<2x128x128xf32, #tpu.memory_space<vmem>> -> memref<1x128x128xf32, #tpu.memory_space<vmem>>
        %parallel_loop3A_494 = tpu.memref_squeeze %parallel_loop3A_493 : memref<1x128x128xf32, #tpu.memory_space<vmem>> -> memref<128x128xf32, #tpu.memory_space<vmem>>
        tpu.vector_store_idx %parallel_loop3A_494[%parallel_loop3A_207, %parallel_loop3A_485], %parallel_loop3A_490 : memref<128x128xf32, #tpu.memory_space<vmem>>[vector<16xi32>, vector<16xi32>], vector<16xf32>,
        %parallel_loop3A_495 = arith.constant 0 : i32
        %parallel_loop3A_496 = arith.constant 0 : i32
        %parallel_loop3A_497 = tpu.memref_slice %arg6[%rem3A_135, %parallel_loop3A_495, %parallel_loop3A_496] : memref<2x64x128xf32, #tpu.memory_space<vmem>> -> memref<1x64x128xf32, #tpu.memory_space<vmem>>
        %parallel_loop3A_498 = tpu.memref_squeeze %parallel_loop3A_497 : memref<1x64x128xf32, #tpu.memory_space<vmem>> -> memref<64x128xf32, #tpu.memory_space<vmem>>
        %parallel_loop3A_499 = tpu.vector_load_idx %parallel_loop3A_498[%parallel_loop3A_485, %parallel_loop3A_207] : memref<64x128xf32, #tpu.memory_space<vmem>>[vector<16xi32>, vector<16xi32>], vector<16xf32>,
        %parallel_loop3A_500 = arith.constant 64 : i32
        %parallel_loop3A_501 = vector.broadcast %parallel_loop3A_500 : i32 to vector<16xi32>
        %parallel_loop3A_502 = arith.addi %parallel_loop3A_485, %parallel_loop3A_501 : vector<16xi32>
        %parallel_loop3A_503 = arith.constant 0 : i32
        %parallel_loop3A_504 = arith.constant 0 : i32
        %parallel_loop3A_505 = tpu.memref_slice %arg7[%rem3A_135, %parallel_loop3A_503, %parallel_loop3A_504] : memref<2x128x128xf32, #tpu.memory_space<vmem>> -> memref<1x128x128xf32, #tpu.memory_space<vmem>>
        %parallel_loop3A_506 = tpu.memref_squeeze %parallel_loop3A_505 : memref<1x128x128xf32, #tpu.memory_space<vmem>> -> memref<128x128xf32, #tpu.memory_space<vmem>>
        tpu.vector_store_idx %parallel_loop3A_506[%parallel_loop3A_207, %parallel_loop3A_502], %parallel_loop3A_499 : memref<128x128xf32, #tpu.memory_space<vmem>>[vector<16xi32>, vector<16xi32>], vector<16xf32>,
        %parallel_loop3A_507 = vector.broadcast %parallel_loop3A_203 : i32 to vector<16xi32>
        %parallel_loop3A_508 = arith.addi %xor3A_41, %parallel_loop3A_507 : vector<16xi32>
        %parallel_loop3A_509 = arith.constant 0 : i32
        %parallel_loop3A_510 = arith.constant 0 : i32
        %parallel_loop3A_511 = tpu.memref_slice %arg5[%rem3A_135, %parallel_loop3A_509, %parallel_loop3A_510] : memref<2x64x128xf32, #tpu.memory_space<vmem>> -> memref<1x64x128xf32, #tpu.memory_space<vmem>>
        %parallel_loop3A_512 = tpu.memref_squeeze %parallel_loop3A_511 : memref<1x64x128xf32, #tpu.memory_space<vmem>> -> memref<64x128xf32, #tpu.memory_space<vmem>>
        %parallel_loop3A_513 = tpu.vector_load_idx %parallel_loop3A_512[%parallel_loop3A_508, %parallel_loop3A_207] : memref<64x128xf32, #tpu.memory_space<vmem>>[vector<16xi32>, vector<16xi32>], vector<16xf32>,
        %parallel_loop3A_514 = arith.constant 0 : i32
        %parallel_loop3A_515 = arith.constant 0 : i32
        %parallel_loop3A_516 = tpu.memref_slice %arg7[%rem3A_135, %parallel_loop3A_514, %parallel_loop3A_515] : memref<2x128x128xf32, #tpu.memory_space<vmem>> -> memref<1x128x128xf32, #tpu.memory_space<vmem>>
        %parallel_loop3A_517 = tpu.memref_squeeze %parallel_loop3A_516 : memref<1x128x128xf32, #tpu.memory_space<vmem>> -> memref<128x128xf32, #tpu.memory_space<vmem>>
        tpu.vector_store_idx %parallel_loop3A_517[%parallel_loop3A_207, %parallel_loop3A_508], %parallel_loop3A_513 : memref<128x128xf32, #tpu.memory_space<vmem>>[vector<16xi32>, vector<16xi32>], vector<16xf32>,
        %parallel_loop3A_518 = arith.constant 0 : i32
        %parallel_loop3A_519 = arith.constant 0 : i32
        %parallel_loop3A_520 = tpu.memref_slice %arg6[%rem3A_135, %parallel_loop3A_518, %parallel_loop3A_519] : memref<2x64x128xf32, #tpu.memory_space<vmem>> -> memref<1x64x128xf32, #tpu.memory_space<vmem>>
        %parallel_loop3A_521 = tpu.memref_squeeze %parallel_loop3A_520 : memref<1x64x128xf32, #tpu.memory_space<vmem>> -> memref<64x128xf32, #tpu.memory_space<vmem>>
        %parallel_loop3A_522 = tpu.vector_load_idx %parallel_loop3A_521[%parallel_loop3A_508, %parallel_loop3A_207] : memref<64x128xf32, #tpu.memory_space<vmem>>[vector<16xi32>, vector<16xi32>], vector<16xf32>,
        %parallel_loop3A_523 = arith.constant 64 : i32
        %parallel_loop3A_524 = vector.broadcast %parallel_loop3A_523 : i32 to vector<16xi32>
        %parallel_loop3A_525 = arith.addi %parallel_loop3A_508, %parallel_loop3A_524 : vector<16xi32>
        %parallel_loop3A_526 = arith.constant 0 : i32
        %parallel_loop3A_527 = arith.constant 0 : i32
        %parallel_loop3A_528 = tpu.memref_slice %arg7[%rem3A_135, %parallel_loop3A_526, %parallel_loop3A_527] : memref<2x128x128xf32, #tpu.memory_space<vmem>> -> memref<1x128x128xf32, #tpu.memory_space<vmem>>
        %parallel_loop3A_529 = tpu.memref_squeeze %parallel_loop3A_528 : memref<1x128x128xf32, #tpu.memory_space<vmem>> -> memref<128x128xf32, #tpu.memory_space<vmem>>
        tpu.vector_store_idx %parallel_loop3A_529[%parallel_loop3A_207, %parallel_loop3A_525], %parallel_loop3A_522 : memref<128x128xf32, #tpu.memory_space<vmem>>[vector<16xi32>, vector<16xi32>], vector<16xf32>,
        %parallel_loop3A_530 = vector.broadcast %parallel_loop3A_203 : i32 to vector<16xi32>
        %parallel_loop3A_531 = arith.addi %xor3A_44, %parallel_loop3A_530 : vector<16xi32>
        %parallel_loop3A_532 = arith.constant 0 : i32
        %parallel_loop3A_533 = arith.constant 0 : i32
        %parallel_loop3A_534 = tpu.memref_slice %arg5[%rem3A_135, %parallel_loop3A_532, %parallel_loop3A_533] : memref<2x64x128xf32, #tpu.memory_space<vmem>> -> memref<1x64x128xf32, #tpu.memory_space<vmem>>
        %parallel_loop3A_535 = tpu.memref_squeeze %parallel_loop3A_534 : memref<1x64x128xf32, #tpu.memory_space<vmem>> -> memref<64x128xf32, #tpu.memory_space<vmem>>
        %parallel_loop3A_536 = tpu.vector_load_idx %parallel_loop3A_535[%parallel_loop3A_531, %parallel_loop3A_207] : memref<64x128xf32, #tpu.memory_space<vmem>>[vector<16xi32>, vector<16xi32>], vector<16xf32>,
        %parallel_loop3A_537 = arith.constant 0 : i32
        %parallel_loop3A_538 = arith.constant 0 : i32
        %parallel_loop3A_539 = tpu.memref_slice %arg7[%rem3A_135, %parallel_loop3A_537, %parallel_loop3A_538] : memref<2x128x128xf32, #tpu.memory_space<vmem>> -> memref<1x128x128xf32, #tpu.memory_space<vmem>>
        %parallel_loop3A_540 = tpu.memref_squeeze %parallel_loop3A_539 : memref<1x128x128xf32, #tpu.memory_space<vmem>> -> memref<128x128xf32, #tpu.memory_space<vmem>>
        tpu.vector_store_idx %parallel_loop3A_540[%parallel_loop3A_207, %parallel_loop3A_531], %parallel_loop3A_536 : memref<128x128xf32, #tpu.memory_space<vmem>>[vector<16xi32>, vector<16xi32>], vector<16xf32>,
        %parallel_loop3A_541 = arith.constant 0 : i32
        %parallel_loop3A_542 = arith.constant 0 : i32
        %parallel_loop3A_543 = tpu.memref_slice %arg6[%rem3A_135, %parallel_loop3A_541, %parallel_loop3A_542] : memref<2x64x128xf32, #tpu.memory_space<vmem>> -> memref<1x64x128xf32, #tpu.memory_space<vmem>>
        %parallel_loop3A_544 = tpu.memref_squeeze %parallel_loop3A_543 : memref<1x64x128xf32, #tpu.memory_space<vmem>> -> memref<64x128xf32, #tpu.memory_space<vmem>>
        %parallel_loop3A_545 = tpu.vector_load_idx %parallel_loop3A_544[%parallel_loop3A_531, %parallel_loop3A_207] : memref<64x128xf32, #tpu.memory_space<vmem>>[vector<16xi32>, vector<16xi32>], vector<16xf32>,
        %parallel_loop3A_546 = arith.constant 64 : i32
        %parallel_loop3A_547 = vector.broadcast %parallel_loop3A_546 : i32 to vector<16xi32>
        %parallel_loop3A_548 = arith.addi %parallel_loop3A_531, %parallel_loop3A_547 : vector<16xi32>
        %parallel_loop3A_549 = arith.constant 0 : i32
        %parallel_loop3A_550 = arith.constant 0 : i32
        %parallel_loop3A_551 = tpu.memref_slice %arg7[%rem3A_135, %parallel_loop3A_549, %parallel_loop3A_550] : memref<2x128x128xf32, #tpu.memory_space<vmem>> -> memref<1x128x128xf32, #tpu.memory_space<vmem>>
        %parallel_loop3A_552 = tpu.memref_squeeze %parallel_loop3A_551 : memref<1x128x128xf32, #tpu.memory_space<vmem>> -> memref<128x128xf32, #tpu.memory_space<vmem>>
        tpu.vector_store_idx %parallel_loop3A_552[%parallel_loop3A_207, %parallel_loop3A_548], %parallel_loop3A_545 : memref<128x128xf32, #tpu.memory_space<vmem>>[vector<16xi32>, vector<16xi32>], vector<16xf32>,
        %parallel_loop3A_553 = vector.broadcast %parallel_loop3A_203 : i32 to vector<16xi32>
        %parallel_loop3A_554 = arith.addi %xor3A_47, %parallel_loop3A_553 : vector<16xi32>
        %parallel_loop3A_555 = arith.constant 0 : i32
        %parallel_loop3A_556 = arith.constant 0 : i32
        %parallel_loop3A_557 = tpu.memref_slice %arg5[%rem3A_135, %parallel_loop3A_555, %parallel_loop3A_556] : memref<2x64x128xf32, #tpu.memory_space<vmem>> -> memref<1x64x128xf32, #tpu.memory_space<vmem>>
        %parallel_loop3A_558 = tpu.memref_squeeze %parallel_loop3A_557 : memref<1x64x128xf32, #tpu.memory_space<vmem>> -> memref<64x128xf32, #tpu.memory_space<vmem>>
        %parallel_loop3A_559 = tpu.vector_load_idx %parallel_loop3A_558[%parallel_loop3A_554, %parallel_loop3A_207] : memref<64x128xf32, #tpu.memory_space<vmem>>[vector<16xi32>, vector<16xi32>], vector<16xf32>,
        %parallel_loop3A_560 = arith.constant 0 : i32
        %parallel_loop3A_561 = arith.constant 0 : i32
        %parallel_loop3A_562 = tpu.memref_slice %arg7[%rem3A_135, %parallel_loop3A_560, %parallel_loop3A_561] : memref<2x128x128xf32, #tpu.memory_space<vmem>> -> memref<1x128x128xf32, #tpu.memory_space<vmem>>
        %parallel_loop3A_563 = tpu.memref_squeeze %parallel_loop3A_562 : memref<1x128x128xf32, #tpu.memory_space<vmem>> -> memref<128x128xf32, #tpu.memory_space<vmem>>
        tpu.vector_store_idx %parallel_loop3A_563[%parallel_loop3A_207, %parallel_loop3A_554], %parallel_loop3A_559 : memref<128x128xf32, #tpu.memory_space<vmem>>[vector<16xi32>, vector<16xi32>], vector<16xf32>,
        %parallel_loop3A_564 = arith.constant 0 : i32
        %parallel_loop3A_565 = arith.constant 0 : i32
        %parallel_loop3A_566 = tpu.memref_slice %arg6[%rem3A_135, %parallel_loop3A_564, %parallel_loop3A_565] : memref<2x64x128xf32, #tpu.memory_space<vmem>> -> memref<1x64x128xf32, #tpu.memory_space<vmem>>
        %parallel_loop3A_567 = tpu.memref_squeeze %parallel_loop3A_566 : memref<1x64x128xf32, #tpu.memory_space<vmem>> -> memref<64x128xf32, #tpu.memory_space<vmem>>
        %parallel_loop3A_568 = tpu.vector_load_idx %parallel_loop3A_567[%parallel_loop3A_554, %parallel_loop3A_207] : memref<64x128xf32, #tpu.memory_space<vmem>>[vector<16xi32>, vector<16xi32>], vector<16xf32>,
        %parallel_loop3A_569 = arith.constant 64 : i32
        %parallel_loop3A_570 = vector.broadcast %parallel_loop3A_569 : i32 to vector<16xi32>
        %parallel_loop3A_571 = arith.addi %parallel_loop3A_554, %parallel_loop3A_570 : vector<16xi32>
        %parallel_loop3A_572 = arith.constant 0 : i32
        %parallel_loop3A_573 = arith.constant 0 : i32
        %parallel_loop3A_574 = tpu.memref_slice %arg7[%rem3A_135, %parallel_loop3A_572, %parallel_loop3A_573] : memref<2x128x128xf32, #tpu.memory_space<vmem>> -> memref<1x128x128xf32, #tpu.memory_space<vmem>>
        %parallel_loop3A_575 = tpu.memref_squeeze %parallel_loop3A_574 : memref<1x128x128xf32, #tpu.memory_space<vmem>> -> memref<128x128xf32, #tpu.memory_space<vmem>>
        tpu.vector_store_idx %parallel_loop3A_575[%parallel_loop3A_207, %parallel_loop3A_571], %parallel_loop3A_568 : memref<128x128xf32, #tpu.memory_space<vmem>>[vector<16xi32>, vector<16xi32>], vector<16xf32>,
      } {sc.loop_unroll_factor = 1 : i64, sc.parallel_access}
      %add3A_174 = arith.addi %add3A_51, %while3A_133 : i32
      %mul3A_175 = arith.constant 128 : i32
      %mul3A_176 = arith.muli %add3A_174, %mul3A_175 : i32
      %dma_start3A_177 = arith.constant 0 : i32
      %dma_start3A_178 = arith.constant 0 : i32
      %dma_start3A_179 = tpu.memref_slice %arg7[%rem3A_135, %dma_start3A_177, %dma_start3A_178] : memref<2x128x128xf32, #tpu.memory_space<vmem>> -> memref<1x128x128xf32, #tpu.memory_space<vmem>>
      %dma_start3A_180 = tpu.memref_squeeze %dma_start3A_179 : memref<1x128x128xf32, #tpu.memory_space<vmem>> -> memref<128x128xf32, #tpu.memory_space<vmem>>
      %dma_start3A_181 = arith.constant 0 : i32
      %dma_start3A_182 = tpu.memref_slice %arg4[%mul3A_176, %dma_start3A_181] : memref<500032x128xf32, #tpu.memory_space<hbm>> -> memref<128x128xf32, #tpu.memory_space<hbm>>
      %dma_start3A_183 = tpu.memref_slice %arg9[%rem3A_135] : memref<2x!tpu.dma_semaphore, #tpu.memory_space<semaphore_mem>> -> memref<1x!tpu.dma_semaphore, #tpu.memory_space<semaphore_mem>>
      %dma_start3A_184 = tpu.memref_squeeze %dma_start3A_183 : memref<1x!tpu.dma_semaphore, #tpu.memory_space<semaphore_mem>> -> memref<!tpu.dma_semaphore, #tpu.memory_space<semaphore_mem>>
      %dma_start3A_185 = arith.constant 0 : i32
      %dma_start3A_186 = tpu.memref_slice %arg4[%mul3A_176, %dma_start3A_185] : memref<500032x128xf32, #tpu.memory_space<hbm>> -> memref<128x128xf32, #tpu.memory_space<hbm>>
      %dma_start3A_187 = arith.constant 0 : i32
      %dma_start3A_188 = arith.constant 0 : i32
      %dma_start3A_189 = tpu.memref_slice %arg7[%rem3A_135, %dma_start3A_187, %dma_start3A_188] : memref<2x128x128xf32, #tpu.memory_space<vmem>> -> memref<1x128x128xf32, #tpu.memory_space<vmem>>
      %dma_start3A_190 = tpu.memref_squeeze %dma_start3A_189 : memref<1x128x128xf32, #tpu.memory_space<vmem>> -> memref<128x128xf32, #tpu.memory_space<vmem>>
      tpu.enqueue_dma source(%dma_start3A_190 : memref<128x128xf32, #tpu.memory_space<vmem>>) target(%dma_start3A_186 : memref<128x128xf32, #tpu.memory_space<hbm>>) target_semaphore(%dma_start3A_184 : memref<!tpu.dma_semaphore, #tpu.memory_space<semaphore_mem>>)
      %add3A_191 = arith.constant 2 : i32
      %add3A_192 = arith.addi %while3A_133, %add3A_191 : i32
      %lt3A_193 = arith.cmpi slt, %add3A_192, %add3A_58 : i32
      %convert_element_type3A_194 = arith.extui %lt3A_193 : i1 to i32
      %cond3A_195 = arith.constant 0 : i32
      %cond3A_196 = arith.cmpi ne, %convert_element_type3A_194, %cond3A_195 : i32
      scf.if %cond3A_196 {
        %add3A_197 = arith.addi %add3A_51, %while3A_133 : i32
        %add3A_198 = arith.constant 2 : i32
        %add3A_199 = arith.addi %add3A_197, %add3A_198 : i32
        %mul3A_200 = arith.constant 256 : i32
        %mul3A_201 = arith.muli %add3A_199, %mul3A_200 : i32
        %dma_start3A_202 = arith.constant 0 : i32
        %dma_start3A_203 = arith.constant 0 : i32
        %dma_start3A_204 = tpu.memref_slice %arg5[%rem3A_135, %dma_start3A_202, %dma_start3A_203] : memref<2x64x128xf32, #tpu.memory_space<vmem>> -> memref<1x64x128xf32, #tpu.memory_space<vmem>>
        %dma_start3A_205 = tpu.memref_squeeze %dma_start3A_204 : memref<1x64x128xf32, #tpu.memory_space<vmem>> -> memref<64x128xf32, #tpu.memory_space<vmem>>
        %dma_start3A_206 = arith.constant 0 : i32
        %dma_start3A_207 = tpu.memref_slice %arg2[%dma_start3A_206, %mul3A_201] : memref<64x1000000xf32, #tpu.memory_space<hbm>> -> memref<64x128xf32, #tpu.memory_space<hbm>>
        %dma_start3A_208 = tpu.memref_slice %arg8[%rem3A_135] : memref<2x!tpu.dma_semaphore, #tpu.memory_space<semaphore_mem>> -> memref<1x!tpu.dma_semaphore, #tpu.memory_space<semaphore_mem>>
        %dma_start3A_209 = tpu.memref_squeeze %dma_start3A_208 : memref<1x!tpu.dma_semaphore, #tpu.memory_space<semaphore_mem>> -> memref<!tpu.dma_semaphore, #tpu.memory_space<semaphore_mem>>
        %dma_start3A_210 = arith.constant 0 : i32
        %dma_start3A_211 = arith.constant 0 : i32
        %dma_start3A_212 = tpu.memref_slice %arg5[%rem3A_135, %dma_start3A_210, %dma_start3A_211] : memref<2x64x128xf32, #tpu.memory_space<vmem>> -> memref<1x64x128xf32, #tpu.memory_space<vmem>>
        %dma_start3A_213 = tpu.memref_squeeze %dma_start3A_212 : memref<1x64x128xf32, #tpu.memory_space<vmem>> -> memref<64x128xf32, #tpu.memory_space<vmem>>
        %dma_start3A_214 = arith.constant 0 : i32
        %dma_start3A_215 = tpu.memref_slice %arg2[%dma_start3A_214, %mul3A_201] : memref<64x1000000xf32, #tpu.memory_space<hbm>> -> memref<64x128xf32, #tpu.memory_space<hbm>>
        tpu.enqueue_dma source(%dma_start3A_215 : memref<64x128xf32, #tpu.memory_space<hbm>>) target(%dma_start3A_213 : memref<64x128xf32, #tpu.memory_space<vmem>>) target_semaphore(%dma_start3A_209 : memref<!tpu.dma_semaphore, #tpu.memory_space<semaphore_mem>>)
        %mul3A_216 = arith.constant 256 : i32
        %mul3A_217 = arith.muli %add3A_199, %mul3A_216 : i32
        %add3A_218 = arith.constant 128 : i32
        %add3A_219 = arith.addi %mul3A_217, %add3A_218 : i32
        %dma_start3A_220 = arith.constant 0 : i32
        %dma_start3A_221 = arith.constant 0 : i32
        %dma_start3A_222 = tpu.memref_slice %arg6[%rem3A_135, %dma_start3A_220, %dma_start3A_221] : memref<2x64x128xf32, #tpu.memory_space<vmem>> -> memref<1x64x128xf32, #tpu.memory_space<vmem>>
        %dma_start3A_223 = tpu.memref_squeeze %dma_start3A_222 : memref<1x64x128xf32, #tpu.memory_space<vmem>> -> memref<64x128xf32, #tpu.memory_space<vmem>>
        %dma_start3A_224 = arith.constant 0 : i32
        %dma_start3A_225 = tpu.memref_slice %arg2[%dma_start3A_224, %add3A_219] : memref<64x1000000xf32, #tpu.memory_space<hbm>> -> memref<64x128xf32, #tpu.memory_space<hbm>>
        %dma_start3A_226 = tpu.memref_slice %arg8[%rem3A_135] : memref<2x!tpu.dma_semaphore, #tpu.memory_space<semaphore_mem>> -> memref<1x!tpu.dma_semaphore, #tpu.memory_space<semaphore_mem>>
        %dma_start3A_227 = tpu.memref_squeeze %dma_start3A_226 : memref<1x!tpu.dma_semaphore, #tpu.memory_space<semaphore_mem>> -> memref<!tpu.dma_semaphore, #tpu.memory_space<semaphore_mem>>
        %dma_start3A_228 = arith.constant 0 : i32
        %dma_start3A_229 = arith.constant 0 : i32
        %dma_start3A_230 = tpu.memref_slice %arg6[%rem3A_135, %dma_start3A_228, %dma_start3A_229] : memref<2x64x128xf32, #tpu.memory_space<vmem>> -> memref<1x64x128xf32, #tpu.memory_space<vmem>>
        %dma_start3A_231 = tpu.memref_squeeze %dma_start3A_230 : memref<1x64x128xf32, #tpu.memory_space<vmem>> -> memref<64x128xf32, #tpu.memory_space<vmem>>
        %dma_start3A_232 = arith.constant 0 : i32
        %dma_start3A_233 = tpu.memref_slice %arg2[%dma_start3A_232, %add3A_219] : memref<64x1000000xf32, #tpu.memory_space<hbm>> -> memref<64x128xf32, #tpu.memory_space<hbm>>
        tpu.enqueue_dma source(%dma_start3A_233 : memref<64x128xf32, #tpu.memory_space<hbm>>) target(%dma_start3A_231 : memref<64x128xf32, #tpu.memory_space<vmem>>) target_semaphore(%dma_start3A_227 : memref<!tpu.dma_semaphore, #tpu.memory_space<semaphore_mem>>)
      } else {
      }
    }
    %sub3A = arith.constant 1 : i32
    %sub3A_107 = arith.subi %add3A_58, %sub3A : i32
    %rem3A = arith.constant 2 : i32
    %rem3A_108 = arith.remsi %sub3A_107, %rem3A : i32
    %dma_wait3A = arith.constant 0 : i32
    %dma_wait3A_109 = arith.constant 0 : i32
    %dma_wait3A_110 = tpu.memref_slice %arg7[%rem3A_108, %dma_wait3A, %dma_wait3A_109] : memref<2x128x128xf32, #tpu.memory_space<vmem>> -> memref<1x128x128xf32, #tpu.memory_space<vmem>>
    %dma_wait3A_111 = tpu.memref_squeeze %dma_wait3A_110 : memref<1x128x128xf32, #tpu.memory_space<vmem>> -> memref<128x128xf32, #tpu.memory_space<vmem>>
    %dma_wait3A_112 = arith.constant 0 : i32
    %dma_wait3A_113 = arith.constant 0 : i32
    %dma_wait3A_114 = tpu.memref_slice %arg4[%dma_wait3A_112, %dma_wait3A_113] : memref<500032x128xf32, #tpu.memory_space<hbm>> -> memref<128x128xf32, #tpu.memory_space<hbm>>
    %dma_wait3A_115 = tpu.memref_slice %arg9[%rem3A_108] : memref<2x!tpu.dma_semaphore, #tpu.memory_space<semaphore_mem>> -> memref<1x!tpu.dma_semaphore, #tpu.memory_space<semaphore_mem>>
    %dma_wait3A_116 = tpu.memref_squeeze %dma_wait3A_115 : memref<1x!tpu.dma_semaphore, #tpu.memory_space<semaphore_mem>> -> memref<!tpu.dma_semaphore, #tpu.memory_space<semaphore_mem>>
    %dma_wait3A_117 = arith.constant 0 : i32
    %dma_wait3A_118 = arith.constant 0 : i32
    %dma_wait3A_119 = tpu.memref_slice %arg4[%dma_wait3A_117, %dma_wait3A_118] : memref<500032x128xf32, #tpu.memory_space<hbm>> -> memref<128x128xf32, #tpu.memory_space<hbm>>
    %dma_wait3A_120 = arith.constant 0 : i32
    %dma_wait3A_121 = arith.constant 0 : i32
    %dma_wait3A_122 = tpu.memref_slice %arg7[%rem3A_108, %dma_wait3A_120, %dma_wait3A_121] : memref<2x128x128xf32, #tpu.memory_space<vmem>> -> memref<1x128x128xf32, #tpu.memory_space<vmem>>
    %dma_wait3A_123 = tpu.memref_squeeze %dma_wait3A_122 : memref<1x128x128xf32, #tpu.memory_space<vmem>> -> memref<128x128xf32, #tpu.memory_space<vmem>>
    tpu.wait_dma2 semaphore(%dma_wait3A_116 : memref<!tpu.dma_semaphore, #tpu.memory_space<semaphore_mem>>) src(%dma_wait3A_123 : memref<128x128xf32, #tpu.memory_space<vmem>>) dst(%dma_wait3A_119 : memref<128x128xf32, #tpu.memory_space<hbm>>)
    %gt3A_124 = arith.constant 1 : i32
    %gt3A_125 = arith.cmpi sgt, %add3A_58, %gt3A_124 : i32
    %convert_element_type3A_126 = arith.extui %gt3A_125 : i1 to i32
    %cond3A_127 = arith.constant 0 : i32
    %cond3A_128 = arith.cmpi ne, %convert_element_type3A_126, %cond3A_127 : i32
    scf.if %cond3A_128 {
      %rem3A_133 = arith.constant 2 : i32
      %rem3A_134 = arith.remsi %add3A_58, %rem3A_133 : i32
      %dma_wait3A_135 = arith.constant 0 : i32
      %dma_wait3A_136 = arith.constant 0 : i32
      %dma_wait3A_137 = tpu.memref_slice %arg7[%rem3A_134, %dma_wait3A_135, %dma_wait3A_136] : memref<2x128x128xf32, #tpu.memory_space<vmem>> -> memref<1x128x128xf32, #tpu.memory_space<vmem>>
      %dma_wait3A_138 = tpu.memref_squeeze %dma_wait3A_137 : memref<1x128x128xf32, #tpu.memory_space<vmem>> -> memref<128x128xf32, #tpu.memory_space<vmem>>
      %dma_wait3A_139 = arith.constant 0 : i32
      %dma_wait3A_140 = arith.constant 0 : i32
      %dma_wait3A_141 = tpu.memref_slice %arg4[%dma_wait3A_139, %dma_wait3A_140] : memref<500032x128xf32, #tpu.memory_space<hbm>> -> memref<128x128xf32, #tpu.memory_space<hbm>>
      %dma_wait3A_142 = tpu.memref_slice %arg9[%rem3A_134] : memref<2x!tpu.dma_semaphore, #tpu.memory_space<semaphore_mem>> -> memref<1x!tpu.dma_semaphore, #tpu.memory_space<semaphore_mem>>
      %dma_wait3A_143 = tpu.memref_squeeze %dma_wait3A_142 : memref<1x!tpu.dma_semaphore, #tpu.memory_space<semaphore_mem>> -> memref<!tpu.dma_semaphore, #tpu.memory_space<semaphore_mem>>
      %dma_wait3A_144 = arith.constant 0 : i32
      %dma_wait3A_145 = arith.constant 0 : i32
      %dma_wait3A_146 = tpu.memref_slice %arg4[%dma_wait3A_144, %dma_wait3A_145] : memref<500032x128xf32, #tpu.memory_space<hbm>> -> memref<128x128xf32, #tpu.memory_space<hbm>>
      %dma_wait3A_147 = arith.constant 0 : i32
      %dma_wait3A_148 = arith.constant 0 : i32
      %dma_wait3A_149 = tpu.memref_slice %arg7[%rem3A_134, %dma_wait3A_147, %dma_wait3A_148] : memref<2x128x128xf32, #tpu.memory_space<vmem>> -> memref<1x128x128xf32, #tpu.memory_space<vmem>>
      %dma_wait3A_150 = tpu.memref_squeeze %dma_wait3A_149 : memref<1x128x128xf32, #tpu.memory_space<vmem>> -> memref<128x128xf32, #tpu.memory_space<vmem>>
      tpu.wait_dma2 semaphore(%dma_wait3A_143 : memref<!tpu.dma_semaphore, #tpu.memory_space<semaphore_mem>>) src(%dma_wait3A_150 : memref<128x128xf32, #tpu.memory_space<vmem>>) dst(%dma_wait3A_146 : memref<128x128xf32, #tpu.memory_space<hbm>>)
    } else {
    }
    %eq3A = arith.constant 0 : i32
    %eq3A_129 = arith.cmpi eq, %add3A, %eq3A : i32
    %convert_element_type3A_130 = arith.extui %eq3A_129 : i1 to i32
    %cond3A_131 = arith.constant 0 : i32
    %cond3A_132 = arith.cmpi ne, %convert_element_type3A_130, %cond3A_131 : i32
    scf.if %cond3A_132 {
      "tpu.region"() ({
        %run_scoped3A = tpu.sem_alloc : memref<!tpu.dma_semaphore, #tpu.memory_space<semaphore_mem>>
        %dma_start3A_133 = arith.constant 499968 : i32
        %dma_start3A_134 = arith.constant 0 : i32
        %dma_start3A_135 = tpu.memref_slice %arg4[%dma_start3A_133, %dma_start3A_134] : memref<500032x128xf32, #tpu.memory_space<hbm>> -> memref<64x128xf32, #tpu.memory_space<hbm>>
        tpu.enqueue_dma source(%arg3 : memref<64x128xf32, #tpu.memory_space<hbm>>) target(%dma_start3A_135 : memref<64x128xf32, #tpu.memory_space<hbm>>) target_semaphore(%run_scoped3A : memref<!tpu.dma_semaphore, #tpu.memory_space<semaphore_mem>>)
        %dma_wait3A_136 = arith.constant 499968 : i32
        %dma_wait3A_137 = arith.constant 0 : i32
        %dma_wait3A_138 = tpu.memref_slice %arg4[%dma_wait3A_136, %dma_wait3A_137] : memref<500032x128xf32, #tpu.memory_space<hbm>> -> memref<64x128xf32, #tpu.memory_space<hbm>>
        tpu.wait_dma2 semaphore(%run_scoped3A : memref<!tpu.dma_semaphore, #tpu.memory_space<semaphore_mem>>) src(%arg3 : memref<64x128xf32, #tpu.memory_space<hbm>>) dst(%dma_wait3A_138 : memref<64x128xf32, #tpu.memory_space<hbm>>)
        tpu.yield
      }) : () -> ()
    } else {
    }
    return
  }
}

</mosaic_0001>

<sc_bundles>
// kernel: _pack.3.cloned.1.call-start
scs
__scs_entry_jumppad:
0x0: {  	(pc) =	sbr.rel $0x88, $3  }
0x1: {  	(tag) =	ssettag $0x0;
	lr =	simm.s32 $0x1  }
0x2: {  	[smem:$0x3F9F] =	sst lr;
	_ =	strace $0xD0000000  }
0x3: {  	_ = 	snop  }
0x4: {  	_ = 	snop  }
0x5: {  	_ = 	snop  }
0x6: {  	_ = 	snop  }
0x7: {  	_ = 	snop  }
__scs_overlays_trampoline_lowered:
0x8: {  	[smem:$0x3FAE] =	sst s0  }
0x9: {  	[smem:$0x3FAF] =	sst s1  }
0xa: {  	[smem:$0x3FB0] =	sst s2  }
0xb: {  	[smem:$0x3FB1] =	sst s3  }
0xc: {  	[smem:$0x3FB2] =	sst s4  }
0xd: {  	[smem:$0x3FB3] =	sst s5  }
0xe: {  	[smem:$0x3FB4] =	sst s6  }
0xf: {  	[smem:$0x3FB5] =	sst s7  }
0x10: {  	[smem:$0x3FB6] =	sst s8  }
0x11: {  	[smem:$0x3FB7] =	sst s9;
	s0 =	simm.s32 @!p0 $0x0  }
0x12: {  	s1 =	sld [smem:$0x3F9D];
	s0 =	simm.s32 @p0 $0x1  }
0x13: {  	[smem:$0x3FB8] =	sst s0;
	s0 =	simm.s32 @!p1 $0x0  }
0x14: {  	s2 =	sld [smem:$0x3F9C];
	s0 =	simm.s32 @p1 $0x1  }
0x15: {  	[smem:$0x3FB9] =	sst s0;
	s0 =	simm.s32 @!p2 $0x0  }
0x16: {  	s3 =	sld [smem:$0x3FDB];
	s0 =	simm.s32 @p2 $0x1  }
0x17: {  	s4 =	simm.s32 $0x1BF5;
	[smem:$0x3FBB] =	sst s0  }
0x18: {  	s0 =	sld [smem:$0x3F9E];
	_ =	swait.ge [sflag:s4], $0x0  }
0x19: {  	s7 =	sld [smem:$0x3F9F]  }
0x1a: {  	s8 =	sadd.s32 $0xFFFFE003, lr  }
0x1b: {  	s9 =	sadd.s32 $0xFFFFFEF7, lr;
	s5 =	simm.s32 $0xFFFFFFFF;
	p2 =	slt.u32 s8, $0xFFFFF086  }
0x1c: {  	p1 =	slt.u32 s9, $0xF7A;
	s5 =	simm.s32 @!p2 $0x0  }
0x1d: {  	s5 =	simm.s32 @p1 $0x1;
	p0 =	seq.s32 s7, s2  }
0x1e: {  	s7 =	smul.u32 @!p0 $0xF7A, s2;
	p2 =	seq.s32 @!p0 s5, $0x0  }
0x1f: {  	s9 =	smul.u32 $0xF7A, s1;
	s8 =	simm.s32 @!p0 $0x1BF5;
	p2 =	por !p2, p0  }
0x20: {  	[sflag:s8] =	ssyncset.s32 @!p0 $0xFFFFF086;
	s6 =	sadd.s32 @!p0 s3, s7;
	s7 =	simm.s32 @!p0 $0x108  }
0x21: {  	s3 =	sadd.s32 s3, s9;
	s6 =	sadd.s32 @!p0 $0x88, s6;
	s7 =	simm.s32 @p2 $0x1082  }
0x22: {  	[simem:s7], [sflag:s8] =	dma.local @!p0 [hbm:s6], $0xF7A  }
0x23: {  	s9 =	sor.u32 $0xD0000000, s2;
	s6 =	simm.s32 $0x108;
	_ =	swait.ge @!p0 [sflag:s8], $0x0  }
0x24: {  	s3 =	sadd.s32 $0x88, s3;
	s6 =	simm.s32 @!p1 $0x1082;
	[sflag:s4] =	ssyncset.s32 $0xFFFFF086  }
0x25: {  	[simem:s6], [sflag:s4] =	dma.local [hbm:s3], $0xF7A  }
0x26: {  	[smem:$0x3F9F] =	sst s1;
	(tag) =	ssettag s2;
	_ =	strace s9  }
0x27: {  	s1 =	sld [smem:$0x3FAF]  }
0x28: {  	s2 =	sld [smem:$0x3FB0]  }
0x29: {  	s4 =	sld [smem:$0x3FB2]  }
0x2a: {  	p0 =	seq.s32 s5, $0x0;
	s5 =	sld [smem:$0x3FB3]  }
0x2b: {  	s6 =	sld [smem:$0x3FB4]  }
0x2c: {  	s7 =	sld [smem:$0x3FB5]  }
0x2d: {  	s3 =	simm.s32 $0x108;
	s8 =	sld [smem:$0x3FB6]  }
0x2e: {  	s3 =	simm.s32 @!p0 $0x1082;
	s9 =	sld [smem:$0x3FB7]  }
0x2f: {  	lr =	sadd.s32 s0, s3;
	s0 =	sld [smem:$0x3FAE]  }
0x30: {  	s3 =	sld [smem:$0x3FB1]  }
0x31: {  	[smem:$0x3FBA] =	sst s10  }
0x32: {  	s10 =	sld [smem:$0x3FB8];
	_ =	sdelay $0x3  }
0x33: {  	p0 =	seq.s32 s10, $0x1;
	s10 =	sld [smem:$0x3FBA];
	_ =	sdelay $0x3  }
0x34: {  	[smem:$0x3FBA] =	sst s10  }
0x35: {  	s10 =	sld [smem:$0x3FB9];
	_ =	sdelay $0x3  }
0x36: {  	p1 =	seq.s32 s10, $0x1;
	s10 =	sld [smem:$0x3FBA];
	_ =	sdelay $0x3  }
0x37: {  	[smem:$0x3FBA] =	sst s10  }
0x38: {  	s10 =	sld [smem:$0x3FBB]  }
0x39: {  	_ = 	snop;
	(pc) =	sbr.ind lr, $3  }
0x3a: {  	_ = 	snop  }
0x3b: {  	_ = 	snop  }
0x3c: {  	p2 =	seq.s32 s10, $0x1;
	s10 =	sld [smem:$0x3FBA]  }
0x3d: {  	_ =	shalt  }
0x3e: {  	_ =	shalt  }
0x3f: {  	_ =	shalt  }
0x40: {  	_ =	shalt  }
0x41: {  	_ =	shalt  }
0x42: {  	_ =	shalt  }
0x43: {  	_ =	shalt  }
0x44: {  	_ =	shalt  }
0x45: {  	_ =	shalt  }
0x46: {  	_ =	shalt  }
0x47: {  	_ =	shalt  }
0x48: {  	_ =	shalt  }
0x49: {  	_ =	shalt  }
0x4a: {  	_ =	shalt  }
0x4b: {  	_ =	shalt  }
0x4c: {  	_ =	shalt  }
0x4d: {  	_ =	shalt  }
0x4e: {  	_ =	shalt  }
0x4f: {  	_ =	shalt  }
0x50: {  	_ =	shalt  }
0x51: {  	_ =	shalt  }
0x52: {  	_ =	shalt  }
0x53: {  	_ =	shalt  }
0x54: {  	_ =	shalt  }
0x55: {  	_ =	shalt  }
0x56: {  	_ =	shalt  }
0x57: {  	_ =	shalt  }
0x58: {  	_ =	shalt  }
0x59: {  	_ =	shalt  }
0x5a: {  	_ =	shalt  }
0x5b: {  	_ =	shalt  }
0x5c: {  	_ =	shalt  }
0x5d: {  	_ =	shalt  }
0x5e: {  	_ =	shalt  }
0x5f: {  	_ =	shalt  }
0x60: {  	_ =	shalt  }
0x61: {  	_ =	shalt  }
0x62: {  	_ =	shalt  }
0x63: {  	_ =	shalt  }
0x64: {  	_ =	shalt  }
0x65: {  	_ =	shalt  }
0x66: {  	_ =	shalt  }
0x67: {  	_ =	shalt  }
0x68: {  	_ =	shalt  }
0x69: {  	_ =	shalt  }
0x6a: {  	_ =	shalt  }
0x6b: {  	_ =	shalt  }
0x6c: {  	_ =	shalt  }
0x6d: {  	_ =	shalt  }
0x6e: {  	_ =	shalt  }
0x6f: {  	_ =	shalt  }
0x70: {  	_ =	shalt  }
0x71: {  	_ =	shalt  }
0x72: {  	_ =	shalt  }
0x73: {  	_ =	shalt  }
0x74: {  	_ =	shalt  }
0x75: {  	_ =	shalt  }
0x76: {  	_ =	shalt  }
0x77: {  	_ =	shalt  }
0x78: {  	_ =	shalt  }
0x79: {  	_ =	shalt  }
0x7a: {  	_ =	shalt  }
0x7b: {  	_ =	shalt  }
0x7c: {  	_ =	shalt  }
0x7d: {  	_ =	shalt  }
0x7e: {  	_ =	shalt  }
0x7f: {  	_ =	shalt  }
0x80: {  	_ =	shalt  }
0x81: {  	_ =	shalt  }
0x82: {  	_ =	shalt  }
0x83: {  	_ =	shalt  }
0x84: {  	_ =	shalt  }
0x85: {  	_ =	shalt  }
0x86: {  	_ =	shalt  }
0x87: {  	_ =	shalt  }
.Lfunc_end0:
.L_simem_size_0:
called_computation_lowered:
.L_overlay_start_0:
0x88: {  	s2 =	sld [smem:$0x3FD9]  }
0x89: {  	s3 =	sld [smem:$0x3FFE];
	_ =	sdelay $0x1  }
0x8a: {  	s1 =	srdreg.scid  }
0x8b: {  	s0 =	sand.u32 $0x1, s1  }
0x8c: {  	s18 =	sshll.u32 s0, $0xA;
	s2 =	sadd.s32 s3, s2  }
0x8d: {  	s2 =	sadd.s32 s2, s18  }
0x8e: {  	[smem:$0x3FC6] =	sst s2  }
0x8f: {  	_ = 	snop  }
0x90: {  	s2 =	sld [smem:$0x3FC9]  }
0x91: {  	s19 =	sld [smem:$0x3FC8]  }
0x92: {  	s4 =	sld [smem:$0x3FD0];
	(tm) =	ssettm $0x1  }
0x93: {  	s5 =	sld [smem:$0x3FFB];
	_ =	sdelay $0x3  }
0x94: {  	_ =	strace s5  }
0x95: {  	s5 =	sld [smem:$0x3FFC];
	_ =	sdelay $0x3  }
0x96: {  	_ =	strace s5  }
0x97: {  	s5 =	sld [smem:$0x3FFD];
	_ =	sdelay $0x3  }
0x98: {  	_ =	strace s5  }
0x99: {  	_ =	strace $0x8FFFFFFF  }
0x9a: {  	s20 =	sld [smem:$0x3FDB];
	_ =	sdelay $0x1  }
0x9b: {  	s6 =	simm.s32 $_scs_section_size  }
0x9c: {  	s7 =	simm.s32 $_size__tile_overlayer_lowered;
	s8 =	simm.s32 $_tile_overlayer_lowered  }
0x9d: {  	s23 =	simm.s32 $0x1BFF;
	s22 =	sshll.u32 s8, $0x1;
	s5 =	sadd.s32 s6, s20  }
0x9e: {  	s9 =	simm.s32 $0x0;
	s21 =	sshll.u32 s7, $0x1;
	s7 =	sadd.s32 s22, s5  }
0x9f: {  	[timem:s9], [sflag:s23] =	dma.local [hbm:s7], s21  }
0xa0: {  	_ =	swait.ge [sflag:s23], s21  }
0xa1: {  	s6 =	ssub.s32 $0x0, s21;
	[sflag:s23] =	ssyncset.done $0x0  }
0xa2: {  	[sflag:s23] =	ssyncadd.s32 s6;
	_ =	sdelay $0x1  }
0xa3: {  	s24 =	simm.s32 $0x1B8B  }
0xa4: {  	_ =	swait.ge [sflag:s24], $0x1  }
0xa5: {  	[sflag:s24] =	ssyncset.done $0x0  }
0xa6: {  	s25 =	simm.s32 $0x1B8E;
	[sflag:s24] =	ssyncadd.s32 $0xFFFFFFFF  }
0xa7: {  	s26 =	simm.s32 $execute0_lowered;
	[smem:$0x3FD2] =	sst s25  }
0xa8: {  	s6 =	sshll.u32 s26, $0x1;
	_ =	strace $0x80000046;
	[dreg:$0x1] =	wrdreg $0xFFFFFFFF  }
0xa9: {  	s28 =	simm.s32 $_size_execute0_lowered;
	s5 =	sadd.s32 s5, s6;
	[dreg:$0x0] =	wrdreg $0x0  }
0xaa: {  	s6 =	sshll.u32 s28, $0x1;
	[dreg:$0x2] =	wrdreg s5  }
0xab: {  	[dreg:$0x3] =	wrdreg s6  }
0xac: {  	[dreg:$0x4] =	wrdreg $0xC0  }
0xad: {  	_ =	task [dreg:s9], $0x5FFFF  }
0xae: {  	[dreg:$0x1] =	wrdreg $0xFFFFFFFF  }
0xaf: {  	[dreg:$0x0] =	wrdreg $0x60  }
0xb0: {  	[dreg:$0x2] =	wrdreg s2  }
0xb1: {  	[dreg:$0x3] =	wrdreg s19  }
0xb2: {  	[dreg:$0x4] =	wrdreg s4  }
0xb3: {  	[dreg:$0x5] =	wrdreg $0x9  }
0xb4: {  	_ =	task.clear_ibuf [dreg:s9], $0x6FFFF;
	_ =	strace $0x90000046  }
0xb5: {  	s29 =	simm.s32 $0x9;
	_ =	strace $0x80000048  }
0xb6: {  	_ =	swait.ge [sflag:s29], $0x1  }
0xb7: {  	[sflag:s29] =	ssyncadd.s32 $0xFFFFFFFF  }
0xb8: {  	_ =	strace $0x90000048  }
0xb9: {  	_ =	sfence  }
0xba: {  	s30 =	sld [smem:$0x0];
	_ =	sdelay $0x2  }
0xbb: {  	s31 =	sshll.u32 s1, $0xD;
	s1 =	sshrl.u32 s1, $0x2  }
0xbc: {  	s3 =	sand.u32 $0x4000, s31;
	s1 =	sadd.s32 s1, s30  }
0xbd: {  	s0 =	sor.u32 s3, s0;
	s1 =	sshll.u32 s1, $0x11  }
0xbe: {  	s0 =	sor.u32 s1, s0  }
0xbf: {  	s0 =	sadd.s32 $0x8F2B, s0  }
0xc0: {  	[sflag:s0] =	ssyncadd.remote.s32 $0x1  }
0xc1: {  	_ =	sfence.sel $0xFFFF  }
0xc2: {  	[dreg:$0x0] =	wrdreg $0xFFFFFFFF;
	(pc) =	sbr.abs _section_cstart, $3  }
0xc3: {  	[dreg:$0x1] =	wrdreg $0xFFFFFFFF  }
0xc4: {  	_ =	task.clear_ibuf [dreg:s9], $0x2FFFF;
	_ =	strace $0x9FFFFFFF  }
0xc5: {  	(tm) =	ssettm $0x7FFFFFFF  }
tec
execute0_lowered:
.L_overlay_start_1:
0x0: {  	(tag) =	ssettag $0x1  }
0x1: {  	v0 =	vimm.s32 $0xEFCDAB89;
	v1 =	vimm.s32 $0x67452301;
	v9 =	vlaneseq.u32  }
0x2: {  	vm0 =	vcmask $0x1F10;
	v3 =	vimm.s32 $0x4A4B4849;
	v4 =	vimm.s32 $0x4E4F4C4D  }
0x3: {  	v5 =	vimm.s32 $0x42434041;
	v43 =	vimm.s32 $0x46474445;
	v7 =	vimm.s32 $0xDCFE98BA  }
0x4: {  	v8 =	vimm.s32 $0x54761032;
	v53 =	vimm.s32 $0x4D4C4F4E;
	v12 =	vimm.s32 $0x41404342  }
0x5: {  	v14 =	vimm.s32 $0xCDEF89AB;
	v15 =	vimm.s32 $0x45670123;
	v16 =	vimm.s32 $0x44454647  }
0x6: {  	v17 =	vimm.s32 $0xAB89EFCD;
	v18 =	vimm.s32 $0x98BADCFE;
	v21 =	vimm.s32 $0x10325476  }
0x7: {  	v22 =	vimm.s32 $0x43424140;
	v0 =	vunpack.c.l.s4.s8 v0;
	v2 =	vunpack.c.l.s4.s8 v1  }
0x8: {  	v6 =	vunpack.c.0.s8.s32 v3;
	v4 =	vunpack.c.0.s8.s32 v4;
	v5 =	vunpack.c.0.s8.s32 v5  }
0x9: {  	v10 =	vunpack.c.0.s8.s32 v43;
	v7 =	vunpack.c.l.s4.s8 v7;
	v11 =	vunpack.c.l.s4.s8 v8  }
0xa: {  	v44 =	vor.u32 $0x40, v9;
	v35 =	vunpack.c.0.s8.s32 v16;
	v18 =	vunpack.c.l.s4.s8 v18  }
0xb: {  	v21 =	vunpack.c.l.s4.s8 v21;
	v46 =	vunpack.c.0.s8.s32 v7;
	v7 =	vimm.s32 $0x49484B4A  }
0xc: {  	v47 =	vunpack.c.0.s8.s32 v11;
	v13 =	vunpack.c.0.s8.s32 v7;
	v7 =	vimm.s32 $0x45444746  }
0xd: {  	v19 =	vunpack.c.0.s8.s32 v7;
	v7 =	vunpack.c.l.s4.s8 v14;
	v14 =	vunpack.c.l.s4.s8 v15  }
0xe: {  	v45 =	vsel vm0, v4, v6;
	v8 =	vsel vm0, v10, v5;
	v15 =	vcombine.low v47, v46  }
0xf: {  	v24 =	vunpack.c.0.s8.s32 v7;
	v14 =	vunpack.c.0.s8.s32 v14;
	v7 =	vimm.s32 $0x48494A4B  }
0x10: {  	v38 =	vand.u32 $0xF, v15;
	v25 =	vunpack.c.0.s8.s32 v7;
	v7 =	vimm.s32 $0x4C4D4E4F  }
0x11: {  	v15 =	vcombine.low v14, v24;
	v26 =	vunpack.c.0.s8.s32 v7;
	v7 =	vimm.s32 $0x40414243  }
0x12: {  	v4 =	vsel vm0, v6, v4;
	v40 =	vunpack.c.0.s8.s32 v7;
	v7 =	vimm.s32 $0xBA98FEDC  }
0x13: {  	[tilespmem:$0x1FE50] =	vst v44;
	v51 =	vand.u32 $0xF, v15;
	v15 =	vunpack.c.l.s4.s8 v7;
	v7 =	vimm.s32 $0x32107654  }
0x14: {  	v54 =	vunpack.c.0.s8.s32 v18;
	v5 =	vsel vm0, v5, v10;
	[tilespmem:$0x1FEE0] =	vst v4;
	v16 =	vunpack.c.l.s4.s8 v7  }
0x15: {  	v31 =	vunpack.c.0.s8.s32 v22;
	v21 =	vunpack.c.0.s8.s32 v21;
	[tilespmem:$0x1FEF0] =	vst v5;
	v32 =	vunpack.c.0.s8.s32 v15  }
0x16: {  	[tilespmem:$0x1FEC0] =	vst v54;
	v15 =	vimm.s32 $0x4F4E4D4C;
	v33 =	vunpack.c.0.s8.s32 v16;
	v16 =	vimm.s32 $0x4B4A4948  }
0x17: {  	[tilespmem:$0x1FED0] =	vst v21;
	v15 =	vunpack.c.0.s8.s32 v15;
	v29 =	vunpack.c.0.s8.s32 v16;
	v16 =	vimm.s32 $0x47464544  }
0x18: {  	[tilespmem:$0x1FE60] =	vst v32;
	v28 =	vunpack.c.0.s8.s32 v16;
	v16 =	vunpack.c.l.s4.s8 v17;
	v17 =	vimm.s32 $0x23016745  }
0x19: {  	v11 =	vunpack.c.0.s8.s32 v53;
	[tilespmem:$0x1FE70] =	vst v33;
	v17 =	vunpack.c.l.s4.s8 v17;
	v55 =	vsel vm0, v29, v15  }
0x1a: {  	v12 =	vunpack.c.0.s8.s32 v12;
	v22 =	vunpack.c.0.s8.s32 v16;
	v34 =	vsel vm0, v31, v28;
	[tilespmem:$0x1FEA0] =	vst v55  }
0x1b: {  	v20 =	vsel vm0, v11, v13;
	v13 =	vsel vm0, v13, v11;
	v17 =	vunpack.c.0.s8.s32 v17;
	[tilespmem:$0x1FEB0] =	vst v34  }
0x1c: {  	s1 =	rddreg [dreg:$0x0];
	s5 =	simm.s32 $0x0;
	v23 =	vsel vm0, v19, v12;
	v19 =	vsel vm0, v12, v19;
	v39 =	vsel vm0, v26, v25;
	[tilespmem:$0x1FE80] =	vst v22  }
0x1d: {  	[smem:$0x7FF] =	sst s5;
	v56 =	vsel vm0, v25, v26;
	v36 =	vsel vm0, v35, v40;
	v12 =	vsel vm0, v40, v35;
	[tilespmem:$0x1FE90] =	vst v17  }
0x1e: {  	s4 =	rddreg [dreg:$0x2];
	v57 =	vimm.s32 $0x76543210;
	v35 =	vcombine.low v12, v56;
	v56 =	vcombine.low v39, v36;
	_ =	strace $0x80000047;
	[tilespmem:$0x1FF00] =	vst v13  }
0x1f: {  	v62 =	vunpack.c.0.s8.s32 v0;
	v63 =	vunpack.c.0.s8.s32 v2;
	v6 =	vimm.s32 $0xFEDCBA98;
	[tilespmem:$0x1FF10] =	vst v19  }
0x20: {  	v37 =	vcombine.low v8, v45;
	v30 =	vcombine.low v5, v4;
	v4 =	vimm.s32 $0x89ABCDEF;
	[tilespmem:$0x1FF20] =	vst v56  }
0x21: {  	v5 =	vimm.s32 $0x1234567;
	v6 =	vunpack.c.l.s4.s8 v6;
	v4 =	vunpack.c.l.s4.s8 v4;
	[tilespmem:$0x1FF40] =	vst v38  }
0x22: {  	s0 =	srdreg.scid;
	v5 =	vunpack.c.l.s4.s8 v5;
	v50 =	vcombine.low v23, v20;
	v16 =	vcombine.low v33, v32;
	[tilespmem:$0x1FF50] =	vst v37  }
0x23: {  	s7 =	stileid.u32;
	s18 =	simm.s32 $0x400;
	s19 =	simm.s32 $0x7A1400;
	v2 =	vcombine.low v63, v62;
	v1 =	vand.u32 $0xF, v62;
	v4 =	vunpack.c.0.s8.s32 v4;
	[tilespmem:$0x1FF60] =	vst v51  }
0x24: {  	s23 =	simm.s32 $0x0;
	s2 =	sand.u32 $0x1, s0;
	s28 =	sshll.u32 s7, $0x1;
	v5 =	vunpack.c.0.s8.s32 v5;
	v7 =	vcombine.low v36, v39;
	v49 =	vand.u32 $0xF, v16;
	[tilespmem:$0x1FF70] =	vst v50  }
0x25: {  	p0 =	sne.s32 s7, $0x0;
	s7 =	simm.s32 $0x7A;
	s0 =	sor.u32 s2, s28;
	v11 =	vunpack.c.l.s4.s8 v57;
	v6 =	vunpack.c.0.s8.s32 v6;
	v62 =	vcombine.low v1, v63;
	[tilespmem:$0x1FF80] =	vst v49  }
0x26: {  	s13 =	sadd.s32 $0x200, s1;
	s16 =	sadd.s32 $0x7A1000, s4;
	s3 =	smul.u32 $0x7A, s0;
	v58 =	vand.u32 $0xF, v2;
	v4 =	vcombine.low v5, v4;
	v16 =	vcombine.low v34, v55;
	[tilespmem:$0x1FF90] =	vst v7  }
0x27: {  	s2 =	ssub.s32 $0x2, s2;
	s7 =	simm.s32 @!p0 $0x7B;
	s6 =	smin.u32 s0, $0x2;
	v5 =	vunpack.c.0.s8.s32 v11;
	v18 =	vcombine.low v17, v22;
	v22 =	vcombine.low v21, v54;
	[tilespmem:$0x1FFA0] =	vst v58  }
0x28: {  	s29 =	sshrl.u32 s2, $0x1;
	s12 =	sadd.s32 $0xFFFFFFFE, s7;
	s6 =	sadd.s32 s6, s3;
	v63 =	vand.u32 $0xF, v24;
	v25 =	vand.u32 $0xF, v4;
	v13 =	vcombine.low v19, v13;
	[tilespmem:$0x1FFC0] =	vst v16  }
0x29: {  	s9 =	sand.u32 $0x1, s7;
	p1 =	sne.s32 s0, $0x0;
	s8 =	sshll.u32 s6, $0x8;
	[tilespmem:$0x1FFD0] =	vst v25;
	v34 =	vand.u32 $0xF, v18;
	v27 =	vand.u32 $0xF, v22;
	v22 =	vcombine.low v63, v14  }
0x2a: {  	s2 =	ssub.s32 s2, s29;
	s15 =	sadd.s32 $0x3, s9;
	v61 =	vand.u32 $0xF, v46;
	s8 =	sadd.s32 s1, s8;
	v6 =	vand.u32 $0xF, v6;
	[tilespmem:$0x1FFB0] =	vst v34  }
0x2b: {  	s3 =	simm.s32 $0x1;
	s17 =	smax.u32 s2, $0x1;
	v53 =	vcombine.low v61, v47;
	s30 =	sadd.s32 $0x80, s8;
	v12 =	vmov v13;
	v13 =	vcombine.low v6, v5;
	[tilespmem:$0x1FF30] =	vst v22  }
0x2c: {  	s3 =	simm.s32 @!p0 $0x0;
	s31 =	sadd.s32 $0x100, s8;
	v60 =	vsel vm0, v15, v29;
	v59 =	vsel vm0, v28, v31;
	v33 =	vcombine.low v20, v23;
	[dreg:$0x4] =	wrdreg s30;
	[tilespmem:$0x1FFE0] =	vst v12  }
0x2d: {  	s14 =	sadd.s32 $0x3, s3;
	s11 =	sadd.s32 $0x180, s8;
	v31 =	vcombine.low v60, v59;
	v59 =	vcombine.low v45, v8;
	[dreg:$0x5] =	wrdreg s31;
	[tilespmem:$0x1FFF0] =	vst v13  }
.LBB2_1:
0x2e: {  	[tilespmem:s5], [sflag:$0x1] =	stream.strided.gather [hbm4b:s8+s18], $0x2000, s19, s18, $0x38;
	[tilespmem:$0x10000] =	vst v63  }
0x2f: {  	s0 =	rddreg [dreg:$0x4];
	s2 =	simm.s32 $0x4000  }
0x30: {  	[tilespmem:s2], [sflag:$0x1] =	stream.strided.gather [hbm4b:s0+s18], $0x2000, s19, s18, $0x38;
	[tilespmem:$0x10000] =	vst v63  }
0x31: {  	s29 =	rddreg [dreg:$0x5];
	s30 =	simm.s32 $0x2000  }
0x32: {  	[tilespmem:s30], [sflag:$0x2] =	stream.strided.gather [hbm4b:s29+s18], $0x2000, s19, s18, $0x38;
	[tilespmem:$0x10000] =	vst v63  }
0x33: {  	s31 =	simm.s32 $0x6000;
	s24 =	simm.s32 $0x0  }
0x34: {  	v60 =	vlaneseq.u32;
	[tilespmem:s31], [sflag:$0x2] =	stream.strided.gather [hbm4b:s11+s18], $0x2000, s19, s18, $0x38;
	[tilespmem:$0x10000] =	vst v63  }
.LBB2_2:
0x35: {  	s26 =	sand.u32 $0x1, s24;
	p2 =	slt.u32 s24, $0x2  }
0x36: {  	s0 =	sadd.s32 @!p2 $0x3, s26  }
0x37: {  	s2 =	simm.s32 $0x0;
	_ =	swait.ge @!p2 [sflag:s0], $0x4000  }
0x38: {  	s22 =	sand.u32 $0x30, s2;
	[sflag:s0] =	ssyncset.done @!p2 $0x0  }
0x39: {  	s25 =	sadd.s32 $0x1, s26;
	s3 =	sand.u32 $0x70, s2;
	v0 =	vor.u32 s22, v60;
	[sflag:s0] =	ssyncadd.s32 @!p2 $0xFFFFC000  }
0x3a: {  	v61 =	vor.u32 s3, v60;
	v1 =	vshll.u32 v0, $0x7;
	_ =	swait.ge [sflag:s25], $0x2000  }
0x3b: {  	v1 =	vor.u32 v61, v1;
	[sflag:s25] =	ssyncset.done $0x0  }
0x3c: {  	[sflag:s25] =	ssyncadd.s32 $0xFFFFE000  }
0x3d: {  	_ =	swait.ge [sflag:s25], $0x2000  }
0x3e: {  	[sflag:s25] =	ssyncset.done $0x0  }
0x3f: {  	s28 =	sshll.u32 s26, $0xD;
	v29 =	vshll.u32 v61, $0x7;
	[sflag:s25] =	ssyncadd.s32 $0xFFFFE000  }
0x40: {  	v0 =	vor.u32 v0, v29;
	v2 =	vld.idx.msk [tilespmem:v1+s28+$0x0], $0xffff;
	_ =	sdelay $0x2  }
0x41: {  	s9 =	sshll.u32 s26, $0xE  }
0x42: {  	s30 =	sor.u32 $0x8000, s9  }
0x43: {  	[tilespmem:v0+s30+$0x0] =	vst.idx.msk $0xffff, v2  }
0x44: {  	v14 =	vld [tilespmem:$0x1FE50];
	_ =	sdelay $0x3  }
0x45: {  	s29 =	sor.u32 $0x4000, s28;
	v45 =	vor.u32 s22, v29;
	v0 =	vor.u32 s22, v58  }
0x46: {  	v1 =	vld.idx.msk [tilespmem:v1+s29+$0x0], $0xffff;
	v3 =	vshll.u32 v0, $0x7;
	v2 =	vor.u32 v14, v45  }
0x47: {  	v3 =	vor.u32 v61, v3;
	_ =	sdelay $0x3  }
0x48: {  	[tilespmem:v2+s30+$0x0] =	vst.idx.msk $0xffff, v1  }
0x49: {  	v0 =	vor.u32 v0, v29;
	v1 =	vld.idx.msk [tilespmem:v3+s28+$0x0], $0xffff;
	_ =	sdelay $0x4  }
0x4a: {  	[tilespmem:v0+s30+$0x0] =	vst.idx.msk $0xffff, v1;
	v0 =	vor.u32 s22, v38  }
0x4b: {  	v2 =	vor.u32 v37, v45;
	v1 =	vld.idx.msk [tilespmem:v3+s29+$0x0], $0xffff;
	v3 =	vshll.u32 v0, $0x7  }
0x4c: {  	v3 =	vor.u32 v61, v3;
	_ =	sdelay $0x3  }
0x4d: {  	s10 =	simm.s32 $0x10;
	[tilespmem:v2+s30+$0x0] =	vst.idx.msk $0xffff, v1  }
0x4e: {  	s20 =	simm.s32 $0x4;
	s31 =	sand.u32 $0x30, s10;
	v0 =	vor.u32 v0, v29;
	v1 =	vld.idx.msk [tilespmem:v3+s28+$0x0], $0xffff  }
0x4f: {  	s0 =	sand.u32 $0x70, s20;
	v2 =	vor.u32 s31, v60  }
0x50: {  	v54 =	vmov v38;
	v38 =	vor.u32 s0, v60;
	v4 =	vshll.u32 v2, $0x7  }
0x51: {  	v4 =	vor.u32 v38, v4;
	_ =	sdelay $0x1  }
0x52: {  	[tilespmem:v0+s30+$0x0] =	vst.idx.msk $0xffff, v1;
	v0 =	vor.u32 s22, v51  }
0x53: {  	v5 =	vor.u32 v50, v45;
	v1 =	vld.idx.msk [tilespmem:v3+s29+$0x0], $0xffff;
	v3 =	vshll.u32 v0, $0x7  }
0x54: {  	v28 =	vmov v37;
	v37 =	vshll.u32 v38, $0x7;
	v3 =	vor.u32 v61, v3  }
0x55: {  	v2 =	vor.u32 v2, v37;
	v6 =	vld.idx.msk [tilespmem:v4+s28+$0x0], $0xffff;
	_ =	sdelay $0x2  }
0x56: {  	[tilespmem:v5+s30+$0x0] =	vst.idx.msk $0xffff, v1  }
0x57: {  	v0 =	vor.u32 v0, v29;
	v1 =	vld.idx.msk [tilespmem:v3+s28+$0x0], $0xffff  }
0x58: {  	v36 =	vor.u32 s31, v37;
	[tilespmem:v2+s30+$0x0] =	vst.idx.msk $0xffff, v6;
	v2 =	vor.u32 s31, v58  }
0x59: {  	v5 =	vor.u32 v14, v36;
	v4 =	vld.idx.msk [tilespmem:v4+s29+$0x0], $0xffff;
	v6 =	vshll.u32 v2, $0x7  }
0x5a: {  	v6 =	vor.u32 v38, v6;
	_ =	sdelay $0x1  }
0x5b: {  	[tilespmem:v0+s30+$0x0] =	vst.idx.msk $0xffff, v1;
	v0 =	vor.u32 s22, v49  }
0x5c: {  	v8 =	vor.u32 v7, v45;
	v1 =	vld.idx.msk [tilespmem:v3+s29+$0x0], $0xffff;
	v3 =	vshll.u32 v0, $0x7  }
0x5d: {  	[tilespmem:v5+s30+$0x0] =	vst.idx.msk $0xffff, v4;
	v3 =	vor.u32 v61, v3  }
0x5e: {  	v2 =	vor.u32 v2, v37;
	v4 =	vld.idx.msk [tilespmem:v6+s28+$0x0], $0xffff;
	_ =	sdelay $0x2  }
0x5f: {  	[tilespmem:v8+s30+$0x0] =	vst.idx.msk $0xffff, v1  }
0x60: {  	v0 =	vor.u32 v0, v29;
	v1 =	vld.idx.msk [tilespmem:v3+s28+$0x0], $0xffff  }
0x61: {  	[tilespmem:v2+s30+$0x0] =	vst.idx.msk $0xffff, v4;
	v2 =	vor.u32 s31, v54  }
0x62: {  	v5 =	vor.u32 v28, v36;
	v4 =	vld.idx.msk [tilespmem:v6+s29+$0x0], $0xffff;
	v6 =	vshll.u32 v2, $0x7  }
0x63: {  	v6 =	vor.u32 v38, v6;
	_ =	sdelay $0x1  }
0x64: {  	[tilespmem:v0+s30+$0x0] =	vst.idx.msk $0xffff, v1;
	v0 =	vor.u32 s22, v34  }
0x65: {  	s21 =	simm.s32 $0x20;
	v8 =	vor.u32 v16, v45;
	v1 =	vld.idx.msk [tilespmem:v3+s29+$0x0], $0xffff;
	v3 =	vshll.u32 v0, $0x7  }
0x66: {  	s2 =	simm.s32 $0x8;
	s3 =	sand.u32 $0x30, s21;
	[tilespmem:v5+s30+$0x0] =	vst.idx.msk $0xffff, v4;
	v3 =	vor.u32 v61, v3  }
0x67: {  	s0 =	sand.u32 $0x70, s2;
	v2 =	vor.u32 v2, v37;
	v5 =	vor.u32 s3, v60;
	v4 =	vld.idx.msk [tilespmem:v6+s28+$0x0], $0xffff  }
0x68: {  	v41 =	vor.u32 s0, v60;
	v9 =	vshll.u32 v5, $0x7  }
0x69: {  	v9 =	vor.u32 v41, v9  }
0x6a: {  	[tilespmem:v8+s30+$0x0] =	vst.idx.msk $0xffff, v1  }
0x6b: {  	v0 =	vor.u32 v0, v29;
	v1 =	vld.idx.msk [tilespmem:v3+s28+$0x0], $0xffff  }
0x6c: {  	[tilespmem:v2+s30+$0x0] =	vst.idx.msk $0xffff, v4;
	v2 =	vor.u32 s31, v51  }
0x6d: {  	v39 =	vshll.u32 v41, $0x7;
	v8 =	vor.u32 v50, v36;
	v4 =	vld.idx.msk [tilespmem:v6+s29+$0x0], $0xffff;
	v6 =	vshll.u32 v2, $0x7  }
0x6e: {  	v5 =	vor.u32 v5, v39;
	v10 =	vld.idx.msk [tilespmem:v9+s28+$0x0], $0xffff;
	v6 =	vor.u32 v38, v6;
	_ =	sdelay $0x1  }
0x6f: {  	[tilespmem:v0+s30+$0x0] =	vst.idx.msk $0xffff, v1;
	v0 =	vor.u32 s22, v27  }
0x70: {  	v11 =	vor.u32 v30, v45;
	v1 =	vld.idx.msk [tilespmem:v3+s29+$0x0], $0xffff;
	v3 =	vshll.u32 v0, $0x7  }
0x71: {  	[tilespmem:v8+s30+$0x0] =	vst.idx.msk $0xffff, v4;
	v3 =	vor.u32 v61, v3  }
0x72: {  	v40 =	vor.u32 s3, v39;
	v2 =	vor.u32 v2, v37;
	[tilespmem:v5+s30+$0x0] =	vst.idx.msk $0xffff, v10;
	v5 =	vor.u32 s3, v58;
	v4 =	vld.idx.msk [tilespmem:v6+s28+$0x0], $0xffff  }
0x73: {  	v8 =	vld.idx.msk [tilespmem:v9+s29+$0x0], $0xffff;
	v9 =	vor.u32 v14, v40;
	v10 =	vshll.u32 v5, $0x7  }
0x74: {  	v10 =	vor.u32 v41, v10  }
0x75: {  	[tilespmem:v11+s30+$0x0] =	vst.idx.msk $0xffff, v1  }
0x76: {  	v0 =	vor.u32 v0, v29;
	v1 =	vld.idx.msk [tilespmem:v3+s28+$0x0], $0xffff  }
0x77: {  	[tilespmem:v2+s30+$0x0] =	vst.idx.msk $0xffff, v4;
	v2 =	vor.u32 s31, v49  }
0x78: {  	[tilespmem:v9+s30+$0x0] =	vst.idx.msk $0xffff, v8;
	v8 =	vor.u32 v7, v36;
	v4 =	vld.idx.msk [tilespmem:v6+s29+$0x0], $0xffff;
	v6 =	vshll.u32 v2, $0x7  }
0x79: {  	v5 =	vor.u32 v5, v39;
	v9 =	vld.idx.msk [tilespmem:v10+s28+$0x0], $0xffff;
	v6 =	vor.u32 v38, v6;
	_ =	sdelay $0x1  }
0x7a: {  	[tilespmem:v0+s30+$0x0] =	vst.idx.msk $0xffff, v1;
	v0 =	vor.u32 s22, v25  }
0x7b: {  	v11 =	vor.u32 v12, v45;
	v1 =	vld.idx.msk [tilespmem:v3+s29+$0x0], $0xffff;
	v3 =	vshll.u32 v0, $0x7  }
0x7c: {  	[tilespmem:v8+s30+$0x0] =	vst.idx.msk $0xffff, v4;
	v3 =	vor.u32 v61, v3  }
0x7d: {  	v2 =	vor.u32 v2, v37;
	[tilespmem:v5+s30+$0x0] =	vst.idx.msk $0xffff, v9;
	v5 =	vor.u32 s3, v54;
	v4 =	vld.idx.msk [tilespmem:v6+s28+$0x0], $0xffff  }
0x7e: {  	v9 =	vor.u32 v28, v40;
	v8 =	vld.idx.msk [tilespmem:v10+s29+$0x0], $0xffff;
	v10 =	vshll.u32 v5, $0x7  }
0x7f: {  	v10 =	vor.u32 v41, v10  }
0x80: {  	[tilespmem:v11+s30+$0x0] =	vst.idx.msk $0xffff, v1  }
0x81: {  	v0 =	vor.u32 v0, v29;
	v1 =	vld.idx.msk [tilespmem:v3+s28+$0x0], $0xffff  }
0x82: {  	s9 =	simm.s32 $0x30;
	[tilespmem:v2+s30+$0x0] =	vst.idx.msk $0xffff, v4;
	v2 =	vor.u32 s31, v34  }
0x83: {  	s10 =	simm.s32 $0xC;
	s2 =	sand.u32 $0x30, s9;
	[tilespmem:v9+s30+$0x0] =	vst.idx.msk $0xffff, v8;
	v8 =	vor.u32 v16, v36;
	v4 =	vld.idx.msk [tilespmem:v6+s29+$0x0], $0xffff;
	v6 =	vshll.u32 v2, $0x7  }
0x84: {  	s0 =	sand.u32 $0x70, s10;
	v5 =	vor.u32 v5, v39;
	v11 =	vor.u32 s2, v60;
	v9 =	vld.idx.msk [tilespmem:v10+s28+$0x0], $0xffff;
	v6 =	vor.u32 v38, v6  }
0x85: {  	v19 =	vmov v12;
	v43 =	vor.u32 s0, v60;
	v12 =	vshll.u32 v11, $0x7  }
0x86: {  	v15 =	vmovc v14;
	v14 =	vmov v13;
	v13 =	vor.u32 s22, v13;
	[tilespmem:v0+s30+$0x0] =	vst.idx.msk $0xffff, v1;
	v0 =	vor.u32 v43, v12  }
0x87: {  	v12 =	vor.u32 v35, v45;
	v1 =	vld.idx.msk [tilespmem:v3+s29+$0x0], $0xffff;
	v3 =	vshll.u32 v13, $0x7  }
0x88: {  	[tilespmem:v8+s30+$0x0] =	vst.idx.msk $0xffff, v4;
	v3 =	vor.u32 v61, v3  }
0x89: {  	v2 =	vor.u32 v2, v37;
	[tilespmem:v5+s30+$0x0] =	vst.idx.msk $0xffff, v9;
	v5 =	vor.u32 s3, v51;
	v4 =	vld.idx.msk [tilespmem:v6+s28+$0x0], $0xffff  }
0x8a: {  	v42 =	vshll.u32 v43, $0x7;
	v8 =	vld.idx.msk [tilespmem:v10+s29+$0x0], $0xffff;
	v9 =	vshll.u32 v5, $0x7;
	v10 =	vor.u32 v50, v40  }
0x8b: {  	v17 =	vmov v14;
	v11 =	vor.u32 v11, v42;
	v9 =	vor.u32 v41, v9;
	v14 =	vld.idx.msk [tilespmem:v0+s28+$0x0], $0xffff  }
0x8c: {  	[tilespmem:v12+s30+$0x0] =	vst.idx.msk $0xffff, v1  }
0x8d: {  	v13 =	vor.u32 v13, v29;
	v1 =	vld.idx.msk [tilespmem:v3+s28+$0x0], $0xffff  }
0x8e: {  	v12 =	vor.u32 s31, v27;
	[tilespmem:v2+s30+$0x0] =	vst.idx.msk $0xffff, v4  }
0x8f: {  	v44 =	vor.u32 s2, v42;
	[tilespmem:v10+s30+$0x0] =	vst.idx.msk $0xffff, v8;
	v2 =	vshll.u32 v12, $0x7;
	v4 =	vld.idx.msk [tilespmem:v6+s29+$0x0], $0xffff;
	v6 =	vor.u32 v30, v36  }
0x90: {  	v5 =	vor.u32 v5, v39;
	v8 =	vld.idx.msk [tilespmem:v9+s28+$0x0], $0xffff;
	v2 =	vor.u32 v38, v2;
	[tilespmem:v11+s30+$0x0] =	vst.idx.msk $0xffff, v14  }
0x91: {  	v10 =	vor.u32 s2, v58;
	v11 =	vor.u32 v15, v44;
	v0 =	vld.idx.msk [tilespmem:v0+s29+$0x0], $0xffff  }
0x92: {  	v14 =	vshll.u32 v10, $0x7;
	[tilespmem:v13+s30+$0x0] =	vst.idx.msk $0xffff, v1;
	v1 =	vor.u32 s22, v62  }
0x93: {  	v21 =	vmovc v15;
	v13 =	vor.u32 v43, v14;
	v14 =	vor.u32 v31, v45;
	v3 =	vld.idx.msk [tilespmem:v3+s29+$0x0], $0xffff;
	v15 =	vshll.u32 v1, $0x7  }
0x94: {  	[tilespmem:v6+s30+$0x0] =	vst.idx.msk $0xffff, v4;
	v4 =	vor.u32 v61, v15  }
0x95: {  	[tilespmem:v5+s30+$0x0] =	vst.idx.msk $0xffff, v8;
	v5 =	vor.u32 s3, v49;
	v8 =	vor.u32 v12, v37;
	v6 =	vld.idx.msk [tilespmem:v2+s28+$0x0], $0xffff  }
0x96: {  	v9 =	vld.idx.msk [tilespmem:v9+s29+$0x0], $0xffff;
	v12 =	vshll.u32 v5, $0x7;
	[tilespmem:v11+s30+$0x0] =	vst.idx.msk $0xffff, v0;
	v0 =	vor.u32 v7, v40  }
0x97: {  	v11 =	vor.u32 v41, v12  }
0x98: {  	v10 =	vor.u32 v10, v42;
	v12 =	vld.idx.msk [tilespmem:v13+s28+$0x0], $0xffff;
	[tilespmem:v14+s30+$0x0] =	vst.idx.msk $0xffff, v3  }
0x99: {  	v1 =	vor.u32 v1, v29;
	v3 =	vld.idx.msk [tilespmem:v4+s28+$0x0], $0xffff  }
0x9a: {  	v14 =	vor.u32 s31, v25;
	[tilespmem:v8+s30+$0x0] =	vst.idx.msk $0xffff, v6  }
0x9b: {  	v6 =	vshll.u32 v14, $0x7;
	v2 =	vld.idx.msk [tilespmem:v2+s29+$0x0], $0xffff;
	[tilespmem:v0+s30+$0x0] =	vst.idx.msk $0xffff, v9;
	v0 =	vor.u32 v19, v36  }
0x9c: {  	v5 =	vor.u32 v5, v39;
	v6 =	vor.u32 v38, v6;
	v8 =	vld.idx.msk [tilespmem:v11+s28+$0x0], $0xffff  }
0x9d: {  	v9 =	vor.u32 s2, v54;
	[tilespmem:v10+s30+$0x0] =	vst.idx.msk $0xffff, v12  }
0x9e: {  	v12 =	vor.u32 v28, v44;
	v10 =	vld.idx.msk [tilespmem:v13+s29+$0x0], $0xffff;
	v13 =	vshll.u32 v9, $0x7;
	[tilespmem:v1+s30+$0x0] =	vst.idx.msk $0xffff, v3;
	v1 =	vor.u32 s22, v53  }
0x9f: {  	v3 =	vor.u32 v43, v13;
	v13 =	vor.u32 v59, v45;
	v4 =	vld.idx.msk [tilespmem:v4+s29+$0x0], $0xffff;
	v15 =	vshll.u32 v1, $0x7  }
0xa0: {  	[tilespmem:v0+s30+$0x0] =	vst.idx.msk $0xffff, v2;
	v0 =	vor.u32 v61, v15  }
0xa1: {  	v2 =	vld.idx.msk [tilespmem:v6+s28+$0x0], $0xffff;
	[tilespmem:v5+s30+$0x0] =	vst.idx.msk $0xffff, v8;
	v8 =	vor.u32 v14, v37  }
0xa2: {  	v5 =	vor.u32 s3, v34  }
0xa3: {  	s20 =	simm.s32 $0x40;
	v11 =	vld.idx.msk [tilespmem:v11+s29+$0x0], $0xffff;
	v14 =	vshll.u32 v5, $0x7;
	[tilespmem:v12+s30+$0x0] =	vst.idx.msk $0xffff, v10;
	v10 =	vor.u32 v16, v40  }
0xa4: {  	s21 =	simm.s32 $0x10;
	s20 =	sand.u32 $0x30, s20;
	v9 =	vor.u32 v9, v42;
	v12 =	vor.u32 v41, v14;
	v14 =	vld.idx.msk [tilespmem:v3+s28+$0x0], $0xffff;
	[tilespmem:v13+s30+$0x0] =	vst.idx.msk $0xffff, v4  }
0xa5: {  	s0 =	sand.u32 $0x70, s21;
	v1 =	vor.u32 v1, v29;
	v13 =	vor.u32 s20, v60;
	v4 =	vld.idx.msk [tilespmem:v0+s28+$0x0], $0xffff  }
0xa6: {  	v48 =	vor.u32 s0, v60;
	[tilespmem:v8+s30+$0x0] =	vst.idx.msk $0xffff, v2;
	v2 =	vshll.u32 v13, $0x7  }
0xa7: {  	v2 =	vor.u32 v48, v2  }
0xa8: {  	v8 =	vor.u32 s31, v17;
	v6 =	vld.idx.msk [tilespmem:v6+s29+$0x0], $0xffff;
	[tilespmem:v10+s30+$0x0] =	vst.idx.msk $0xffff, v11;
	v11 =	vor.u32 v35, v36  }
0xa9: {  	v5 =	vor.u32 v5, v39;
	v10 =	vshll.u32 v8, $0x7;
	v15 =	vld.idx.msk [tilespmem:v12+s28+$0x0], $0xffff;
	[tilespmem:v9+s30+$0x0] =	vst.idx.msk $0xffff, v14;
	v9 =	vor.u32 s2, v51  }
0xaa: {  	v10 =	vor.u32 v38, v10;
	v3 =	vld.idx.msk [tilespmem:v3+s29+$0x0], $0xffff;
	[tilespmem:v1+s30+$0x0] =	vst.idx.msk $0xffff, v4;
	v1 =	vor.u32 v50, v44  }
0xab: {  	v18 =	vmovc v19;
	v46 =	vshll.u32 v48, $0x7;
	v19 =	vor.u32 v33, v45;
	v14 =	vshll.u32 v9, $0x7;
	v0 =	vld.idx.msk [tilespmem:v0+s29+$0x0], $0xffff  }
0xac: {  	v13 =	vor.u32 v13, v46;
	v4 =	vor.u32 v43, v14;
	v14 =	vor.u32 s22, v22;
	v23 =	vld.idx.msk [tilespmem:v2+s28+$0x0], $0xffff  }
0xad: {  	v20 =	vshll.u32 v14, $0x7;
	[tilespmem:v11+s30+$0x0] =	vst.idx.msk $0xffff, v6  }
0xae: {  	v20 =	vor.u32 v61, v20;
	[tilespmem:v5+s30+$0x0] =	vst.idx.msk $0xffff, v15  }
0xaf: {  	v8 =	vor.u32 v8, v37;
	v6 =	vld.idx.msk [tilespmem:v10+s28+$0x0], $0xffff;
	v5 =	vor.u32 s3, v27;
	[tilespmem:v1+s30+$0x0] =	vst.idx.msk $0xffff, v3  }
0xb0: {  	v11 =	vld.idx.msk [tilespmem:v12+s29+$0x0], $0xffff;
	v12 =	vshll.u32 v5, $0x7;
	v1 =	vor.u32 v30, v40;
	[tilespmem:v19+s30+$0x0] =	vst.idx.msk $0xffff, v0  }
0xb1: {  	v3 =	vor.u32 v41, v12;
	v12 =	vld.idx.msk [tilespmem:v4+s28+$0x0], $0xffff;
	[tilespmem:v13+s30+$0x0] =	vst.idx.msk $0xffff, v23  }
0xb2: {  	v63 =	vmov v16;
	v0 =	vor.u32 v9, v42;
	v16 =	vld [tilespmem:$0x1FE60]  }
0xb3: {  	v47 =	vor.u32 s20, v46;
	v14 =	vor.u32 v14, v29;
	v9 =	vld.idx.msk [tilespmem:v20+s28+$0x0], $0xffff  }
0xb4: {  	v15 =	vor.u32 v21, v47;
	v13 =	vor.u32 s20, v58;
	v2 =	vld.idx.msk [tilespmem:v2+s29+$0x0], $0xffff;
	[tilespmem:v8+s30+$0x0] =	vst.idx.msk $0xffff, v6  }
0xb5: {  	v23 =	vor.u32 s31, v62;
	v19 =	vshll.u32 v13, $0x7;
	v10 =	vld.idx.msk [tilespmem:v10+s29+$0x0], $0xffff;
	[tilespmem:v1+s30+$0x0] =	vst.idx.msk $0xffff, v11  }
0xb6: {  	v8 =	vshll.u32 v23, $0x7;
	v6 =	vor.u32 v48, v19;
	v1 =	vor.u32 v31, v36;
	v11 =	vld.idx.msk [tilespmem:v3+s28+$0x0], $0xffff  }
0xb7: {  	v8 =	vor.u32 v38, v8;
	v24 =	vand.u32 $0xF, v16;
	v16 =	vld [tilespmem:$0x1FE70];
	[tilespmem:v0+s30+$0x0] =	vst.idx.msk $0xffff, v12;
	v0 =	vor.u32 v5, v39  }
0xb8: {  	[tilespmem:v14+s30+$0x0] =	vst.idx.msk $0xffff, v9  }
0xb9: {  	v32 =	vmov v56;
	v5 =	vor.u32 s2, v49;
	[tilespmem:v15+s30+$0x0] =	vst.idx.msk $0xffff, v2;
	v2 =	vor.u32 v7, v44;
	v4 =	vld.idx.msk [tilespmem:v4+s29+$0x0], $0xffff  }
0xba: {  	v15 =	vor.u32 v32, v45;
	v9 =	vshll.u32 v5, $0x7;
	v14 =	vld.idx.msk [tilespmem:v20+s29+$0x0], $0xffff  }
0xbb: {  	v20 =	vld.idx.msk [tilespmem:v6+s28+$0x0], $0xffff;
	v9 =	vor.u32 v43, v9;
	[tilespmem:v1+s30+$0x0] =	vst.idx.msk $0xffff, v10;
	v1 =	vor.u32 v13, v46  }
0xbc: {  	v13 =	vld.idx.msk [tilespmem:v8+s28+$0x0], $0xffff;
	[tilespmem:v0+s30+$0x0] =	vst.idx.msk $0xffff, v11;
	v11 =	vor.u32 v23, v37  }
0xbd: {  	v52 =	vmov v21;
	v21 =	vcombine.low v24, v16;
	v23 =	vor.u32 v18, v40;
	v3 =	vld.idx.msk [tilespmem:v3+s29+$0x0], $0xffff  }
0xbe: {  	[tilespmem:v2+s30+$0x0] =	vst.idx.msk $0xffff, v4  }
0xbf: {  	[tilespmem:v15+s30+$0x0] =	vst.idx.msk $0xffff, v14;
	v12 =	vor.u32 s22, v21  }
0xc0: {  	v5 =	vor.u32 v5, v42;
	v0 =	vor.u32 s3, v25;
	v4 =	vld.idx.msk [tilespmem:v9+s28+$0x0], $0xffff;
	[tilespmem:v1+s30+$0x0] =	vst.idx.msk $0xffff, v20;
	v19 =	vshll.u32 v12, $0x7  }
0xc1: {  	v10 =	vor.u32 v61, v19;
	v19 =	vshll.u32 v0, $0x7;
	[tilespmem:v11+s30+$0x0] =	vst.idx.msk $0xffff, v13  }
0xc2: {  	v2 =	vor.u32 v41, v19;
	v11 =	vor.u32 v12, v29;
	v12 =	vld [tilespmem:$0x1FE80];
	[tilespmem:v23+s30+$0x0] =	vst.idx.msk $0xffff, v3  }
0xc3: {  	v16 =	vld [tilespmem:$0x1FE90]  }
0xc4: {  	v6 =	vld.idx.msk [tilespmem:v6+s29+$0x0], $0xffff  }
0xc5: {  	v14 =	vor.u32 s20, v54;
	v15 =	vor.u32 v28, v47;
	v8 =	vld.idx.msk [tilespmem:v8+s29+$0x0], $0xffff;
	[tilespmem:v5+s30+$0x0] =	vst.idx.msk $0xffff, v4  }
0xc6: {  	v20 =	vor.u32 v59, v36;
	v13 =	vor.u32 s31, v53;
	v19 =	vshll.u32 v14, $0x7;
	v5 =	vld [tilespmem:$0x1FEA0]  }
0xc7: {  	v3 =	vshll.u32 v13, $0x7;
	v19 =	vor.u32 v48, v19;
	v23 =	vld.idx.msk [tilespmem:v2+s28+$0x0], $0xffff;
	v12 =	vand.u32 $0xF, v12  }
0xc8: {  	v26 =	vmovc v17;
	v0 =	vor.u32 v0, v39;
	v3 =	vor.u32 v38, v3;
	v17 =	vcombine.low v12, v16;
	v12 =	vld [tilespmem:$0x1FEB0]  }
0xc9: {  	v1 =	vld.idx.msk [tilespmem:v10+s28+$0x0], $0xffff;
	_ =	sdelay $0x1  }
0xca: {  	[tilespmem:v15+s30+$0x0] =	vst.idx.msk $0xffff, v6  }
0xcb: {  	v4 =	vor.u32 s2, v34;
	[tilespmem:v20+s30+$0x0] =	vst.idx.msk $0xffff, v8;
	v8 =	vor.u32 v14, v46;
	v15 =	vld.idx.msk [tilespmem:v19+s28+$0x0], $0xffff  }
0xcc: {  	v14 =	vld.idx.msk [tilespmem:v3+s28+$0x0], $0xffff;
	[tilespmem:v0+s30+$0x0] =	vst.idx.msk $0xffff, v23;
	v0 =	vor.u32 v13, v37;
	v18 =	vcombine.low v5, v12  }
0xcd: {  	[tilespmem:v11+s30+$0x0] =	vst.idx.msk $0xffff, v1;
	v5 =	vld.idx.msk [tilespmem:v9+s29+$0x0], $0xffff;
	v9 =	vshll.u32 v4, $0x7;
	v12 =	vor.u32 v63, v44  }
0xce: {  	v1 =	vor.u32 s22, v17;
	v6 =	vld.idx.msk [tilespmem:v10+s29+$0x0], $0xffff;
	v9 =	vor.u32 v43, v9;
	v10 =	vor.u32 v18, v45  }
0xcf: {  	s9 =	simm.s32 $0x50;
	v11 =	vshll.u32 v1, $0x7  }
0xd0: {  	s10 =	simm.s32 $0x14;
	s21 =	sand.u32 $0x30, s9;
	v11 =	vor.u32 v61, v11;
	[tilespmem:v8+s30+$0x0] =	vst.idx.msk $0xffff, v15  }
0xd1: {  	s0 =	sand.u32 $0x70, s10;
	v20 =	vor.u32 s21, v60;
	[tilespmem:v0+s30+$0x0] =	vst.idx.msk $0xffff, v14  }
0xd2: {  	v55 =	vmov v49;
	v49 =	vor.u32 s0, v60;
	v23 =	vshll.u32 v20, $0x7;
	v2 =	vld.idx.msk [tilespmem:v2+s29+$0x0], $0xffff;
	[tilespmem:v12+s30+$0x0] =	vst.idx.msk $0xffff, v5  }
0xd3: {  	v12 =	vor.u32 v49, v23;
	v23 =	vor.u32 v35, v40;
	v24 =	vld.idx.msk [tilespmem:v9+s28+$0x0], $0xffff;
	[tilespmem:v10+s30+$0x0] =	vst.idx.msk $0xffff, v6  }
0xd4: {  	v4 =	vor.u32 v4, v42;
	v16 =	vld [tilespmem:$0x1FEC0]  }
0xd5: {  	v1 =	vor.u32 v1, v29;
	v8 =	vld.idx.msk [tilespmem:v11+s28+$0x0], $0xffff;
	_ =	sdelay $0x2  }
0xd6: {  	[tilespmem:v23+s30+$0x0] =	vst.idx.msk $0xffff, v2  }
0xd7: {  	v13 =	vor.u32 s3, v26;
	v63 =	vand.u32 $0xF, v16;
	v16 =	vld [tilespmem:$0x1FED0];
	[tilespmem:v4+s30+$0x0] =	vst.idx.msk $0xffff, v24  }
0xd8: {  	v5 =	vshll.u32 v13, $0x7;
	[tilespmem:v1+s30+$0x0] =	vst.idx.msk $0xffff, v8  }
0xd9: {  	v5 =	vor.u32 v41, v5;
	v1 =	vld [tilespmem:$0x1FEE0]  }
0xda: {  	v8 =	vld [tilespmem:$0x1FEF0]  }
0xdb: {  	v15 =	vld.idx.msk [tilespmem:v19+s29+$0x0], $0xffff;
	v0 =	vor.u32 v50, v47  }
0xdc: {  	v19 =	vor.u32 v33, v36;
	v14 =	vor.u32 s31, v22;
	v3 =	vld.idx.msk [tilespmem:v3+s29+$0x0], $0xffff;
	v6 =	vor.u32 s20, v51  }
0xdd: {  	v22 =	vmovc v50;
	v50 =	vshll.u32 v49, $0x7;
	v10 =	vshll.u32 v6, $0x7;
	v57 =	vld.idx.msk [tilespmem:v12+s28+$0x0], $0xffff;
	v16 =	vcombine.low v63, v16  }
0xde: {  	v20 =	vor.u32 v20, v50;
	v10 =	vor.u32 v48, v10;
	v2 =	vshll.u32 v14, $0x7;
	v23 =	vld.idx.msk [tilespmem:v5+s28+$0x0], $0xffff  }
0xdf: {  	v2 =	vor.u32 v38, v2;
	v24 =	vcombine.low v1, v8;
	v1 =	vld.idx.msk [tilespmem:v9+s29+$0x0], $0xffff;
	[tilespmem:$0x1FDD0] =	vst v16  }
0xe0: {  	v13 =	vor.u32 v13, v39;
	v4 =	vor.u32 s2, v27;
	[tilespmem:v0+s30+$0x0] =	vst.idx.msk $0xffff, v15  }
0xe1: {  	v8 =	vshll.u32 v4, $0x7;
	v0 =	vor.u32 v30, v44;
	[tilespmem:v19+s30+$0x0] =	vst.idx.msk $0xffff, v3  }
0xe2: {  	v9 =	vor.u32 s22, v16;
	v63 =	vor.u32 v43, v8;
	v11 =	vld.idx.msk [tilespmem:v11+s29+$0x0], $0xffff;
	v3 =	vor.u32 v24, v45;
	[tilespmem:$0x1FDE0] =	vst v24  }
0xe3: {  	v6 =	vor.u32 v6, v46;
	v19 =	vshll.u32 v9, $0x7;
	v15 =	vld.idx.msk [tilespmem:v10+s28+$0x0], $0xffff  }
0xe4: {  	v14 =	vor.u32 v14, v37;
	v24 =	vor.u32 v61, v19;
	[tilespmem:v20+s30+$0x0] =	vst.idx.msk $0xffff, v57;
	v20 =	vld.idx.msk [tilespmem:v2+s28+$0x0], $0xffff  }
0xe5: {  	v32 =	vmov v51;
	v51 =	vor.u32 s21, v50;
	[tilespmem:v13+s30+$0x0] =	vst.idx.msk $0xffff, v23  }
0xe6: {  	v13 =	vor.u32 v52, v51;
	v12 =	vld.idx.msk [tilespmem:v12+s29+$0x0], $0xffff;
	[tilespmem:v0+s30+$0x0] =	vst.idx.msk $0xffff, v1  }
0xe7: {  	v4 =	vor.u32 v4, v42;
	[tilespmem:v3+s30+$0x0] =	vst.idx.msk $0xffff, v11;
	v3 =	vld.idx.msk [tilespmem:v63+s28+$0x0], $0xffff  }
0xe8: {  	v19 =	vor.u32 s21, v58;
	v5 =	vld.idx.msk [tilespmem:v5+s29+$0x0], $0xffff;
	[tilespmem:v6+s30+$0x0] =	vst.idx.msk $0xffff, v15  }
0xe9: {  	v23 =	vshll.u32 v19, $0x7;
	v15 =	vld.idx.msk [tilespmem:v24+s28+$0x0], $0xffff;
	[tilespmem:v14+s30+$0x0] =	vst.idx.msk $0xffff, v20  }
0xea: {  	v0 =	vor.u32 v49, v23;
	v1 =	vor.u32 v31, v40;
	v10 =	vld.idx.msk [tilespmem:v10+s29+$0x0], $0xffff;
	[tilespmem:$0x1FDF0] =	vst v21  }
0xeb: {  	v57 =	vor.u32 s3, v62;
	[tilespmem:v13+s30+$0x0] =	vst.idx.msk $0xffff, v12  }
0xec: {  	v23 =	vshll.u32 v57, $0x7;
	v13 =	vld [tilespmem:$0x1FF20];
	[tilespmem:v4+s30+$0x0] =	vst.idx.msk $0xffff, v3  }
0xed: {  	v56 =	vmov v7;
	v11 =	vor.u32 v41, v23;
	v12 =	vor.u32 v7, v47;
	v7 =	vld.idx.msk [tilespmem:v63+s29+$0x0], $0xffff  }
0xee: {  	v9 =	vor.u32 v9, v29;
	v6 =	vor.u32 s20, v55;
	v2 =	vld.idx.msk [tilespmem:v2+s29+$0x0], $0xffff  }
0xef: {  	v26 =	vmovc v52;
	v8 =	vmul.u32 $0xFFFFFFFF, v60;
	v52 =	vmov v62;
	v14 =	vshll.u32 v6, $0x7;
	v62 =	vld.idx.msk [tilespmem:v0+s28+$0x0], $0xffff;
	[tilespmem:v1+s30+$0x0] =	vst.idx.msk $0xffff, v5  }
0xf0: {  	v16 =	vmov v59;
	v20 =	vor.u32 s31, v21;
	v59 =	vor.u32 v48, v14;
	v5 =	vld [tilespmem:$0x1FF00]  }
0xf1: {  	v55 =	vmovc v33;
	v33 =	vmovc v8;
	v14 =	vshll.u32 v20, $0x7;
	v1 =	vor.u32 v19, v50;
	v19 =	vadd.s32 $0xF, v8;
	v8 =	vld [tilespmem:$0x1FF10]  }
0xf2: {  	v23 =	vor.u32 v38, v14;
	v14 =	vld.idx.msk [tilespmem:v11+s28+$0x0], $0xffff;
	v13 =	vor.u32 v13, v36;
	[tilespmem:$0x1FE20] =	vst v7  }
0xf3: {  	[tilespmem:v9+s30+$0x0] =	vst.idx.msk $0xffff, v15  }
0xf4: {  	[tilespmem:$0x1FE00] =	vst v19  }
0xf5: {  	v3 =	vor.u32 v57, v39;
	[tilespmem:v12+s30+$0x0] =	vst.idx.msk $0xffff, v10  }
0xf6: {  	v4 =	vor.u32 s2, v25;
	v5 =	vcombine.low v5, v8;
	v57 =	vld [tilespmem:$0x1FFE0]  }
0xf7: {  	v20 =	vor.u32 v20, v37;
	v9 =	vshll.u32 v4, $0x7;
	v12 =	vld.idx.msk [tilespmem:v24+s29+$0x0], $0xffff;
	[tilespmem:v13+s30+$0x0] =	vst.idx.msk $0xffff, v2  }
0xf8: {  	v15 =	vor.u32 s22, v19;
	v19 =	vor.u32 v43, v9;
	v24 =	vld.idx.msk [tilespmem:v59+s28+$0x0], $0xffff;
	v2 =	vor.u32 v5, v45;
	[tilespmem:$0x1FE10] =	vst v5  }
0xf9: {  	v63 =	vor.u32 s21, v54;
	v9 =	vshll.u32 v15, $0x7;
	[tilespmem:v1+s30+$0x0] =	vst.idx.msk $0xffff, v62;
	v1 =	vor.u32 v6, v46;
	v8 =	vld.idx.msk [tilespmem:v23+s28+$0x0], $0xffff  }
0xfa: {  	v9 =	vor.u32 v61, v9;
	[tilespmem:v3+s30+$0x0] =	vst.idx.msk $0xffff, v14;
	v61 =	vld.idx.msk [tilespmem:v0+s29+$0x0], $0xffff;
	v0 =	vshll.u32 v63, $0x7  }
0xfb: {  	v3 =	vor.u32 v49, v0;
	v0 =	vld [tilespmem:$0x1FE20];
	v10 =	vor.u32 v57, v44;
	_ =	sdelay $0x1  }
0xfc: {  	v5 =	vor.u32 v28, v51;
	[tilespmem:v2+s30+$0x0] =	vst.idx.msk $0xffff, v12  }
0xfd: {  	v7 =	vmov v23;
	v6 =	vor.u32 v16, v40;
	v23 =	vld.idx.msk [tilespmem:v11+s29+$0x0], $0xffff;
	[tilespmem:v1+s30+$0x0] =	vst.idx.msk $0xffff, v24  }
0xfe: {  	v14 =	vld.idx.msk [tilespmem:v9+s28+$0x0], $0xffff;
	[tilespmem:v20+s30+$0x0] =	vst.idx.msk $0xffff, v8  }
0xff: {  	v2 =	vld.idx.msk [tilespmem:v59+s29+$0x0], $0xffff;
	[tilespmem:v10+s30+$0x0] =	vst.idx.msk $0xffff, v0  }
0x100: {  	v13 =	vor.u32 s3, v53;
	v62 =	vld.idx.msk [tilespmem:v19+s28+$0x0], $0xffff;
	[tilespmem:$0x1FE30] =	vst v17  }
0x101: {  	v0 =	vshll.u32 v13, $0x7;
	[tilespmem:v5+s30+$0x0] =	vst.idx.msk $0xffff, v61  }
0x102: {  	v10 =	vor.u32 v41, v0;
	v0 =	vor.u32 v4, v42;
	v4 =	vld [tilespmem:$0x1FFC0];
	[tilespmem:v6+s30+$0x0] =	vst.idx.msk $0xffff, v23  }
0x103: {  	v1 =	vor.u32 s20, v34;
	v20 =	vor.u32 v15, v29;
	v29 =	vld [tilespmem:$0x1FFF0]  }
0x104: {  	v60 =	vmov v25;
	v11 =	vshll.u32 v1, $0x7  }
0x105: {  	v21 =	vmovc v31;
	v31 =	vmovc v28;
	v25 =	vmov v35;
	v35 =	vmov v54;
	v24 =	vor.u32 v48, v11;
	v11 =	vld.idx.msk [tilespmem:v7+s29+$0x0], $0xffff  }
0x106: {  	v54 =	vmovc v53;
	v53 =	vmovc v16;
	v16 =	vlaneseq.u32;
	v12 =	vor.u32 v18, v36;
	v8 =	vor.u32 s31, v17;
	v5 =	vld.idx.msk [tilespmem:v3+s28+$0x0], $0xffff  }
0x107: {  	s22 =	simm.s32 $0x60;
	v61 =	vshll.u32 v8, $0x7;
	[tilespmem:$0x1FE40] =	vst v18;
	v18 =	vmovc v26;
	v26 =	vmovc v60;
	v60 =	vld [tilespmem:$0x1FF80];
	v28 =	vmov v4;
	v4 =	vor.u32 v4, v47  }
0x108: {  	s9 =	simm.s32 $0x18;
	s0 =	simm.s32 $0x70;
	s22 =	sand.u32 $0x30, s22;
	v6 =	vor.u32 v63, v50;
	v63 =	vor.u32 v38, v61;
	v15 =	vld.idx.msk [tilespmem:v10+s28+$0x0], $0xffff;
	v23 =	vor.u32 s2, v29  }
.LBB2_3:
0x109: {  	_ = 	snop  }
0x10a: {  	[tilespmem:v0+s30+$0x0] =	vst.idx.msk $0xffff, v62  }
0x10b: {  	v0 =	vor.u32 v13, v39;
	v19 =	vld.idx.msk [tilespmem:v19+s29+$0x0], $0xffff;
	[tilespmem:v20+s30+$0x0] =	vst.idx.msk $0xffff, v14  }
0x10c: {  	s10 =	sand.u32 $0x70, s9;
	v7 =	vor.u32 s22, v16;
	v13 =	vadd.s32 $0x4F, v33;
	v61 =	vmovc v37;
	v37 =	vmovc v39;
	v39 =	vmov v42;
	[tilespmem:v4+s30+$0x0] =	vst.idx.msk $0xffff, v2  }
0x10d: {  	v42 =	vmovc v46;
	v46 =	vmovc v50;
	v62 =	vshll.u32 v23, $0x7;
	v59 =	vor.u32 s10, v16;
	v50 =	vshll.u32 v7, $0x7;
	v4 =	vld.idx.msk [tilespmem:v9+s29+$0x0], $0xffff  }
0x10e: {  	v14 =	vor.u32 v59, v50;
	v2 =	vor.u32 v25, v44;
	v9 =	vld.idx.msk [tilespmem:v24+s28+$0x0], $0xffff;
	[tilespmem:v12+s30+$0x0] =	vst.idx.msk $0xffff, v11  }
0x10f: {  	v20 =	vor.u32 v43, v62;
	v11 =	vor.u32 v13, v45;
	[tilespmem:v6+s30+$0x0] =	vst.idx.msk $0xffff, v5  }
0x110: {  	v1 =	vor.u32 v1, v42;
	v6 =	vld.idx.msk [tilespmem:v63+s28+$0x0], $0xffff  }
0x111: {  	v3 =	vld.idx.msk [tilespmem:v3+s29+$0x0], $0xffff;
	[tilespmem:v0+s30+$0x0] =	vst.idx.msk $0xffff, v15;
	v0 =	vor.u32 v8, v61  }
0x112: {  	v5 =	vor.u32 s21, v32;
	v8 =	vor.u32 v22, v51;
	v10 =	vld.idx.msk [tilespmem:v10+s29+$0x0], $0xffff  }
0x113: {  	v12 =	vshll.u32 v5, $0x7;
	v15 =	vld.idx.msk [tilespmem:v14+s28+$0x0], $0xffff;
	[tilespmem:v2+s30+$0x0] =	vst.idx.msk $0xffff, v19  }
0x114: {  	v45 =	vmov v36;
	v36 =	vmov v40;
	v12 =	vor.u32 v49, v12;
	v62 =	vld.idx.msk [tilespmem:v20+s28+$0x0], $0xffff;
	[tilespmem:v11+s30+$0x0] =	vst.idx.msk $0xffff, v4  }
0x115: {  	v13 =	vld [tilespmem:$0x1FF30];
	v2 =	vor.u32 v55, v36;
	[tilespmem:v1+s30+$0x0] =	vst.idx.msk $0xffff, v9  }
0x116: {  	v9 =	vld.idx.msk [tilespmem:v24+s29+$0x0], $0xffff;
	[tilespmem:v0+s30+$0x0] =	vst.idx.msk $0xffff, v6  }
0x117: {  	v1 =	vor.u32 s20, v27;
	v0 =	vld [tilespmem:$0x1FDD0];
	[tilespmem:v8+s30+$0x0] =	vst.idx.msk $0xffff, v3  }
0x118: {  	v11 =	vshll.u32 v1, $0x7;
	v8 =	vld.idx.msk [tilespmem:v63+s29+$0x0], $0xffff  }
0x119: {  	v6 =	vor.u32 v48, v11;
	v11 =	vld.idx.msk [tilespmem:v12+s28+$0x0], $0xffff  }
0x11a: {  	v50 =	vshll.u32 v59, $0x7;
	[tilespmem:v2+s30+$0x0] =	vst.idx.msk $0xffff, v10;
	v2 =	vld [tilespmem:$0x1FDE0]  }
0x11b: {  	v7 =	vor.u32 v7, v50;
	v13 =	vor.u32 s3, v13  }
0x11c: {  	v19 =	vshll.u32 v13, $0x7  }
0x11d: {  	v4 =	vor.u32 v23, v39;
	v19 =	vor.u32 v41, v19  }
0x11e: {  	v3 =	vor.u32 v30, v47  }
0x11f: {  	v0 =	vor.u32 s31, v0;
	v2 =	vor.u32 v2, v45  }
0x120: {  	v5 =	vor.u32 v5, v46;
	[tilespmem:v7+s30+$0x0] =	vst.idx.msk $0xffff, v15;
	v10 =	vshll.u32 v0, $0x7  }
0x121: {  	v14 =	vld.idx.msk [tilespmem:v14+s29+$0x0], $0xffff;
	v10 =	vor.u32 v38, v10  }
0x122: {  	v15 =	vor.u32 s22, v50;
	v7 =	vld.idx.msk [tilespmem:v19+s28+$0x0], $0xffff;
	[tilespmem:v4+s30+$0x0] =	vst.idx.msk $0xffff, v62;
	v4 =	vor.u32 v13, v37  }
0x123: {  	v23 =	vor.u32 s22, v58;
	v13 =	vor.u32 v18, v15;
	v20 =	vld.idx.msk [tilespmem:v20+s29+$0x0], $0xffff;
	[tilespmem:v3+s30+$0x0] =	vst.idx.msk $0xffff, v9  }
0x124: {  	v40 =	vmovc v44;
	v44 =	vmov v47;
	v24 =	vshll.u32 v23, $0x7;
	v47 =	vmov v51;
	v51 =	vld.idx.msk [tilespmem:v6+s28+$0x0], $0xffff;
	[tilespmem:v2+s30+$0x0] =	vst.idx.msk $0xffff, v8  }
0x125: {  	v24 =	vor.u32 v59, v24;
	[tilespmem:v5+s30+$0x0] =	vst.idx.msk $0xffff, v11  }
0x126: {  	v62 =	vor.u32 s2, v52;
	v3 =	vor.u32 v21, v40;
	v5 =	vld.idx.msk [tilespmem:v10+s28+$0x0], $0xffff  }
0x127: {  	v9 =	vshll.u32 v62, $0x7;
	v2 =	vor.u32 s21, v60;
	v8 =	vld.idx.msk [tilespmem:v12+s29+$0x0], $0xffff;
	[tilespmem:v4+s30+$0x0] =	vst.idx.msk $0xffff, v7  }
0x128: {  	v63 =	vor.u32 v43, v9;
	v9 =	vshll.u32 v2, $0x7;
	[tilespmem:v13+s30+$0x0] =	vst.idx.msk $0xffff, v14  }
0x129: {  	v11 =	vor.u32 v49, v9;
	v9 =	vld.idx.msk [tilespmem:v19+s29+$0x0], $0xffff  }
0x12a: {  	v12 =	vld.idx.msk [tilespmem:v24+s28+$0x0], $0xffff  }
0x12b: {  	v1 =	vor.u32 v1, v42;
	[tilespmem:v3+s30+$0x0] =	vst.idx.msk $0xffff, v20;
	v3 =	vld [tilespmem:$0x1FF20]  }
0x12c: {  	v0 =	vor.u32 v0, v61  }
0x12d: {  	v7 =	vor.u32 v56, v47;
	_ =	sdelay $0x1  }
0x12e: {  	v4 =	vld [tilespmem:$0x1FDF0]  }
0x12f: {  	v20 =	vld.idx.msk [tilespmem:v63+s28+$0x0], $0xffff;
	[tilespmem:v1+s30+$0x0] =	vst.idx.msk $0xffff, v51;
	v3 =	vor.u32 v3, v36  }
0x130: {  	v6 =	vld.idx.msk [tilespmem:v6+s29+$0x0], $0xffff;
	[tilespmem:v0+s30+$0x0] =	vst.idx.msk $0xffff, v5  }
0x131: {  	v0 =	vld [tilespmem:$0x1FE00];
	[tilespmem:v7+s30+$0x0] =	vst.idx.msk $0xffff, v8  }
0x132: {  	v7 =	vld.idx.msk [tilespmem:v10+s29+$0x0], $0xffff  }
0x133: {  	v8 =	vld.idx.msk [tilespmem:v11+s28+$0x0], $0xffff  }
0x134: {  	v4 =	vor.u32 s3, v4;
	[tilespmem:v3+s30+$0x0] =	vst.idx.msk $0xffff, v9;
	v3 =	vld [tilespmem:$0x1FE10]  }
0x135: {  	v14 =	vor.u32 v23, v50;
	v13 =	vshll.u32 v4, $0x7  }
0x136: {  	v23 =	vor.u32 v41, v13  }
0x137: {  	v16 =	vor.u32 s20, v26;
	v1 =	vor.u32 v62, v39  }
0x138: {  	v13 =	vshll.u32 v16, $0x7;
	v5 =	vor.u32 s31, v0;
	v0 =	vor.u32 v57, v44  }
0x139: {  	v51 =	vmov v15;
	v19 =	vor.u32 v48, v13;
	v15 =	vor.u32 v3, v45  }
0x13a: {  	v2 =	vor.u32 v2, v46;
	[tilespmem:v14+s30+$0x0] =	vst.idx.msk $0xffff, v12;
	v3 =	vshll.u32 v5, $0x7  }
0x13b: {  	s31 =	smov.u32 s3;
	s3 =	smov.u32 s2;
	v12 =	vld.idx.msk [tilespmem:v23+s28+$0x0], $0xffff;
	v9 =	vor.u32 v38, v3  }
0x13c: {  	v4 =	vor.u32 v4, v37;
	s2 =	smov.u32 s20;
	s20 =	smov.u32 s21;
	s21 =	smov.u32 s22;
	v24 =	vld.idx.msk [tilespmem:v24+s29+$0x0], $0xffff;
	[tilespmem:v1+s30+$0x0] =	vst.idx.msk $0xffff, v20  }
0x13d: {  	v18 =	vor.u32 v31, v51;
	v17 =	vor.u32 s21, v35;
	v63 =	vld.idx.msk [tilespmem:v63+s29+$0x0], $0xffff;
	[tilespmem:v0+s30+$0x0] =	vst.idx.msk $0xffff, v6  }
0x13e: {  	v1 =	vshll.u32 v17, $0x7;
	v62 =	vld.idx.msk [tilespmem:v19+s28+$0x0], $0xffff;
	[tilespmem:v15+s30+$0x0] =	vst.idx.msk $0xffff, v7  }
0x13f: {  	v3 =	vor.u32 v59, v1;
	[tilespmem:v2+s30+$0x0] =	vst.idx.msk $0xffff, v8  }
0x140: {  	v6 =	vor.u32 v53, v40;
	v14 =	vld.idx.msk [tilespmem:v9+s28+$0x0], $0xffff  }
0x141: {  	v2 =	vld.idx.msk [tilespmem:v11+s29+$0x0], $0xffff;
	[tilespmem:v4+s30+$0x0] =	vst.idx.msk $0xffff, v12  }
0x142: {  	v4 =	vld [tilespmem:$0x1FE30];
	[tilespmem:v18+s30+$0x0] =	vst.idx.msk $0xffff, v24  }
0x143: {  	v13 =	vor.u32 s3, v54;
	v11 =	vld.idx.msk [tilespmem:v23+s29+$0x0], $0xffff  }
0x144: {  	v20 =	vor.u32 v5, v61;
	v0 =	vshll.u32 v13, $0x7;
	v38 =	vmovc v41;
	v41 =	vmov v43;
	v5 =	vld.idx.msk [tilespmem:v3+s28+$0x0], $0xffff  }
0x145: {  	p2 =	sne.s32 s0, $0x1F0;
	v10 =	vor.u32 v41, v0;
	[tilespmem:v6+s30+$0x0] =	vst.idx.msk $0xffff, v63;
	v6 =	vld [tilespmem:$0x1FE40]  }
.Ltmp0:
0x146: {  	v1 =	vor.u32 s20, v34;
	(pc) =	sbr.rel @p2 .LBB2_3-.Ltmp0, $4  }
0x147: {  	v0 =	vor.u32 v16, v42;
	v7 =	vshll.u32 v1, $0x7  }
0x148: {  	v43 =	vmovc v48;
	v16 =	vlaneseq.u32;
	v24 =	vor.u32 v49, v7;
	v8 =	vor.u32 s31, v4  }
0x149: {  	v48 =	vmovc v49;
	v18 =	vld [tilespmem:$0x1FE50];
	v49 =	vmovc v59;
	v23 =	vor.u32 s2, v29;
	v4 =	vor.u32 v28, v47;
	v7 =	vshll.u32 v8, $0x7  }
0x14a: {  	s9 =	sadd.s32 $0x4, s9;
	s22 =	sand.u32 $0x30, s0;
	s0 =	sadd.s32 $0x10, s0;
	v15 =	vld.idx.msk [tilespmem:v10+s28+$0x0], $0xffff;
	v12 =	vor.u32 v6, v36;
	v6 =	vor.u32 v17, v50;
	v63 =	vor.u32 v38, v7  }
0x14b: {  	s0 =	sand.u32 $0x70, s9;
	v7 =	vor.u32 s22, v16  }
0x14c: {  	v17 =	vor.u32 s0, v16;
	v16 =	vshll.u32 v7, $0x7  }
0x14d: {  	v16 =	vor.u32 v17, v16;
	_ =	sdelay $0x3  }
0x14e: {  	[tilespmem:$0x1FDC0] =	vst v17;
	v17 =	vshll.u32 v17, $0x7  }
0x14f: {  	v7 =	vor.u32 v7, v17;
	v61 =	vld.idx.msk [tilespmem:v16+s28+$0x0], $0xffff;
	_ =	sdelay $0x4  }
0x150: {  	[tilespmem:v7+s30+$0x0] =	vst.idx.msk $0xffff, v61  }
0x151: {  	v7 =	vor.u32 s22, v58;
	v58 =	vld.idx.msk [tilespmem:v16+s29+$0x0], $0xffff  }
0x152: {  	v16 =	vld [tilespmem:$0x1FDC0];
	_ =	sdelay $0x2  }
0x153: {  	v59 =	vor.u32 s22, v17  }
0x154: {  	v61 =	vor.u32 v18, v59;
	v18 =	vshll.u32 v7, $0x7  }
0x155: {  	v18 =	vor.u32 v16, v18;
	_ =	sdelay $0x3  }
0x156: {  	[tilespmem:v61+s30+$0x0] =	vst.idx.msk $0xffff, v58  }
0x157: {  	v7 =	vor.u32 v7, v17;
	v58 =	vld.idx.msk [tilespmem:v18+s28+$0x0], $0xffff;
	_ =	sdelay $0x4  }
0x158: {  	[tilespmem:v7+s30+$0x0] =	vst.idx.msk $0xffff, v58;
	v7 =	vor.u32 s22, v35  }
0x159: {  	v61 =	vmov v17;
	v17 =	vor.u32 v31, v59;
	v58 =	vld.idx.msk [tilespmem:v18+s29+$0x0], $0xffff;
	v18 =	vshll.u32 v7, $0x7  }
0x15a: {  	v18 =	vor.u32 v16, v18;
	_ =	sdelay $0x3  }
0x15b: {  	[tilespmem:v17+s30+$0x0] =	vst.idx.msk $0xffff, v58  }
0x15c: {  	v31 =	vmov v16;
	v7 =	vor.u32 v7, v61;
	v16 =	vld.idx.msk [tilespmem:v18+s28+$0x0], $0xffff;
	_ =	sdelay $0x2  }
0x15d: {  	[tilespmem:v6+s30+$0x0] =	vst.idx.msk $0xffff, v5;
	v5 =	vor.u32 s21, v32  }
0x15e: {  	v6 =	vshll.u32 v5, $0x7  }
0x15f: {  	v35 =	vmov v59;
	v59 =	vld.idx.msk [tilespmem:v3+s29+$0x0], $0xffff;
	v17 =	vor.u32 v22, v51;
	[tilespmem:v7+s30+$0x0] =	vst.idx.msk $0xffff, v16;
	v7 =	vor.u32 s22, v32  }
0x160: {  	v6 =	vor.u32 v49, v6;
	v58 =	vor.u32 v22, v35;
	v16 =	vld.idx.msk [tilespmem:v18+s29+$0x0], $0xffff;
	v18 =	vshll.u32 v7, $0x7  }
0x161: {  	v18 =	vor.u32 v31, v18;
	_ =	sdelay $0x2  }
0x162: {  	[tilespmem:v17+s30+$0x0] =	vst.idx.msk $0xffff, v59  }
0x163: {  	v5 =	vor.u32 v5, v50;
	v17 =	vld.idx.msk [tilespmem:v6+s28+$0x0], $0xffff;
	[tilespmem:v58+s30+$0x0] =	vst.idx.msk $0xffff, v16  }
0x164: {  	v7 =	vor.u32 v7, v61;
	v3 =	vld.idx.msk [tilespmem:v18+s28+$0x0], $0xffff;
	_ =	sdelay $0x3  }
0x165: {  	[tilespmem:v5+s30+$0x0] =	vst.idx.msk $0xffff, v17;
	v5 =	vor.u32 s21, v60  }
0x166: {  	v32 =	vor.u32 s22, v60;
	v17 =	vor.u32 v56, v51;
	v6 =	vld.idx.msk [tilespmem:v6+s29+$0x0], $0xffff;
	v16 =	vshll.u32 v5, $0x7;
	[tilespmem:v7+s30+$0x0] =	vst.idx.msk $0xffff, v3  }
0x167: {  	v60 =	vor.u32 v56, v35;
	v7 =	vor.u32 v49, v16;
	v16 =	vld.idx.msk [tilespmem:v18+s29+$0x0], $0xffff;
	v18 =	vshll.u32 v32, $0x7  }
0x168: {  	v18 =	vor.u32 v31, v18;
	_ =	sdelay $0x2  }
0x169: {  	[tilespmem:v17+s30+$0x0] =	vst.idx.msk $0xffff, v6  }
0x16a: {  	v5 =	vor.u32 v5, v50;
	v6 =	vld.idx.msk [tilespmem:v7+s28+$0x0], $0xffff;
	[tilespmem:v60+s30+$0x0] =	vst.idx.msk $0xffff, v16  }
0x16b: {  	v3 =	vor.u32 v32, v61;
	v16 =	vld.idx.msk [tilespmem:v18+s28+$0x0], $0xffff;
	_ =	sdelay $0x3  }
0x16c: {  	[tilespmem:v5+s30+$0x0] =	vst.idx.msk $0xffff, v6;
	v5 =	vor.u32 s21, v34  }
0x16d: {  	v17 =	vor.u32 v28, v51;
	v32 =	vor.u32 s22, v34;
	v6 =	vld.idx.msk [tilespmem:v7+s29+$0x0], $0xffff;
	v7 =	vshll.u32 v5, $0x7;
	[tilespmem:v3+s30+$0x0] =	vst.idx.msk $0xffff, v16  }
0x16e: {  	v34 =	vor.u32 v28, v35;
	v7 =	vor.u32 v49, v7;
	v16 =	vld.idx.msk [tilespmem:v18+s29+$0x0], $0xffff;
	v18 =	vshll.u32 v32, $0x7  }
0x16f: {  	[tilespmem:v4+s30+$0x0] =	vst.idx.msk $0xffff, v2;
	v18 =	vor.u32 v31, v18  }
0x170: {  	v1 =	vor.u32 v1, v46;
	v2 =	vld.idx.msk [tilespmem:v24+s28+$0x0], $0xffff;
	_ =	sdelay $0x1  }
0x171: {  	[tilespmem:v17+s30+$0x0] =	vst.idx.msk $0xffff, v6  }
0x172: {  	v5 =	vor.u32 v5, v50;
	v4 =	vld.idx.msk [tilespmem:v7+s28+$0x0], $0xffff;
	[tilespmem:v34+s30+$0x0] =	vst.idx.msk $0xffff, v16  }
0x173: {  	v3 =	vor.u32 v32, v61;
	v6 =	vld.idx.msk [tilespmem:v18+s28+$0x0], $0xffff  }
0x174: {  	[tilespmem:v1+s30+$0x0] =	vst.idx.msk $0xffff, v2;
	v60 =	vor.u32 s20, v27  }
0x175: {  	v2 =	vld.idx.msk [tilespmem:v24+s29+$0x0], $0xffff;
	v17 =	vor.u32 v30, v47;
	v16 =	vshll.u32 v60, $0x7  }
0x176: {  	v16 =	vor.u32 v48, v16  }
0x177: {  	[tilespmem:v5+s30+$0x0] =	vst.idx.msk $0xffff, v4;
	v4 =	vor.u32 s21, v27  }
0x178: {  	v24 =	vor.u32 v30, v51;
	v32 =	vor.u32 s22, v27;
	v5 =	vld.idx.msk [tilespmem:v7+s29+$0x0], $0xffff;
	v7 =	vshll.u32 v4, $0x7;
	[tilespmem:v3+s30+$0x0] =	vst.idx.msk $0xffff, v6  }
0x179: {  	v34 =	vor.u32 v30, v35;
	v6 =	vor.u32 v49, v7;
	v7 =	vld.idx.msk [tilespmem:v18+s29+$0x0], $0xffff;
	v18 =	vshll.u32 v32, $0x7  }
0x17a: {  	[tilespmem:v17+s30+$0x0] =	vst.idx.msk $0xffff, v2;
	v18 =	vor.u32 v31, v18  }
0x17b: {  	v1 =	vor.u32 v60, v46;
	v2 =	vld.idx.msk [tilespmem:v16+s28+$0x0], $0xffff;
	_ =	sdelay $0x1  }
0x17c: {  	[tilespmem:v24+s30+$0x0] =	vst.idx.msk $0xffff, v5  }
0x17d: {  	v4 =	vor.u32 v4, v50;
	v5 =	vld.idx.msk [tilespmem:v6+s28+$0x0], $0xffff;
	[tilespmem:v34+s30+$0x0] =	vst.idx.msk $0xffff, v7  }
0x17e: {  	[tilespmem:v0+s30+$0x0] =	vst.idx.msk $0xffff, v62;
	v3 =	vor.u32 v32, v61;
	v7 =	vld.idx.msk [tilespmem:v18+s28+$0x0], $0xffff  }
0x17f: {  	v17 =	vshll.u32 v23, $0x7;
	[tilespmem:v1+s30+$0x0] =	vst.idx.msk $0xffff, v2;
	v1 =	vor.u32 s20, v26  }
0x180: {  	v24 =	vor.u32 v57, v47;
	v2 =	vor.u32 v43, v17;
	v16 =	vld.idx.msk [tilespmem:v16+s29+$0x0], $0xffff;
	v17 =	vshll.u32 v1, $0x7  }
0x181: {  	v0 =	vld.idx.msk [tilespmem:v19+s29+$0x0], $0xffff;
	v19 =	vor.u32 v25, v44;
	v17 =	vor.u32 v48, v17  }
0x182: {  	[tilespmem:v4+s30+$0x0] =	vst.idx.msk $0xffff, v5;
	v4 =	vor.u32 s21, v26  }
0x183: {  	v59 =	vor.u32 v57, v51;
	v56 =	vor.u32 s22, v26;
	v5 =	vld.idx.msk [tilespmem:v6+s29+$0x0], $0xffff;
	v6 =	vshll.u32 v4, $0x7;
	[tilespmem:v3+s30+$0x0] =	vst.idx.msk $0xffff, v7  }
0x184: {  	v58 =	vor.u32 v57, v35;
	v6 =	vor.u32 v49, v6;
	v7 =	vld.idx.msk [tilespmem:v18+s29+$0x0], $0xffff;
	v18 =	vshll.u32 v56, $0x7  }
0x185: {  	[tilespmem:v24+s30+$0x0] =	vst.idx.msk $0xffff, v16;
	v34 =	vor.u32 v31, v18  }
0x186: {  	[tilespmem:v19+s30+$0x0] =	vst.idx.msk $0xffff, v0;
	v1 =	vor.u32 v1, v46;
	v16 =	vld.idx.msk [tilespmem:v17+s28+$0x0], $0xffff  }
0x187: {  	v19 =	vor.u32 v23, v42;
	v18 =	vld.idx.msk [tilespmem:v2+s28+$0x0], $0xffff  }
0x188: {  	[tilespmem:v59+s30+$0x0] =	vst.idx.msk $0xffff, v5  }
0x189: {  	v4 =	vor.u32 v4, v50;
	v5 =	vld.idx.msk [tilespmem:v6+s28+$0x0], $0xffff;
	[tilespmem:v58+s30+$0x0] =	vst.idx.msk $0xffff, v7  }
0x18a: {  	v3 =	vor.u32 v56, v61;
	v7 =	vld.idx.msk [tilespmem:v34+s28+$0x0], $0xffff  }
0x18b: {  	v24 =	vor.u32 s20, v29;
	[tilespmem:v1+s30+$0x0] =	vst.idx.msk $0xffff, v16  }
0x18c: {  	v16 =	vld.idx.msk [tilespmem:v17+s29+$0x0], $0xffff;
	v17 =	vshll.u32 v24, $0x7;
	[tilespmem:v19+s30+$0x0] =	vst.idx.msk $0xffff, v18;
	v18 =	vor.u32 s2, v52  }
0x18d: {  	v19 =	vor.u32 v21, v44;
	v17 =	vor.u32 v48, v17;
	v2 =	vld.idx.msk [tilespmem:v2+s29+$0x0], $0xffff;
	v23 =	vshll.u32 v18, $0x7  }
0x18e: {  	v59 =	vor.u32 s21, v29;
	v1 =	vor.u32 v43, v23;
	v23 =	vor.u32 v25, v47;
	[tilespmem:v4+s30+$0x0] =	vst.idx.msk $0xffff, v5  }
0x18f: {  	v58 =	vor.u32 s22, v29;
	v5 =	vshll.u32 v59, $0x7;
	v4 =	vld.idx.msk [tilespmem:v6+s29+$0x0], $0xffff;
	v6 =	vor.u32 v25, v51;
	[tilespmem:v3+s30+$0x0] =	vst.idx.msk $0xffff, v7  }
0x190: {  	v60 =	vor.u32 v49, v5;
	v5 =	vshll.u32 v58, $0x7;
	v7 =	vor.u32 v25, v35;
	v0 =	vld.idx.msk [tilespmem:v34+s29+$0x0], $0xffff  }
0x191: {  	v34 =	vor.u32 v31, v5  }
0x192: {  	[tilespmem:v19+s30+$0x0] =	vst.idx.msk $0xffff, v2  }
0x193: {  	[tilespmem:v23+s30+$0x0] =	vst.idx.msk $0xffff, v16;
	v5 =	vld.idx.msk [tilespmem:v1+s28+$0x0], $0xffff;
	v16 =	vor.u32 v18, v42  }
0x194: {  	v19 =	vor.u32 v24, v46;
	v18 =	vld.idx.msk [tilespmem:v17+s28+$0x0], $0xffff;
	[tilespmem:v6+s30+$0x0] =	vst.idx.msk $0xffff, v4  }
0x195: {  	v6 =	vor.u32 v59, v50;
	v4 =	vld.idx.msk [tilespmem:v60+s28+$0x0], $0xffff;
	[tilespmem:v7+s30+$0x0] =	vst.idx.msk $0xffff, v0  }
0x196: {  	v7 =	vor.u32 v58, v61;
	v0 =	vld.idx.msk [tilespmem:v34+s28+$0x0], $0xffff  }
0x197: {  	v13 =	vor.u32 v13, v39;
	[tilespmem:v20+s30+$0x0] =	vst.idx.msk $0xffff, v14  }
0x198: {  	[tilespmem:v16+s30+$0x0] =	vst.idx.msk $0xffff, v5  }
0x199: {  	v16 =	vor.u32 v53, v44;
	v1 =	vld.idx.msk [tilespmem:v1+s29+$0x0], $0xffff;
	[tilespmem:v19+s30+$0x0] =	vst.idx.msk $0xffff, v18  }
0x19a: {  	v19 =	vor.u32 v21, v47;
	v17 =	vld.idx.msk [tilespmem:v17+s29+$0x0], $0xffff;
	[tilespmem:v6+s30+$0x0] =	vst.idx.msk $0xffff, v4;
	v4 =	vor.u32 s21, v52  }
0x19b: {  	v6 =	vor.u32 v21, v51;
	v3 =	vld.idx.msk [tilespmem:v60+s29+$0x0], $0xffff;
	v23 =	vshll.u32 v4, $0x7;
	[tilespmem:v7+s30+$0x0] =	vst.idx.msk $0xffff, v0  }
0x19c: {  	[tilespmem:v13+s30+$0x0] =	vst.idx.msk $0xffff, v15;
	v7 =	vor.u32 v49, v23;
	v23 =	vor.u32 v21, v35;
	v2 =	vld.idx.msk [tilespmem:v34+s29+$0x0], $0xffff  }
0x19d: {  	[tilespmem:v12+s30+$0x0] =	vst.idx.msk $0xffff, v11;
	v5 =	vor.u32 s2, v54  }
0x19e: {  	v18 =	vor.u32 s20, v52;
	v14 =	vshll.u32 v5, $0x7;
	[tilespmem:v16+s30+$0x0] =	vst.idx.msk $0xffff, v1  }
0x19f: {  	v20 =	vshll.u32 v18, $0x7;
	v14 =	vor.u32 v43, v14;
	[tilespmem:v19+s30+$0x0] =	vst.idx.msk $0xffff, v17  }
0x1a0: {  	v20 =	vor.u32 v48, v20;
	v60 =	vor.u32 s22, v52;
	[tilespmem:v6+s30+$0x0] =	vst.idx.msk $0xffff, v3  }
0x1a1: {  	v24 =	vshll.u32 v60, $0x7;
	[tilespmem:v23+s30+$0x0] =	vst.idx.msk $0xffff, v2  }
0x1a2: {  	v13 =	vor.u32 v31, v24;
	v22 =	vld [tilespmem:$0x1FF30]  }
0x1a3: {  	v15 =	vor.u32 v55, v40;
	v10 =	vld.idx.msk [tilespmem:v10+s29+$0x0], $0xffff  }
0x1a4: {  	v5 =	vor.u32 v5, v42;
	v34 =	vld.idx.msk [tilespmem:v14+s28+$0x0], $0xffff  }
0x1a5: {  	v16 =	vor.u32 v18, v46;
	v62 =	vld.idx.msk [tilespmem:v20+s28+$0x0], $0xffff  }
0x1a6: {  	v4 =	vor.u32 v4, v50;
	v6 =	vld.idx.msk [tilespmem:v7+s28+$0x0], $0xffff  }
0x1a7: {  	v0 =	vor.u32 v60, v61;
	v56 =	vld.idx.msk [tilespmem:v13+s28+$0x0], $0xffff;
	v2 =	vor.u32 s3, v22  }
0x1a8: {  	[tilespmem:v15+s30+$0x0] =	vst.idx.msk $0xffff, v10;
	v12 =	vshll.u32 v2, $0x7  }
0x1a9: {  	v28 =	vmov v57;
	v57 =	vld.idx.msk [tilespmem:v9+s29+$0x0], $0xffff;
	v9 =	vadd.s32 $0x4F, v33;
	[tilespmem:v5+s30+$0x0] =	vst.idx.msk $0xffff, v34;
	v12 =	vor.u32 v41, v12  }
0x1aa: {  	[tilespmem:v16+s30+$0x0] =	vst.idx.msk $0xffff, v62;
	v16 =	vor.u32 v9, v45  }
0x1ab: {  	v5 =	vor.u32 v53, v47;
	v33 =	vld.idx.msk [tilespmem:v20+s29+$0x0], $0xffff;
	[tilespmem:v4+s30+$0x0] =	vst.idx.msk $0xffff, v6;
	v4 =	vor.u32 s21, v54  }
0x1ac: {  	v58 =	vor.u32 s20, v54;
	v6 =	vld.idx.msk [tilespmem:v7+s29+$0x0], $0xffff;
	v7 =	vor.u32 v53, v51;
	v17 =	vshll.u32 v4, $0x7;
	[tilespmem:v0+s30+$0x0] =	vst.idx.msk $0xffff, v56  }
0x1ad: {  	v15 =	vshll.u32 v58, $0x7;
	v11 =	vor.u32 v49, v17;
	v17 =	vor.u32 v53, v35;
	v13 =	vld.idx.msk [tilespmem:v13+s29+$0x0], $0xffff  }
0x1ae: {  	v15 =	vor.u32 v48, v15;
	v2 =	vor.u32 v2, v39;
	v19 =	vld.idx.msk [tilespmem:v12+s28+$0x0], $0xffff  }
0x1af: {  	v14 =	vld.idx.msk [tilespmem:v14+s29+$0x0], $0xffff;
	v45 =	vor.u32 v55, v44;
	[tilespmem:v16+s30+$0x0] =	vst.idx.msk $0xffff, v57  }
0x1b0: {  	[tilespmem:v5+s30+$0x0] =	vst.idx.msk $0xffff, v33  }
0x1b1: {  	v34 =	vor.u32 s22, v54;
	[tilespmem:v7+s30+$0x0] =	vst.idx.msk $0xffff, v6  }
0x1b2: {  	v18 =	vshll.u32 v34, $0x7;
	[tilespmem:v17+s30+$0x0] =	vst.idx.msk $0xffff, v13  }
0x1b3: {  	v59 =	vmov v53;
	v18 =	vor.u32 v31, v18;
	v53 =	vld.idx.msk [tilespmem:v15+s28+$0x0], $0xffff;
	[tilespmem:v2+s30+$0x0] =	vst.idx.msk $0xffff, v19  }
0x1b4: {  	v0 =	vor.u32 v34, v61;
	v34 =	vld [tilespmem:$0x1FDF0];
	[tilespmem:v45+s30+$0x0] =	vst.idx.msk $0xffff, v14  }
0x1b5: {  	v1 =	vor.u32 v58, v46;
	v20 =	vor.u32 s2, v22;
	v56 =	vld [tilespmem:$0x1FF20]  }
0x1b6: {  	v5 =	vshll.u32 v20, $0x7  }
0x1b7: {  	v4 =	vor.u32 v4, v50;
	v5 =	vor.u32 v43, v5;
	v6 =	vld.idx.msk [tilespmem:v11+s28+$0x0], $0xffff  }
0x1b8: {  	v62 =	vld.idx.msk [tilespmem:v18+s28+$0x0], $0xffff  }
0x1b9: {  	v17 =	vor.u32 v20, v42;
	v7 =	vor.u32 s3, v34  }
0x1ba: {  	v12 =	vld.idx.msk [tilespmem:v12+s29+$0x0], $0xffff;
	v45 =	vor.u32 s20, v22;
	[tilespmem:v1+s30+$0x0] =	vst.idx.msk $0xffff, v53;
	v33 =	vor.u32 v56, v40;
	v13 =	vshll.u32 v7, $0x7  }
0x1bb: {  	v16 =	vshll.u32 v45, $0x7;
	v10 =	vor.u32 v41, v13;
	v13 =	vld.idx.msk [tilespmem:v15+s29+$0x0], $0xffff;
	v15 =	vor.u32 v55, v47  }
0x1bc: {  	v14 =	vld.idx.msk [tilespmem:v5+s28+$0x0], $0xffff;
	[tilespmem:v4+s30+$0x0] =	vst.idx.msk $0xffff, v6;
	v4 =	vor.u32 s21, v22;
	v16 =	vor.u32 v48, v16  }
0x1bd: {  	v53 =	vor.u32 v55, v51;
	[tilespmem:v0+s30+$0x0] =	vst.idx.msk $0xffff, v62;
	v6 =	vld.idx.msk [tilespmem:v11+s29+$0x0], $0xffff;
	v19 =	vshll.u32 v4, $0x7  }
0x1be: {  	v18 =	vld.idx.msk [tilespmem:v18+s29+$0x0], $0xffff;
	v58 =	vor.u32 v49, v19;
	v19 =	vor.u32 v55, v35  }
0x1bf: {  	v8 =	vor.u32 v8, v37;
	v57 =	vor.u32 s22, v22;
	[tilespmem:v33+s30+$0x0] =	vst.idx.msk $0xffff, v12;
	v33 =	vld.idx.msk [tilespmem:v63+s28+$0x0], $0xffff  }
0x1c0: {  	v20 =	vshll.u32 v57, $0x7;
	v7 =	vor.u32 v7, v39;
	[tilespmem:v15+s30+$0x0] =	vst.idx.msk $0xffff, v13;
	v13 =	vld.idx.msk [tilespmem:v10+s28+$0x0], $0xffff  }
0x1c1: {  	v1 =	vor.u32 v45, v46;
	[tilespmem:v17+s30+$0x0] =	vst.idx.msk $0xffff, v14;
	v12 =	vor.u32 v31, v20;
	v14 =	vld.idx.msk [tilespmem:v16+s28+$0x0], $0xffff  }
0x1c2: {  	v5 =	vld.idx.msk [tilespmem:v5+s29+$0x0], $0xffff;
	[tilespmem:v53+s30+$0x0] =	vst.idx.msk $0xffff, v6;
	v15 =	vor.u32 v56, v44  }
0x1c3: {  	[tilespmem:v19+s30+$0x0] =	vst.idx.msk $0xffff, v18  }
0x1c4: {  	[tilespmem:v8+s30+$0x0] =	vst.idx.msk $0xffff, v33  }
0x1c5: {  	v6 =	vld.idx.msk [tilespmem:v58+s28+$0x0], $0xffff;
	[tilespmem:v7+s30+$0x0] =	vst.idx.msk $0xffff, v13  }
0x1c6: {  	v4 =	vor.u32 v4, v50;
	v8 =	vld.idx.msk [tilespmem:v12+s28+$0x0], $0xffff;
	[tilespmem:v1+s30+$0x0] =	vst.idx.msk $0xffff, v14  }
0x1c7: {  	v32 =	vmov v25;
	v25 =	vld [tilespmem:$0x1FDD0];
	[tilespmem:v15+s30+$0x0] =	vst.idx.msk $0xffff, v5  }
0x1c8: {  	v0 =	vor.u32 v57, v61;
	v24 =	vld [tilespmem:$0x1FDE0];
	_ =	sdelay $0x1  }
0x1c9: {  	v45 =	vor.u32 s2, v34  }
0x1ca: {  	v7 =	vshll.u32 v45, $0x7;
	v14 =	vor.u32 v56, v47;
	v5 =	vld.idx.msk [tilespmem:v16+s29+$0x0], $0xffff;
	[tilespmem:v4+s30+$0x0] =	vst.idx.msk $0xffff, v6;
	v4 =	vor.u32 s21, v34  }
0x1cb: {  	v7 =	vor.u32 v43, v7;
	v6 =	vor.u32 v56, v51;
	v2 =	vld.idx.msk [tilespmem:v58+s29+$0x0], $0xffff;
	v17 =	vshll.u32 v4, $0x7  }
0x1cc: {  	v53 =	vld.idx.msk [tilespmem:v63+s29+$0x0], $0xffff;
	[tilespmem:v0+s30+$0x0] =	vst.idx.msk $0xffff, v8;
	v8 =	vor.u32 v49, v17;
	v16 =	vor.u32 v24, v36  }
0x1cd: {  	v62 =	vor.u32 s20, v34  }
0x1ce: {  	v15 =	vshll.u32 v62, $0x7;
	v12 =	vld.idx.msk [tilespmem:v12+s29+$0x0], $0xffff  }
0x1cf: {  	v63 =	vor.u32 s22, v34;
	v15 =	vor.u32 v48, v15;
	v17 =	vor.u32 v56, v35;
	v57 =	vld [tilespmem:$0x1FE40];
	[tilespmem:v14+s30+$0x0] =	vst.idx.msk $0xffff, v5  }
0x1d0: {  	v3 =	vor.u32 v45, v42;
	v18 =	vshll.u32 v63, $0x7;
	v14 =	vld.idx.msk [tilespmem:v7+s28+$0x0], $0xffff;
	[tilespmem:v6+s30+$0x0] =	vst.idx.msk $0xffff, v2  }
0x1d1: {  	v18 =	vor.u32 v31, v18;
	v4 =	vor.u32 v4, v50;
	v6 =	vld.idx.msk [tilespmem:v8+s28+$0x0], $0xffff;
	[tilespmem:v16+s30+$0x0] =	vst.idx.msk $0xffff, v53  }
0x1d2: {  	v26 =	vmov v29;
	v29 =	vld [tilespmem:$0x1FE30];
	_ =	sdelay $0x1  }
0x1d3: {  	v1 =	vor.u32 v62, v46;
	v13 =	vor.u32 s31, v25;
	v33 =	vld.idx.msk [tilespmem:v15+s28+$0x0], $0xffff;
	[tilespmem:v17+s30+$0x0] =	vst.idx.msk $0xffff, v12  }
0x1d4: {  	v10 =	vld.idx.msk [tilespmem:v10+s29+$0x0], $0xffff;
	v0 =	vor.u32 v63, v61;
	v19 =	vshll.u32 v13, $0x7;
	[tilespmem:v3+s30+$0x0] =	vst.idx.msk $0xffff, v14  }
0x1d5: {  	v5 =	vor.u32 v38, v19;
	v20 =	vor.u32 v57, v40;
	v45 =	vld.idx.msk [tilespmem:v18+s28+$0x0], $0xffff;
	[tilespmem:v4+s30+$0x0] =	vst.idx.msk $0xffff, v6  }
0x1d6: {  	v14 =	vor.u32 v57, v44;
	v6 =	vld.idx.msk [tilespmem:v8+s29+$0x0], $0xffff;
	v8 =	vor.u32 v57, v51;
	v34 =	vor.u32 s3, v29  }
0x1d7: {  	v7 =	vld.idx.msk [tilespmem:v7+s29+$0x0], $0xffff;
	v53 =	vor.u32 s2, v29;
	v58 =	vor.u32 s20, v29;
	v12 =	vshll.u32 v34, $0x7  }
0x1d8: {  	[tilespmem:v1+s30+$0x0] =	vst.idx.msk $0xffff, v33;
	v4 =	vor.u32 s21, v29;
	v17 =	vshll.u32 v53, $0x7;
	v12 =	vor.u32 v41, v12  }
0x1d9: {  	v15 =	vld.idx.msk [tilespmem:v15+s29+$0x0], $0xffff;
	v63 =	vshll.u32 v4, $0x7;
	v62 =	vor.u32 v43, v17;
	v17 =	vor.u32 v57, v47  }
0x1da: {  	v13 =	vor.u32 v13, v37;
	v19 =	vshll.u32 v58, $0x7;
	[tilespmem:v0+s30+$0x0] =	vst.idx.msk $0xffff, v45;
	v0 =	vor.u32 v49, v63  }
0x1db: {  	v16 =	vld.idx.msk [tilespmem:v5+s28+$0x0], $0xffff;
	[tilespmem:v20+s30+$0x0] =	vst.idx.msk $0xffff, v10;
	v33 =	vor.u32 s22, v29;
	v19 =	vor.u32 v48, v19  }
0x1dc: {  	v20 =	vor.u32 v57, v35;
	v23 =	vshll.u32 v33, $0x7;
	[tilespmem:v14+s30+$0x0] =	vst.idx.msk $0xffff, v7;
	v18 =	vld.idx.msk [tilespmem:v18+s29+$0x0], $0xffff  }
0x1dd: {  	v2 =	vor.u32 v34, v39;
	v14 =	vor.u32 v31, v23;
	[tilespmem:v8+s30+$0x0] =	vst.idx.msk $0xffff, v6;
	v7 =	vld.idx.msk [tilespmem:v12+s28+$0x0], $0xffff  }
0x1de: {  	v3 =	vor.u32 v53, v42;
	[tilespmem:v17+s30+$0x0] =	vst.idx.msk $0xffff, v15;
	v15 =	vld.idx.msk [tilespmem:v62+s28+$0x0], $0xffff  }
0x1df: {  	v4 =	vor.u32 v4, v50;
	v6 =	vld.idx.msk [tilespmem:v0+s28+$0x0], $0xffff  }
0x1e0: {  	[tilespmem:v13+s30+$0x0] =	vst.idx.msk $0xffff, v16;
	v1 =	vor.u32 v58, v46;
	v13 =	vld.idx.msk [tilespmem:v19+s28+$0x0], $0xffff  }
0x1e1: {  	[tilespmem:v20+s30+$0x0] =	vst.idx.msk $0xffff, v18  }
0x1e2: {  	v8 =	vor.u32 v33, v61;
	[tilespmem:v2+s30+$0x0] =	vst.idx.msk $0xffff, v7;
	v7 =	vld.idx.msk [tilespmem:v14+s28+$0x0], $0xffff  }
0x1e3: {  	[tilespmem:v3+s30+$0x0] =	vst.idx.msk $0xffff, v15  }
0x1e4: {  	[tilespmem:v4+s30+$0x0] =	vst.idx.msk $0xffff, v6;
	v45 =	vld.idx.msk [tilespmem:v12+s29+$0x0], $0xffff;
	v12 =	vor.u32 v24, v40  }
0x1e5: {  	v11 =	vld.idx.msk [tilespmem:v62+s29+$0x0], $0xffff;
	[tilespmem:v1+s30+$0x0] =	vst.idx.msk $0xffff, v13;
	v13 =	vor.u32 v24, v44  }
0x1e6: {  	v6 =	vor.u32 v24, v51;
	v0 =	vld.idx.msk [tilespmem:v0+s29+$0x0], $0xffff  }
0x1e7: {  	v17 =	vld.idx.msk [tilespmem:v19+s29+$0x0], $0xffff;
	v19 =	vor.u32 v24, v47;
	[tilespmem:v8+s30+$0x0] =	vst.idx.msk $0xffff, v7  }
0x1e8: {  	v34 =	vor.u32 s3, v25;
	v23 =	vld [tilespmem:$0x1FE10]  }
0x1e9: {  	v53 =	vor.u32 s2, v25;
	v16 =	vshll.u32 v34, $0x7;
	[tilespmem:v12+s30+$0x0] =	vst.idx.msk $0xffff, v45  }
0x1ea: {  	v57 =	vor.u32 s20, v25;
	v15 =	vor.u32 v41, v16;
	v16 =	vshll.u32 v53, $0x7;
	[tilespmem:v13+s30+$0x0] =	vst.idx.msk $0xffff, v11  }
0x1eb: {  	v18 =	vshll.u32 v57, $0x7;
	v4 =	vor.u32 s21, v25;
	v16 =	vor.u32 v43, v16;
	[tilespmem:v6+s30+$0x0] =	vst.idx.msk $0xffff, v0  }
0x1ec: {  	v5 =	vld.idx.msk [tilespmem:v5+s29+$0x0], $0xffff;
	v20 =	vor.u32 s22, v25;
	v18 =	vor.u32 v48, v18;
	v7 =	vshll.u32 v4, $0x7;
	[tilespmem:v19+s30+$0x0] =	vst.idx.msk $0xffff, v17  }
0x1ed: {  	v7 =	vor.u32 v49, v7;
	v12 =	vor.u32 v24, v35;
	v24 =	vld [tilespmem:$0x1FE00];
	v8 =	vor.u32 v23, v36  }
0x1ee: {  	v58 =	vld.idx.msk [tilespmem:v14+s29+$0x0], $0xffff;
	v14 =	vshll.u32 v20, $0x7  }
0x1ef: {  	v2 =	vor.u32 v34, v39;
	v62 =	vld.idx.msk [tilespmem:v15+s28+$0x0], $0xffff;
	v13 =	vor.u32 v31, v14  }
0x1f0: {  	v3 =	vor.u32 v53, v42;
	v14 =	vld.idx.msk [tilespmem:v16+s28+$0x0], $0xffff  }
0x1f1: {  	v1 =	vor.u32 v57, v46;
	v6 =	vld.idx.msk [tilespmem:v18+s28+$0x0], $0xffff  }
0x1f2: {  	v4 =	vor.u32 v4, v50;
	v63 =	vor.u32 s31, v24;
	[tilespmem:v8+s30+$0x0] =	vst.idx.msk $0xffff, v5;
	v8 =	vld.idx.msk [tilespmem:v7+s28+$0x0], $0xffff  }
0x1f3: {  	[tilespmem:v12+s30+$0x0] =	vst.idx.msk $0xffff, v58;
	v12 =	vor.u32 v20, v61;
	v5 =	vshll.u32 v63, $0x7  }
0x1f4: {  	[tilespmem:v2+s30+$0x0] =	vst.idx.msk $0xffff, v62;
	v33 =	vor.u32 s3, v24;
	v5 =	vor.u32 v38, v5;
	v38 =	vld.idx.msk [tilespmem:v13+s28+$0x0], $0xffff  }
0x1f5: {  	v17 =	vor.u32 v23, v44;
	[tilespmem:v3+s30+$0x0] =	vst.idx.msk $0xffff, v14;
	v14 =	vor.u32 v23, v40;
	v34 =	vshll.u32 v33, $0x7  }
0x1f6: {  	v15 =	vld.idx.msk [tilespmem:v15+s29+$0x0], $0xffff;
	[tilespmem:v1+s30+$0x0] =	vst.idx.msk $0xffff, v6;
	v6 =	vor.u32 s20, v24;
	v2 =	vor.u32 v41, v34;
	v41 =	vor.u32 s2, v24  }
0x1f7: {  	v16 =	vld.idx.msk [tilespmem:v16+s29+$0x0], $0xffff;
	v19 =	vor.u32 s21, v24;
	v45 =	vshll.u32 v41, $0x7;
	[tilespmem:v4+s30+$0x0] =	vst.idx.msk $0xffff, v8;
	v4 =	vshll.u32 v6, $0x7  }
0x1f8: {  	v1 =	vor.u32 v43, v45;
	v8 =	vld.idx.msk [tilespmem:v18+s29+$0x0], $0xffff;
	v18 =	vor.u32 v23, v47;
	v4 =	vor.u32 v48, v4  }
0x1f9: {  	v20 =	vor.u32 s22, v24;
	v7 =	vld.idx.msk [tilespmem:v7+s29+$0x0], $0xffff;
	[tilespmem:v12+s30+$0x0] =	vst.idx.msk $0xffff, v38;
	v48 =	vor.u32 v23, v51;
	v12 =	vshll.u32 v19, $0x7  }
0x1fa: {  	v24 =	vshll.u32 v20, $0x7;
	v23 =	vor.u32 v23, v35;
	v12 =	vor.u32 v49, v12;
	v13 =	vld.idx.msk [tilespmem:v13+s29+$0x0], $0xffff  }
0x1fb: {  	v0 =	vor.u32 v63, v37;
	[tilespmem:v14+s30+$0x0] =	vst.idx.msk $0xffff, v15;
	v14 =	vor.u32 v31, v24;
	v15 =	vld.idx.msk [tilespmem:v5+s28+$0x0], $0xffff  }
0x1fc: {  	v10 =	vor.u32 v33, v39;
	[tilespmem:v17+s30+$0x0] =	vst.idx.msk $0xffff, v16;
	v16 =	vld.idx.msk [tilespmem:v2+s28+$0x0], $0xffff  }
0x1fd: {  	v3 =	vor.u32 v41, v42;
	[tilespmem:v18+s30+$0x0] =	vst.idx.msk $0xffff, v8;
	v8 =	vld.idx.msk [tilespmem:v1+s28+$0x0], $0xffff  }
0x1fe: {  	v6 =	vor.u32 v6, v46;
	[tilespmem:v48+s30+$0x0] =	vst.idx.msk $0xffff, v7;
	v7 =	vld.idx.msk [tilespmem:v4+s28+$0x0], $0xffff  }
0x1ff: {  	v53 =	vor.u32 v19, v50;
	[tilespmem:v23+s30+$0x0] =	vst.idx.msk $0xffff, v13;
	v13 =	vld.idx.msk [tilespmem:v12+s28+$0x0], $0xffff  }
0x200: {  	v57 =	vor.u32 v20, v61;
	[tilespmem:v0+s30+$0x0] =	vst.idx.msk $0xffff, v15;
	v15 =	vld.idx.msk [tilespmem:v14+s28+$0x0], $0xffff  }
0x201: {  	v58 =	vor.u32 v9, v36;
	[tilespmem:v10+s30+$0x0] =	vst.idx.msk $0xffff, v16;
	v5 =	vld.idx.msk [tilespmem:v5+s29+$0x0], $0xffff  }
0x202: {  	v61 =	vor.u32 v9, v40;
	v2 =	vld.idx.msk [tilespmem:v2+s29+$0x0], $0xffff;
	[tilespmem:v3+s30+$0x0] =	vst.idx.msk $0xffff, v8  }
0x203: {  	[tilespmem:v6+s30+$0x0] =	vst.idx.msk $0xffff, v7;
	v1 =	vld.idx.msk [tilespmem:v1+s29+$0x0], $0xffff;
	v6 =	vor.u32 v9, v44  }
0x204: {  	v7 =	vor.u32 v9, v47;
	[tilespmem:v53+s30+$0x0] =	vst.idx.msk $0xffff, v13;
	v4 =	vld.idx.msk [tilespmem:v4+s29+$0x0], $0xffff  }
0x205: {  	v8 =	vor.u32 v9, v51;
	[tilespmem:v57+s30+$0x0] =	vst.idx.msk $0xffff, v15;
	v62 =	vld.idx.msk [tilespmem:v12+s29+$0x0], $0xffff  }
0x206: {  	[tilespmem:v58+s30+$0x0] =	vst.idx.msk $0xffff, v5;
	v5 =	vor.u32 v9, v35;
	v63 =	vld.idx.msk [tilespmem:v14+s29+$0x0], $0xffff  }
0x207: {  	[tilespmem:v61+s30+$0x0] =	vst.idx.msk $0xffff, v2  }
0x208: {  	s0 =	sadd.s32 s6, s24;
	[tilespmem:v6+s30+$0x0] =	vst.idx.msk $0xffff, v1  }
0x209: {  	s2 =	sshll.u32 s0, $0xB;
	[tilespmem:v7+s30+$0x0] =	vst.idx.msk $0xffff, v4  }
0x20a: {  	p2 =	sge.u32 s24, s12;
	s22 =	sand.u32 $0x1FFFF800, s2;
	[tilespmem:v8+s30+$0x0] =	vst.idx.msk $0xffff, v62  }
0x20b: {  	s31 =	sadd.s32 $0x3, s26;
	s0 =	sshll.u32 @!p2 s0, $0x8;
	s3 =	sadd.s32 s4, s22;
	[tilespmem:v5+s30+$0x0] =	vst.idx.msk $0xffff, v63  }
0x20c: {  	[hbm4b:s3+s5] =	stream.linear.scatter [tilespmem:s30], [sflag:s31], $0x4000, $0x38;
	[tilespmem:$0x10000] =	vst v63  }
0x20d: {  	s9 =	simm.s32 @!p2 $0x7A1400;
	s0 =	sadd.s32 @!p2 s0, s13;
	s3 =	simm.s32 @!p2 $0x400  }
0x20e: {  	[tilespmem:s28], [sflag:s25] =	stream.strided.gather @!p2 [hbm4b:s0+s3], $0x2000, s9, s3, $0x38;
	[tilespmem:$0x10000] =	vst v63  }
0x20f: {  	v58 =	vld [tilespmem:$0x1FFA0];
	s0 =	sshrl.u32 @!p2 s2, $0x3  }
0x210: {  	v37 =	vld [tilespmem:$0x1FF50];
	s0 =	sadd.s32 @!p2 s1, s0  }
0x211: {  	s24 =	sadd.s32 $0x1, s24;
	v38 =	vld [tilespmem:$0x1FF40];
	s0 =	sadd.s32 @!p2 $0x280, s0  }
0x212: {  	v50 =	vld [tilespmem:$0x1FF70];
	[tilespmem:s29], [sflag:s25] =	stream.strided.gather @!p2 [hbm4b:s0+s3], $0x2000, s9, s3, $0x38  }
0x213: {  	v51 =	vld [tilespmem:$0x1FF60];
	p2 =	sne.s32 s24, s7  }
.Ltmp1:
0x214: {  	v7 =	vld [tilespmem:$0x1FF90];
	(pc) =	sbr.rel @p2 .LBB2_2-.Ltmp1, $4  }
0x215: {  	v49 =	vld [tilespmem:$0x1FF80]  }
0x216: {  	v16 =	vld [tilespmem:$0x1FFC0]  }
0x217: {  	v60 =	vlaneseq.u32;
	v33 =	vmov v55;
	v31 =	vmov v21;
	v34 =	vld [tilespmem:$0x1FFB0]  }
0x218: {  	v35 =	vmovc v32;
	v13 =	vmovc v26;
	v53 =	vmov v54;
	v12 =	vmov v28;
	v62 =	vmov v52;
	v25 =	vld [tilespmem:$0x1FFD0]  }
0x219: {  	_ =	swait.ge [sflag:s14], $0x4000  }
0x21a: {  	[sflag:s14] =	ssyncset.done $0x0  }
0x21b: {  	[sflag:s14] =	ssyncadd.s32 $0xFFFFC000  }
0x21c: {  	_ =	swait.ge [sflag:s15], $0x4000  }
0x21d: {  	s0 =	stileid.u32;
	[sflag:s15] =	ssyncset.done $0x0  }
0x21e: {  	s23 =	sadd.s32 $0x1, s23;
	s0 =	sshll.u32 @!p1 s0, $0x6;
	[sflag:s15] =	ssyncadd.s32 $0xFFFFC000  }
0x21f: {  	p2 =	sne.s32 s23, s17;
	s0 =	sor.u32 @!p1 $0x1C05, s0;
	s2 =	rddreg [dreg:$0x1]  }
0x220: {  	[hbm:s16], [sflag:s0] =	dma.local @!p1 [hbm:s2], $0x400  }
.Ltmp2:
0x221: {  	_ = 	snop;
	(pc) =	sbr.rel @p2 .LBB2_1-.Ltmp2, $4  }
0x222: {  	s0 =	simm.s32 @!p1 $0x5  }
0x223: {  	_ =	swait.ge @!p1 [sflag:s0], $0x400  }
0x224: {  	[sflag:s0] =	ssyncset.done @!p1 $0x0  }
0x225: {  	[sflag:s0] =	ssyncadd.s32 @!p1 $0xFFFFFC00  }
0x226: {  	_ =	sfence.sel $0x180000  }
0x227: {  	[bflag:$0x0] =	sbarrier.arrive $0xFFFF  }
0x228: {  	_ =	strace $0x90000047  }
0x229: {  	[bflag:$0x2] =	sbarrier.arrive $0xFFFF  }
0x22a: {  	s0 =	rddreg [dreg:$0x3]  }
0x22b: {  	s0 =	sadd.s32 @!p0 $0x100000, s0  }
0x22c: {  	[sflag:s0] =	ssyncadd.tile.s32 @!p0 $0x1;
	_ =	shalt  }
.Lfunc_end2:
_tile_overlayer_lowered:
.L_overlay_start_2:
0x22d: {  	(tag) =	ssettag $0x2  }
0x22e: {  	s0 =	rddreg [dreg:$0x0];
	s2 =	stileid.u32  }
0x22f: {  	s1 =	rddreg [dreg:$0x1];
	p0 =	sne.s32 s2, $0x0  }
0x230: {  	s3 =	rddreg [dreg:$0x2];
	[bflag:$0x3] =	sbarrier.arrive $0xFFFF;
	s2 =	simm.s32 @!p0 $0x1C05  }
0x231: {  	[timem:s3], [sflag:s2] =	dma.local @!p0 [hbm:s0], s1  }
0x232: {  	s0 =	simm.s32 @!p0 $0x5  }
0x233: {  	_ =	swait.ge @!p0 [sflag:s0], s1  }
0x234: {  	s1 =	ssub.s32 @!p0 $0x0, s1;
	[sflag:s0] =	ssyncset.done @!p0 $0x0  }
0x235: {  	[sflag:s0] =	ssyncadd.s32 @!p0 s1  }
0x236: {  	[bflag:$0x3] =	sbarrier.arrive $0xFFFF  }
0x237: {  	_ =	shalt  }

</sc_bundles>
